<compile_context>
chip_gen: v7x
topology: tpu7x:2x2x1
jax: 0.10.2.dev20260603
libtpu: 0.0.44.dev20260713+nightly
codegen_flags: <defaults>
</compile_context>

<pallas_src>
import functools

import jax
import jax.numpy as jnp
from jax import lax
from jax.experimental import pallas as pl
from jax.experimental.pallas import tpu as pltpu
from jax.experimental.pallas import tpu_sc as plsc

NV = 10000
D = 128
NNZ = 320000
TR = 10240
NT = 16
B = 128
GC = 79
SPC = GC * B
P = 32 * SPC
GD = 158
SPD = GD * B
ROWS_PT = TR // NT
WB = ROWS_PT // B
DUMP = 10000
BLK = 2048

_mesh = plsc.VectorSubcoreMesh(core_axis_name="c", subcore_axis_name="s")


def _zero_rows(buf, nrows, ncols):
    z = jnp.zeros((16,), jnp.float32)

    def body(r, _):
        for l in range(ncols // 16):
            buf[r, pl.ds(l * 16, 16)] = z
        return 0

    lax.fori_loop(0, nrows, body, 0)


@functools.partial(
    pl.kernel,
    out_type=jax.ShapeDtypeStruct((2 * TR,), jnp.float32),
    mesh=_mesh,
    scratch_types=[
        pltpu.VMEM((B,), jnp.int32),
        pltpu.VMEM((B,), jnp.float32),
        pltpu.VMEM_SHARED((TR,), jnp.float32),
        pltpu.SemaphoreType.DMA,
    ],
)
def _deg_kernel(didx, deg_out, idx_v, ones_v, acc, sem):
    c = lax.axis_index("c")
    t = lax.axis_index("s")
    base_r = t * ROWS_PT

    def fill(val):
        v = jnp.full((16,), val, jnp.float32)

        def body(i, _):
            ones_v[pl.ds(i * 16, 16)] = v
            return 0

        lax.fori_loop(0, B // 16, body, 0)

    fill(0.0)
    for k in range(WB):
        pltpu.sync_copy(ones_v, acc.at[pl.ds(base_r + k * B, B)])
    fill(1.0)
    plsc.subcore_barrier()

    ib = c * P + t * SPD

    def body(g, _):
        pltpu.sync_copy(didx.at[pl.ds(ib + g * B, B)], idx_v)
        pltpu.sync_copy(ones_v, acc.at[idx_v], add=True)
        return 0

    lax.fori_loop(0, GD, body, 0)
    plsc.subcore_barrier()
    pltpu.sync_copy(acc.at[pl.ds(base_r, ROWS_PT)],
                    deg_out.at[pl.ds(c * TR + base_r, ROWS_PT)])


@functools.partial(
    pl.kernel,
    out_type=jax.ShapeDtypeStruct((2 * TR, D), jnp.float32),
    mesh=_mesh,
    scratch_types=[
        pltpu.VMEM((B,), jnp.int32),
        pltpu.VMEM((B,), jnp.int32),
        pltpu.VMEM((B, D), jnp.float32),
        pltpu.VMEM((B, D), jnp.float32),
        pltpu.VMEM_SHARED((TR, D), jnp.float32),
        pltpu.SemaphoreType.DMA,
    ],
)
def _sweep_kernel(table, gidx, sidx, part, gidx_v, sidx_v, rows_v, zb_v,
                  acc, sem):
    c = lax.axis_index("c")
    t = lax.axis_index("s")
    base_r = t * ROWS_PT

    _zero_rows(zb_v, B, D)
    for k in range(WB):
        pltpu.sync_copy(zb_v, acc.at[pl.ds(base_r + k * B, B)])
    plsc.subcore_barrier()

    ib = (c * NT + t) * SPC

    def body(g, _):
        pltpu.sync_copy(gidx.at[pl.ds(ib + g * B, B)], gidx_v)
        pltpu.sync_copy(sidx.at[pl.ds(ib + g * B, B)], sidx_v)
        pltpu.async_copy(table.at[gidx_v], rows_v, sem).wait()
        pltpu.sync_copy(rows_v, acc.at[sidx_v], add=True)
        return 0

    lax.fori_loop(0, GC, body, 0)
    plsc.subcore_barrier()
    pltpu.sync_copy(acc.at[pl.ds(base_r, ROWS_PT)],
                    part.at[pl.ds(c * TR + base_r, ROWS_PT)])


def _tc_scales(deg2):
    def body(dref, oref):
        d = dref[...]
        safe = jnp.where(d > 0, d, 1.0)
        row = lax.broadcasted_iota(jnp.int32, (2 * TR // 128, 128), 0)
        oref[...] = jnp.where(row < TR // 128, lax.rsqrt(safe), 1.0 / safe)

    return pl.pallas_call(
        body,
        out_shape=jax.ShapeDtypeStruct((2 * TR // 128, 128), jnp.float32),
    )(deg2)


def _tc_xs(x, dvs_col):
    def body(xref, dref, oref):
        oref[...] = xref[...] * dref[...]

    return pl.pallas_call(
        body,
        grid=(TR // BLK,),
        in_specs=[pl.BlockSpec((BLK, D), lambda g: (g, 0)),
                  pl.BlockSpec((BLK, 1), lambda g: (g, 0))],
        out_specs=pl.BlockSpec((BLK, D), lambda g: (g, 0)),
        out_shape=jax.ShapeDtypeStruct((TR, D), jnp.float32),
    )(x, dvs_col)


def _tc_hemerge(part, de_col):
    def body(aref, bref, dref, oref):
        oref[...] = (aref[...] + bref[...]) * dref[...]

    return pl.pallas_call(
        body,
        grid=(TR // BLK,),
        in_specs=[pl.BlockSpec((BLK, D), lambda g: (g, 0)),
                  pl.BlockSpec((BLK, D), lambda g: (g + TR // BLK, 0)),
                  pl.BlockSpec((BLK, 1), lambda g: (g, 0))],
        out_specs=pl.BlockSpec((BLK, D), lambda g: (g, 0)),
        out_shape=jax.ShapeDtypeStruct((TR, D), jnp.float32),
    )(part, part, de_col)


def _tc_layer(xp, agg_part, dvs_col, W, b2d):
    def body(xref, aref, bref, dref, wref, biasref, o1, o2):
        a = (aref[...] + bref[...]) * dref[...]
        y = jnp.dot(a, wref[...], preferred_element_type=jnp.float32)
        xn = jnp.maximum(xref[...] + y + biasref[...], 0.0)
        o1[...] = xn
        o2[...] = xn * dref[...]

    return pl.pallas_call(
        body,
        grid=(TR // BLK,),
        in_specs=[pl.BlockSpec((BLK, D), lambda g: (g, 0)),
                  pl.BlockSpec((BLK, D), lambda g: (g, 0)),
                  pl.BlockSpec((BLK, D), lambda g: (g + TR // BLK, 0)),
                  pl.BlockSpec((BLK, 1), lambda g: (g, 0)),
                  pl.BlockSpec((D, D), lambda g: (0, 0)),
                  pl.BlockSpec((1, D), lambda g: (0, 0))],
        out_specs=[pl.BlockSpec((BLK, D), lambda g: (g, 0))] * 2,
        out_shape=(jax.ShapeDtypeStruct((TR, D), jnp.float32),) * 2,
    )(xp, agg_part, agg_part, dvs_col, W, b2d)


def kernel(node_features, incidence, W1, b1, W2, b2):
    nidx = incidence[0]
    eidx = incidence[1]
    pad = jnp.full((P - NNZ,), DUMP, jnp.int32)
    nidx_p = jnp.concatenate([nidx, pad])
    eidx_p = jnp.concatenate([eidx, pad])
    didx = jnp.concatenate([nidx_p, eidx_p])
    x_pad = jnp.concatenate(
        [node_features, jnp.zeros((TR - NV, D), jnp.float32)], axis=0)

    deg = _deg_kernel(didx)
    scales = _tc_scales(deg.reshape(2 * TR // 128, 128))
    sflat = scales.reshape(-1)
    dvs_col = sflat[:TR, None]
    de_col = sflat[TR:, None]

    xs = _tc_xs(x_pad, dvs_col)
    xp = x_pad
    for (W, b) in ((W1, b1), (W2, b2)):
        he_part = _sweep_kernel(xs, nidx_p, eidx_p)
        he = _tc_hemerge(he_part, de_col)
        agg_part = _sweep_kernel(he, eidx_p, nidx_p)
        xp, xs = _tc_layer(xp, agg_part, dvs_col, W, b.reshape(1, D))
    return xp[:NV]

# --- scband reference (transcript-rebuilt; emitter-appended) ---
"""Pipeline reference for scband-hgnnstack-5308579578147 (READ-ONLY COPY).

The authoritative reference and input builder live on the scoring server;
editing this copy changes nothing except your own understanding.
"""

import jax, jax.numpy as jnp
import numpy as np

N_NODES = 10000
N_EDGES = 10000
NNZ = 320000
D = 128


def setup_inputs(seed: int = 0) -> dict:
    key = jax.random.key(seed)
    k1, k2, k3, k4, k5, k6 = jax.random.split(key, 6)
    x = jax.random.normal(k1, (N_NODES, D), dtype=jnp.float32)
    # incidence[0] = node indices in [0, N_NODES), incidence[1] = hyperedge indices in [0, N_EDGES)
    incidence = jax.random.randint(k2, (2, NNZ), 0, N_NODES, dtype=jnp.int32)
    scale = 1.0 / np.sqrt(D)
    W1 = jax.random.normal(k3, (D, D), dtype=jnp.float32) * scale
    b1 = jnp.zeros((D,), dtype=jnp.float32)
    W2 = jax.random.normal(k4, (D, D), dtype=jnp.float32) * scale
    b2 = jnp.zeros((D,), dtype=jnp.float32)
    return {"node_features": x, "incidence": incidence, "W1": W1, "b1": b1, "W2": W2, "b2": b2}


def _hgnn_conv(x, node_idx, edge_idx, W, b):
    # Standard hypergraph conv: D_v^{-1/2} H D_e^{-1} H^T D_v^{-1/2} X W + b
    ones = jnp.ones((node_idx.shape[0],), dtype=x.dtype)
    deg_v = jax.ops.segment_sum(ones, node_idx, num_segments=N_NODES)
    deg_e = jax.ops.segment_sum(ones, edge_idx, num_segments=N_EDGES)
    dv_inv_sqrt = jnp.where(deg_v > 0, deg_v, 1.0) ** -0.5
    de_inv = 1.0 / jnp.where(deg_e > 0, deg_e, 1.0)
    xs = x * dv_inv_sqrt[:, None]
    # node -> hyperedge gather + segment reduce
    msg_ve = jnp.take(xs, node_idx, axis=0)
    h_e = jax.ops.segment_sum(msg_ve, edge_idx, num_segments=N_EDGES) * de_inv[:, None]
    # hyperedge -> node gather + segment reduce
    msg_ev = jnp.take(h_e, edge_idx, axis=0)
    agg = jax.ops.segment_sum(msg_ev, node_idx, num_segments=N_NODES) * dv_inv_sqrt[:, None]
    return agg @ W + b


def reference(node_features, incidence, W1, b1, W2, b2):
    node_idx = incidence[0]
    edge_idx = incidence[1]
    x = node_features
    # layer 1: conv -> residual -> relu (dropout_rate=0, no layernorm, no initial_alpha)
    h = _hgnn_conv(x, node_idx, edge_idx, W1, b1)
    h = x + h  # residual, dims match
    x = jax.nn.relu(h)
    # layer 2
    h = _hgnn_conv(x, node_idx, edge_idx, W2, b2)
    h = x + h
    x = jax.nn.relu(h)
    # readout is None
    return x

if __name__ == "__main__":
    import jax
    _d = setup_inputs()
    print(jax.jit(kernel)(*tuple(_d.values())))

</pallas_src>

<mosaic_0001>
#map = affine_map<(d0, d1) -> (0, 0)>
#map1 = affine_map<(d0, d1) -> (0)>
module attributes {stable_mosaic.version = 14 : i64} {
  func.func @_sweep_kernel(%arg0: i32, %arg1: i32, %arg2: memref<10240x128xf32, #tpu.memory_space<hbm>>, %arg3: memref<323584xi32, #tpu.memory_space<hbm>>, %arg4: memref<323584xi32, #tpu.memory_space<hbm>>, %arg5: memref<20480x128xf32, #tpu.memory_space<hbm>>, %arg6: memref<128xi32, #tpu.memory_space<vmem>>, %arg7: memref<128xi32, #tpu.memory_space<vmem>>, %arg8: memref<128x128xf32, #tpu.memory_space<vmem>>, %arg9: memref<128x128xf32, #tpu.memory_space<vmem>>, %arg10: memref<10240x128xf32, #tpu.memory_space<vmem_shared>>, %arg11: memref<!tpu.dma_semaphore, #tpu.memory_space<semaphore_mem>>) attributes {dimension_semantics = [#tpu.dimension_semantics<core_parallel>, #tpu.dimension_semantics<subcore_parallel>], iteration_bounds = array<i64: 2, 16>, scalar_prefetch = 0 : i64, scratch_operands = 6 : i64, tpu.core_type = #tpu.core_type<sc_vector_subcore>, window_params = [{transform_indices = #map}, {transform_indices = #map1}, {transform_indices = #map1}, {transform_indices = #map}]} {
    %mul3A = arith.constant 640 : i32
    %mul3A_0 = arith.muli %arg1, %mul3A : i32
    %broadcast_in_dim3A = arith.constant 0.000000e+00 : f32
    %broadcast_in_dim3A_1 = vector.broadcast %broadcast_in_dim3A : f32 to vector<16xf32>
    %scan3A = arith.constant 0 : i32
    %scan3A_2 = arith.constant 0 : i32
    %scan3A_3 = arith.constant 128 : i32
    %scan3A_4 = arith.addi %scan3A_2, %scan3A_3 : i32
    %scan3A_5 = arith.constant 1 : i32
    %scan3A_6 = scf.for %scan3A_33 = %scan3A_2 to %scan3A_4 step %scan3A_5 iter_args(%scan3A_34 = %scan3A) -> (i32)  : i32 {
      %swap3A = arith.index_cast %scan3A_33 : i32 to index
      %swap3A_35 = arith.constant 0 : index
      %swap3A_36 = tpu.vector_load %arg9[%swap3A, %swap3A_35] {strides = array<i32>} : memref<128x128xf32, #tpu.memory_space<vmem>>, vector<1x16xf32>,
      %swap3A_37 = vector.shape_cast %swap3A_36 : vector<1x16xf32> to vector<16xf32>
      %swap3A_38 = vector.shape_cast %broadcast_in_dim3A_1 : vector<16xf32> to vector<1x16xf32>
      tpu.vector_store %arg9[%swap3A, %swap3A_35], %swap3A_38 {strides = array<i32>} : memref<128x128xf32, #tpu.memory_space<vmem>>, vector<1x16xf32>,
      %swap3A_39 = arith.index_cast %scan3A_33 : i32 to index
      %swap3A_40 = arith.constant 16 : index
      %swap3A_41 = tpu.vector_load %arg9[%swap3A_39, %swap3A_40] {strides = array<i32>} : memref<128x128xf32, #tpu.memory_space<vmem>>, vector<1x16xf32>,
      %swap3A_42 = vector.shape_cast %swap3A_41 : vector<1x16xf32> to vector<16xf32>
      %swap3A_43 = vector.shape_cast %broadcast_in_dim3A_1 : vector<16xf32> to vector<1x16xf32>
      tpu.vector_store %arg9[%swap3A_39, %swap3A_40], %swap3A_43 {strides = array<i32>} : memref<128x128xf32, #tpu.memory_space<vmem>>, vector<1x16xf32>,
      %swap3A_44 = arith.index_cast %scan3A_33 : i32 to index
      %swap3A_45 = arith.constant 32 : index
      %swap3A_46 = tpu.vector_load %arg9[%swap3A_44, %swap3A_45] {strides = array<i32>} : memref<128x128xf32, #tpu.memory_space<vmem>>, vector<1x16xf32>,
      %swap3A_47 = vector.shape_cast %swap3A_46 : vector<1x16xf32> to vector<16xf32>
      %swap3A_48 = vector.shape_cast %broadcast_in_dim3A_1 : vector<16xf32> to vector<1x16xf32>
      tpu.vector_store %arg9[%swap3A_44, %swap3A_45], %swap3A_48 {strides = array<i32>} : memref<128x128xf32, #tpu.memory_space<vmem>>, vector<1x16xf32>,
      %swap3A_49 = arith.index_cast %scan3A_33 : i32 to index
      %swap3A_50 = arith.constant 48 : index
      %swap3A_51 = tpu.vector_load %arg9[%swap3A_49, %swap3A_50] {strides = array<i32>} : memref<128x128xf32, #tpu.memory_space<vmem>>, vector<1x16xf32>,
      %swap3A_52 = vector.shape_cast %swap3A_51 : vector<1x16xf32> to vector<16xf32>
      %swap3A_53 = vector.shape_cast %broadcast_in_dim3A_1 : vector<16xf32> to vector<1x16xf32>
      tpu.vector_store %arg9[%swap3A_49, %swap3A_50], %swap3A_53 {strides = array<i32>} : memref<128x128xf32, #tpu.memory_space<vmem>>, vector<1x16xf32>,
      %swap3A_54 = arith.index_cast %scan3A_33 : i32 to index
      %swap3A_55 = arith.constant 64 : index
      %swap3A_56 = tpu.vector_load %arg9[%swap3A_54, %swap3A_55] {strides = array<i32>} : memref<128x128xf32, #tpu.memory_space<vmem>>, vector<1x16xf32>,
      %swap3A_57 = vector.shape_cast %swap3A_56 : vector<1x16xf32> to vector<16xf32>
      %swap3A_58 = vector.shape_cast %broadcast_in_dim3A_1 : vector<16xf32> to vector<1x16xf32>
      tpu.vector_store %arg9[%swap3A_54, %swap3A_55], %swap3A_58 {strides = array<i32>} : memref<128x128xf32, #tpu.memory_space<vmem>>, vector<1x16xf32>,
      %swap3A_59 = arith.index_cast %scan3A_33 : i32 to index
      %swap3A_60 = arith.constant 80 : index
      %swap3A_61 = tpu.vector_load %arg9[%swap3A_59, %swap3A_60] {strides = array<i32>} : memref<128x128xf32, #tpu.memory_space<vmem>>, vector<1x16xf32>,
      %swap3A_62 = vector.shape_cast %swap3A_61 : vector<1x16xf32> to vector<16xf32>
      %swap3A_63 = vector.shape_cast %broadcast_in_dim3A_1 : vector<16xf32> to vector<1x16xf32>
      tpu.vector_store %arg9[%swap3A_59, %swap3A_60], %swap3A_63 {strides = array<i32>} : memref<128x128xf32, #tpu.memory_space<vmem>>, vector<1x16xf32>,
      %swap3A_64 = arith.index_cast %scan3A_33 : i32 to index
      %swap3A_65 = arith.constant 96 : index
      %swap3A_66 = tpu.vector_load %arg9[%swap3A_64, %swap3A_65] {strides = array<i32>} : memref<128x128xf32, #tpu.memory_space<vmem>>, vector<1x16xf32>,
      %swap3A_67 = vector.shape_cast %swap3A_66 : vector<1x16xf32> to vector<16xf32>
      %swap3A_68 = vector.shape_cast %broadcast_in_dim3A_1 : vector<16xf32> to vector<1x16xf32>
      tpu.vector_store %arg9[%swap3A_64, %swap3A_65], %swap3A_68 {strides = array<i32>} : memref<128x128xf32, #tpu.memory_space<vmem>>, vector<1x16xf32>,
      %swap3A_69 = arith.index_cast %scan3A_33 : i32 to index
      %swap3A_70 = arith.constant 112 : index
      %swap3A_71 = tpu.vector_load %arg9[%swap3A_69, %swap3A_70] {strides = array<i32>} : memref<128x128xf32, #tpu.memory_space<vmem>>, vector<1x16xf32>,
      %swap3A_72 = vector.shape_cast %swap3A_71 : vector<1x16xf32> to vector<16xf32>
      %swap3A_73 = vector.shape_cast %broadcast_in_dim3A_1 : vector<16xf32> to vector<1x16xf32>
      tpu.vector_store %arg9[%swap3A_69, %swap3A_70], %swap3A_73 {strides = array<i32>} : memref<128x128xf32, #tpu.memory_space<vmem>>, vector<1x16xf32>,
      %scan3A_74 = arith.constant 0 : i32
      scf.yield %scan3A_74 : i32
    }
    %scan3A_7 = arith.constant 128 : i32
    %add3A = arith.constant 0 : i32
    %add3A_8 = arith.addi %mul3A_0, %add3A : i32
    "tpu.region"() ({
      %run_scoped3A = tpu.sem_alloc : memref<!tpu.dma_semaphore, #tpu.memory_space<semaphore_mem>>
      %dma_start3A = arith.constant 0 : i32
      %dma_start3A_33 = tpu.memref_slice %arg10[%add3A_8, %dma_start3A] : memref<10240x128xf32, #tpu.memory_space<vmem_shared>> -> memref<128x128xf32, #tpu.memory_space<vmem_shared>>
      %dma_start3A_34 = arith.constant 0 : i32
      %dma_start3A_35 = tpu.memref_slice %arg10[%add3A_8, %dma_start3A_34] : memref<10240x128xf32, #tpu.memory_space<vmem_shared>> -> memref<128x128xf32, #tpu.memory_space<vmem_shared>>
      tpu.enqueue_dma source(%arg9 : memref<128x128xf32, #tpu.memory_space<vmem>>) target(%dma_start3A_35 : memref<128x128xf32, #tpu.memory_space<vmem_shared>>) target_semaphore(%run_scoped3A : memref<!tpu.dma_semaphore, #tpu.memory_space<semaphore_mem>>)
      %dma_wait3A = arith.constant 0 : i32
      %dma_wait3A_36 = tpu.memref_slice %arg10[%add3A_8, %dma_wait3A] : memref<10240x128xf32, #tpu.memory_space<vmem_shared>> -> memref<128x128xf32, #tpu.memory_space<vmem_shared>>
      %dma_wait3A_37 = arith.constant 0 : i32
      %dma_wait3A_38 = tpu.memref_slice %arg10[%add3A_8, %dma_wait3A_37] : memref<10240x128xf32, #tpu.memory_space<vmem_shared>> -> memref<128x128xf32, #tpu.memory_space<vmem_shared>>
      tpu.wait_dma2 semaphore(%run_scoped3A : memref<!tpu.dma_semaphore, #tpu.memory_space<semaphore_mem>>) src(%arg9 : memref<128x128xf32, #tpu.memory_space<vmem>>) dst(%dma_wait3A_38 : memref<128x128xf32, #tpu.memory_space<vmem_shared>>)
      tpu.yield
    }) : () -> ()
    %add3A_9 = arith.constant 128 : i32
    %add3A_10 = arith.addi %mul3A_0, %add3A_9 : i32
    "tpu.region"() ({
      %run_scoped3A = tpu.sem_alloc : memref<!tpu.dma_semaphore, #tpu.memory_space<semaphore_mem>>
      %dma_start3A = arith.constant 0 : i32
      %dma_start3A_33 = tpu.memref_slice %arg10[%add3A_10, %dma_start3A] : memref<10240x128xf32, #tpu.memory_space<vmem_shared>> -> memref<128x128xf32, #tpu.memory_space<vmem_shared>>
      %dma_start3A_34 = arith.constant 0 : i32
      %dma_start3A_35 = tpu.memref_slice %arg10[%add3A_10, %dma_start3A_34] : memref<10240x128xf32, #tpu.memory_space<vmem_shared>> -> memref<128x128xf32, #tpu.memory_space<vmem_shared>>
      tpu.enqueue_dma source(%arg9 : memref<128x128xf32, #tpu.memory_space<vmem>>) target(%dma_start3A_35 : memref<128x128xf32, #tpu.memory_space<vmem_shared>>) target_semaphore(%run_scoped3A : memref<!tpu.dma_semaphore, #tpu.memory_space<semaphore_mem>>)
      %dma_wait3A = arith.constant 0 : i32
      %dma_wait3A_36 = tpu.memref_slice %arg10[%add3A_10, %dma_wait3A] : memref<10240x128xf32, #tpu.memory_space<vmem_shared>> -> memref<128x128xf32, #tpu.memory_space<vmem_shared>>
      %dma_wait3A_37 = arith.constant 0 : i32
      %dma_wait3A_38 = tpu.memref_slice %arg10[%add3A_10, %dma_wait3A_37] : memref<10240x128xf32, #tpu.memory_space<vmem_shared>> -> memref<128x128xf32, #tpu.memory_space<vmem_shared>>
      tpu.wait_dma2 semaphore(%run_scoped3A : memref<!tpu.dma_semaphore, #tpu.memory_space<semaphore_mem>>) src(%arg9 : memref<128x128xf32, #tpu.memory_space<vmem>>) dst(%dma_wait3A_38 : memref<128x128xf32, #tpu.memory_space<vmem_shared>>)
      tpu.yield
    }) : () -> ()
    %add3A_11 = arith.constant 256 : i32
    %add3A_12 = arith.addi %mul3A_0, %add3A_11 : i32
    "tpu.region"() ({
      %run_scoped3A = tpu.sem_alloc : memref<!tpu.dma_semaphore, #tpu.memory_space<semaphore_mem>>
      %dma_start3A = arith.constant 0 : i32
      %dma_start3A_33 = tpu.memref_slice %arg10[%add3A_12, %dma_start3A] : memref<10240x128xf32, #tpu.memory_space<vmem_shared>> -> memref<128x128xf32, #tpu.memory_space<vmem_shared>>
      %dma_start3A_34 = arith.constant 0 : i32
      %dma_start3A_35 = tpu.memref_slice %arg10[%add3A_12, %dma_start3A_34] : memref<10240x128xf32, #tpu.memory_space<vmem_shared>> -> memref<128x128xf32, #tpu.memory_space<vmem_shared>>
      tpu.enqueue_dma source(%arg9 : memref<128x128xf32, #tpu.memory_space<vmem>>) target(%dma_start3A_35 : memref<128x128xf32, #tpu.memory_space<vmem_shared>>) target_semaphore(%run_scoped3A : memref<!tpu.dma_semaphore, #tpu.memory_space<semaphore_mem>>)
      %dma_wait3A = arith.constant 0 : i32
      %dma_wait3A_36 = tpu.memref_slice %arg10[%add3A_12, %dma_wait3A] : memref<10240x128xf32, #tpu.memory_space<vmem_shared>> -> memref<128x128xf32, #tpu.memory_space<vmem_shared>>
      %dma_wait3A_37 = arith.constant 0 : i32
      %dma_wait3A_38 = tpu.memref_slice %arg10[%add3A_12, %dma_wait3A_37] : memref<10240x128xf32, #tpu.memory_space<vmem_shared>> -> memref<128x128xf32, #tpu.memory_space<vmem_shared>>
      tpu.wait_dma2 semaphore(%run_scoped3A : memref<!tpu.dma_semaphore, #tpu.memory_space<semaphore_mem>>) src(%arg9 : memref<128x128xf32, #tpu.memory_space<vmem>>) dst(%dma_wait3A_38 : memref<128x128xf32, #tpu.memory_space<vmem_shared>>)
      tpu.yield
    }) : () -> ()
    %add3A_13 = arith.constant 384 : i32
    %add3A_14 = arith.addi %mul3A_0, %add3A_13 : i32
    "tpu.region"() ({
      %run_scoped3A = tpu.sem_alloc : memref<!tpu.dma_semaphore, #tpu.memory_space<semaphore_mem>>
      %dma_start3A = arith.constant 0 : i32
      %dma_start3A_33 = tpu.memref_slice %arg10[%add3A_14, %dma_start3A] : memref<10240x128xf32, #tpu.memory_space<vmem_shared>> -> memref<128x128xf32, #tpu.memory_space<vmem_shared>>
      %dma_start3A_34 = arith.constant 0 : i32
      %dma_start3A_35 = tpu.memref_slice %arg10[%add3A_14, %dma_start3A_34] : memref<10240x128xf32, #tpu.memory_space<vmem_shared>> -> memref<128x128xf32, #tpu.memory_space<vmem_shared>>
      tpu.enqueue_dma source(%arg9 : memref<128x128xf32, #tpu.memory_space<vmem>>) target(%dma_start3A_35 : memref<128x128xf32, #tpu.memory_space<vmem_shared>>) target_semaphore(%run_scoped3A : memref<!tpu.dma_semaphore, #tpu.memory_space<semaphore_mem>>)
      %dma_wait3A = arith.constant 0 : i32
      %dma_wait3A_36 = tpu.memref_slice %arg10[%add3A_14, %dma_wait3A] : memref<10240x128xf32, #tpu.memory_space<vmem_shared>> -> memref<128x128xf32, #tpu.memory_space<vmem_shared>>
      %dma_wait3A_37 = arith.constant 0 : i32
      %dma_wait3A_38 = tpu.memref_slice %arg10[%add3A_14, %dma_wait3A_37] : memref<10240x128xf32, #tpu.memory_space<vmem_shared>> -> memref<128x128xf32, #tpu.memory_space<vmem_shared>>
      tpu.wait_dma2 semaphore(%run_scoped3A : memref<!tpu.dma_semaphore, #tpu.memory_space<semaphore_mem>>) src(%arg9 : memref<128x128xf32, #tpu.memory_space<vmem>>) dst(%dma_wait3A_38 : memref<128x128xf32, #tpu.memory_space<vmem_shared>>)
      tpu.yield
    }) : () -> ()
    %add3A_15 = arith.constant 512 : i32
    %add3A_16 = arith.addi %mul3A_0, %add3A_15 : i32
    "tpu.region"() ({
      %run_scoped3A = tpu.sem_alloc : memref<!tpu.dma_semaphore, #tpu.memory_space<semaphore_mem>>
      %dma_start3A = arith.constant 0 : i32
      %dma_start3A_33 = tpu.memref_slice %arg10[%add3A_16, %dma_start3A] : memref<10240x128xf32, #tpu.memory_space<vmem_shared>> -> memref<128x128xf32, #tpu.memory_space<vmem_shared>>
      %dma_start3A_34 = arith.constant 0 : i32
      %dma_start3A_35 = tpu.memref_slice %arg10[%add3A_16, %dma_start3A_34] : memref<10240x128xf32, #tpu.memory_space<vmem_shared>> -> memref<128x128xf32, #tpu.memory_space<vmem_shared>>
      tpu.enqueue_dma source(%arg9 : memref<128x128xf32, #tpu.memory_space<vmem>>) target(%dma_start3A_35 : memref<128x128xf32, #tpu.memory_space<vmem_shared>>) target_semaphore(%run_scoped3A : memref<!tpu.dma_semaphore, #tpu.memory_space<semaphore_mem>>)
      %dma_wait3A = arith.constant 0 : i32
      %dma_wait3A_36 = tpu.memref_slice %arg10[%add3A_16, %dma_wait3A] : memref<10240x128xf32, #tpu.memory_space<vmem_shared>> -> memref<128x128xf32, #tpu.memory_space<vmem_shared>>
      %dma_wait3A_37 = arith.constant 0 : i32
      %dma_wait3A_38 = tpu.memref_slice %arg10[%add3A_16, %dma_wait3A_37] : memref<10240x128xf32, #tpu.memory_space<vmem_shared>> -> memref<128x128xf32, #tpu.memory_space<vmem_shared>>
      tpu.wait_dma2 semaphore(%run_scoped3A : memref<!tpu.dma_semaphore, #tpu.memory_space<semaphore_mem>>) src(%arg9 : memref<128x128xf32, #tpu.memory_space<vmem>>) dst(%dma_wait3A_38 : memref<128x128xf32, #tpu.memory_space<vmem_shared>>)
      tpu.yield
    }) : () -> ()
    %barrier3A = arith.constant 0 : index
    tpu.barrier barrier_id(%barrier3A)
    %mul3A_17 = arith.constant 16 : i32
    %mul3A_18 = arith.muli %arg0, %mul3A_17 : i32
    %add3A_19 = arith.addi %mul3A_18, %arg1 : i32
    %mul3A_20 = arith.constant 10112 : i32
    %mul3A_21 = arith.muli %add3A_19, %mul3A_20 : i32
    %scan3A_22 = arith.constant 0 : i32
    %scan3A_23 = arith.constant 0 : i32
    %scan3A_24 = arith.constant 79 : i32
    %scan3A_25 = arith.addi %scan3A_23, %scan3A_24 : i32
    %scan3A_26 = arith.constant 1 : i32
    %scan3A_27 = scf.for %scan3A_33 = %scan3A_23 to %scan3A_25 step %scan3A_26 iter_args(%scan3A_34 = %scan3A_22) -> (i32)  : i32 {
      %mul3A_35 = arith.constant 128 : i32
      %mul3A_36 = arith.muli %scan3A_33, %mul3A_35 : i32
      %add3A_37 = arith.addi %mul3A_21, %mul3A_36 : i32
      "tpu.region"() ({
        %run_scoped3A = tpu.sem_alloc : memref<!tpu.dma_semaphore, #tpu.memory_space<semaphore_mem>>
        %dma_start3A_46 = tpu.memref_slice %arg3[%add3A_37] : memref<323584xi32, #tpu.memory_space<hbm>> -> memref<128xi32, #tpu.memory_space<hbm>>
        %dma_start3A_47 = tpu.memref_slice %arg3[%add3A_37] : memref<323584xi32, #tpu.memory_space<hbm>> -> memref<128xi32, #tpu.memory_space<hbm>>
        tpu.enqueue_dma source(%dma_start3A_47 : memref<128xi32, #tpu.memory_space<hbm>>) target(%arg6 : memref<128xi32, #tpu.memory_space<vmem>>) target_semaphore(%run_scoped3A : memref<!tpu.dma_semaphore, #tpu.memory_space<semaphore_mem>>)
        %dma_wait3A_48 = tpu.memref_slice %arg3[%add3A_37] : memref<323584xi32, #tpu.memory_space<hbm>> -> memref<128xi32, #tpu.memory_space<hbm>>
        %dma_wait3A_49 = tpu.memref_slice %arg3[%add3A_37] : memref<323584xi32, #tpu.memory_space<hbm>> -> memref<128xi32, #tpu.memory_space<hbm>>
        tpu.wait_dma2 semaphore(%run_scoped3A : memref<!tpu.dma_semaphore, #tpu.memory_space<semaphore_mem>>) src(%dma_wait3A_49 : memref<128xi32, #tpu.memory_space<hbm>>) dst(%arg6 : memref<128xi32, #tpu.memory_space<vmem>>)
        tpu.yield
      }) : () -> ()
      %mul3A_38 = arith.constant 128 : i32
      %mul3A_39 = arith.muli %scan3A_33, %mul3A_38 : i32
      %add3A_40 = arith.addi %mul3A_21, %mul3A_39 : i32
      "tpu.region"() ({
        %run_scoped3A = tpu.sem_alloc : memref<!tpu.dma_semaphore, #tpu.memory_space<semaphore_mem>>
        %dma_start3A_46 = tpu.memref_slice %arg4[%add3A_40] : memref<323584xi32, #tpu.memory_space<hbm>> -> memref<128xi32, #tpu.memory_space<hbm>>
        %dma_start3A_47 = tpu.memref_slice %arg4[%add3A_40] : memref<323584xi32, #tpu.memory_space<hbm>> -> memref<128xi32, #tpu.memory_space<hbm>>
        tpu.enqueue_dma source(%dma_start3A_47 : memref<128xi32, #tpu.memory_space<hbm>>) target(%arg7 : memref<128xi32, #tpu.memory_space<vmem>>) target_semaphore(%run_scoped3A : memref<!tpu.dma_semaphore, #tpu.memory_space<semaphore_mem>>)
        %dma_wait3A_48 = tpu.memref_slice %arg4[%add3A_40] : memref<323584xi32, #tpu.memory_space<hbm>> -> memref<128xi32, #tpu.memory_space<hbm>>
        %dma_wait3A_49 = tpu.memref_slice %arg4[%add3A_40] : memref<323584xi32, #tpu.memory_space<hbm>> -> memref<128xi32, #tpu.memory_space<hbm>>
        tpu.wait_dma2 semaphore(%run_scoped3A : memref<!tpu.dma_semaphore, #tpu.memory_space<semaphore_mem>>) src(%dma_wait3A_49 : memref<128xi32, #tpu.memory_space<hbm>>) dst(%arg7 : memref<128xi32, #tpu.memory_space<vmem>>)
        tpu.yield
      }) : () -> ()
      %dma_start3A = arith.constant 0 : i32
      %dma_start3A_41 = arith.constant 0 : i32
      %dma_start3A_42 = tpu.memref_slice %arg2[%dma_start3A, %dma_start3A_41] : memref<10240x128xf32, #tpu.memory_space<hbm>> -> memref<10240x128xf32, #tpu.memory_space<hbm>>
      tpu.enqueue_indirect_dma source(%dma_start3A_42 : memref<10240x128xf32, #tpu.memory_space<hbm>>) target(%arg8 : memref<128x128xf32, #tpu.memory_space<vmem>>) offsets(%arg6 : memref<128xi32, #tpu.memory_space<vmem>>) semaphore(%arg11 : memref<!tpu.dma_semaphore, #tpu.memory_space<semaphore_mem>>)
      %dma_wait3A = arith.constant 0 : i32
      %dma_wait3A_43 = arith.constant 0 : i32
      %dma_wait3A_44 = tpu.memref_slice %arg2[%dma_wait3A, %dma_wait3A_43] : memref<10240x128xf32, #tpu.memory_space<hbm>> -> memref<10240x128xf32, #tpu.memory_space<hbm>>
      tpu.wait_indirect_dma semaphore(%arg11 : memref<!tpu.dma_semaphore, #tpu.memory_space<semaphore_mem>>) src(%dma_wait3A_44 : memref<10240x128xf32, #tpu.memory_space<hbm>>) dst(%arg8 : memref<128x128xf32, #tpu.memory_space<vmem>>)
      "tpu.region"() ({
        %run_scoped3A = tpu.sem_alloc : memref<!tpu.dma_semaphore, #tpu.memory_space<semaphore_mem>>
        %dma_start3A_46 = arith.constant 0 : i32
        %dma_start3A_47 = arith.constant 0 : i32
        %dma_start3A_48 = tpu.memref_slice %arg10[%dma_start3A_46, %dma_start3A_47] : memref<10240x128xf32, #tpu.memory_space<vmem_shared>> -> memref<10240x128xf32, #tpu.memory_space<vmem_shared>>
        tpu.enqueue_indirect_dma source(%arg8 : memref<128x128xf32, #tpu.memory_space<vmem>>) target(%dma_start3A_48 : memref<10240x128xf32, #tpu.memory_space<vmem_shared>>) offsets(%arg7 : memref<128xi32, #tpu.memory_space<vmem>>) semaphore(%run_scoped3A : memref<!tpu.dma_semaphore, #tpu.memory_space<semaphore_mem>>) {add = true}
        %dma_wait3A_49 = arith.constant 0 : i32
        %dma_wait3A_50 = arith.constant 0 : i32
        %dma_wait3A_51 = tpu.memref_slice %arg10[%dma_wait3A_49, %dma_wait3A_50] : memref<10240x128xf32, #tpu.memory_space<vmem_shared>> -> memref<10240x128xf32, #tpu.memory_space<vmem_shared>>
        tpu.wait_indirect_dma semaphore(%run_scoped3A : memref<!tpu.dma_semaphore, #tpu.memory_space<semaphore_mem>>) src(%arg8 : memref<128x128xf32, #tpu.memory_space<vmem>>) dst(%dma_wait3A_51 : memref<10240x128xf32, #tpu.memory_space<vmem_shared>>)
        tpu.yield
      }) : () -> ()
      %scan3A_45 = arith.constant 0 : i32
      scf.yield %scan3A_45 : i32
    }
    %scan3A_28 = arith.constant 79 : i32
    %barrier3A_29 = arith.constant 0 : index
    tpu.barrier barrier_id(%barrier3A_29)
    %mul3A_30 = arith.constant 10240 : i32
    %mul3A_31 = arith.muli %arg0, %mul3A_30 : i32
    %add3A_32 = arith.addi %mul3A_31, %mul3A_0 : i32
    "tpu.region"() ({
      %run_scoped3A = tpu.sem_alloc : memref<!tpu.dma_semaphore, #tpu.memory_space<semaphore_mem>>
      %dma_start3A = arith.constant 0 : i32
      %dma_start3A_33 = tpu.memref_slice %arg5[%add3A_32, %dma_start3A] : memref<20480x128xf32, #tpu.memory_space<hbm>> -> memref<640x128xf32, #tpu.memory_space<hbm>>
      %dma_start3A_34 = arith.constant 0 : i32
      %dma_start3A_35 = tpu.memref_slice %arg10[%mul3A_0, %dma_start3A_34] : memref<10240x128xf32, #tpu.memory_space<vmem_shared>> -> memref<640x128xf32, #tpu.memory_space<vmem_shared>>
      tpu.enqueue_dma source(%dma_start3A_35 : memref<640x128xf32, #tpu.memory_space<vmem_shared>>) target(%dma_start3A_33 : memref<640x128xf32, #tpu.memory_space<hbm>>) target_semaphore(%run_scoped3A : memref<!tpu.dma_semaphore, #tpu.memory_space<semaphore_mem>>)
      %dma_wait3A = arith.constant 0 : i32
      %dma_wait3A_36 = tpu.memref_slice %arg5[%add3A_32, %dma_wait3A] : memref<20480x128xf32, #tpu.memory_space<hbm>> -> memref<640x128xf32, #tpu.memory_space<hbm>>
      %dma_wait3A_37 = arith.constant 0 : i32
      %dma_wait3A_38 = tpu.memref_slice %arg10[%mul3A_0, %dma_wait3A_37] : memref<10240x128xf32, #tpu.memory_space<vmem_shared>> -> memref<640x128xf32, #tpu.memory_space<vmem_shared>>
      tpu.wait_dma2 semaphore(%run_scoped3A : memref<!tpu.dma_semaphore, #tpu.memory_space<semaphore_mem>>) src(%dma_wait3A_38 : memref<640x128xf32, #tpu.memory_space<vmem_shared>>) dst(%dma_wait3A_36 : memref<640x128xf32, #tpu.memory_space<hbm>>)
      tpu.yield
    }) : () -> ()
    return
  }
}

#map = affine_map<(d0, d1) -> (0, 0)>
#map1 = affine_map<(d0, d1) -> (0)>
module attributes {stable_mosaic.version = 14 : i64} {
  func.func @_sweep_kernel(%arg0: i32, %arg1: i32, %arg2: memref<10240x128xf32, #tpu.memory_space<hbm>>, %arg3: memref<323584xi32, #tpu.memory_space<hbm>>, %arg4: memref<323584xi32, #tpu.memory_space<hbm>>, %arg5: memref<20480x128xf32, #tpu.memory_space<hbm>>, %arg6: memref<128xi32, #tpu.memory_space<vmem>>, %arg7: memref<128xi32, #tpu.memory_space<vmem>>, %arg8: memref<128x128xf32, #tpu.memory_space<vmem>>, %arg9: memref<128x128xf32, #tpu.memory_space<vmem>>, %arg10: memref<10240x128xf32, #tpu.memory_space<vmem_shared>>, %arg11: memref<!tpu.dma_semaphore, #tpu.memory_space<semaphore_mem>>) attributes {dimension_semantics = [#tpu.dimension_semantics<core_parallel>, #tpu.dimension_semantics<subcore_parallel>], iteration_bounds = array<i64: 2, 16>, scalar_prefetch = 0 : i64, scratch_operands = 6 : i64, tpu.core_type = #tpu.core_type<sc_vector_subcore>, window_params = [{transform_indices = #map}, {transform_indices = #map1}, {transform_indices = #map1}, {transform_indices = #map}]} {
    %mul3A = arith.constant 640 : i32
    %mul3A_0 = arith.muli %arg1, %mul3A : i32
    %broadcast_in_dim3A = arith.constant 0.000000e+00 : f32
    %broadcast_in_dim3A_1 = vector.broadcast %broadcast_in_dim3A : f32 to vector<16xf32>
    %scan3A = arith.constant 0 : i32
    %scan3A_2 = arith.constant 0 : i32
    %scan3A_3 = arith.constant 128 : i32
    %scan3A_4 = arith.addi %scan3A_2, %scan3A_3 : i32
    %scan3A_5 = arith.constant 1 : i32
    %scan3A_6 = scf.for %scan3A_33 = %scan3A_2 to %scan3A_4 step %scan3A_5 iter_args(%scan3A_34 = %scan3A) -> (i32)  : i32 {
      %swap3A = arith.index_cast %scan3A_33 : i32 to index
      %swap3A_35 = arith.constant 0 : index
      %swap3A_36 = tpu.vector_load %arg9[%swap3A, %swap3A_35] {strides = array<i32>} : memref<128x128xf32, #tpu.memory_space<vmem>>, vector<1x16xf32>,
      %swap3A_37 = vector.shape_cast %swap3A_36 : vector<1x16xf32> to vector<16xf32>
      %swap3A_38 = vector.shape_cast %broadcast_in_dim3A_1 : vector<16xf32> to vector<1x16xf32>
      tpu.vector_store %arg9[%swap3A, %swap3A_35], %swap3A_38 {strides = array<i32>} : memref<128x128xf32, #tpu.memory_space<vmem>>, vector<1x16xf32>,
      %swap3A_39 = arith.index_cast %scan3A_33 : i32 to index
      %swap3A_40 = arith.constant 16 : index
      %swap3A_41 = tpu.vector_load %arg9[%swap3A_39, %swap3A_40] {strides = array<i32>} : memref<128x128xf32, #tpu.memory_space<vmem>>, vector<1x16xf32>,
      %swap3A_42 = vector.shape_cast %swap3A_41 : vector<1x16xf32> to vector<16xf32>
      %swap3A_43 = vector.shape_cast %broadcast_in_dim3A_1 : vector<16xf32> to vector<1x16xf32>
      tpu.vector_store %arg9[%swap3A_39, %swap3A_40], %swap3A_43 {strides = array<i32>} : memref<128x128xf32, #tpu.memory_space<vmem>>, vector<1x16xf32>,
      %swap3A_44 = arith.index_cast %scan3A_33 : i32 to index
      %swap3A_45 = arith.constant 32 : index
      %swap3A_46 = tpu.vector_load %arg9[%swap3A_44, %swap3A_45] {strides = array<i32>} : memref<128x128xf32, #tpu.memory_space<vmem>>, vector<1x16xf32>,
      %swap3A_47 = vector.shape_cast %swap3A_46 : vector<1x16xf32> to vector<16xf32>
      %swap3A_48 = vector.shape_cast %broadcast_in_dim3A_1 : vector<16xf32> to vector<1x16xf32>
      tpu.vector_store %arg9[%swap3A_44, %swap3A_45], %swap3A_48 {strides = array<i32>} : memref<128x128xf32, #tpu.memory_space<vmem>>, vector<1x16xf32>,
      %swap3A_49 = arith.index_cast %scan3A_33 : i32 to index
      %swap3A_50 = arith.constant 48 : index
      %swap3A_51 = tpu.vector_load %arg9[%swap3A_49, %swap3A_50] {strides = array<i32>} : memref<128x128xf32, #tpu.memory_space<vmem>>, vector<1x16xf32>,
      %swap3A_52 = vector.shape_cast %swap3A_51 : vector<1x16xf32> to vector<16xf32>
      %swap3A_53 = vector.shape_cast %broadcast_in_dim3A_1 : vector<16xf32> to vector<1x16xf32>
      tpu.vector_store %arg9[%swap3A_49, %swap3A_50], %swap3A_53 {strides = array<i32>} : memref<128x128xf32, #tpu.memory_space<vmem>>, vector<1x16xf32>,
      %swap3A_54 = arith.index_cast %scan3A_33 : i32 to index
      %swap3A_55 = arith.constant 64 : index
      %swap3A_56 = tpu.vector_load %arg9[%swap3A_54, %swap3A_55] {strides = array<i32>} : memref<128x128xf32, #tpu.memory_space<vmem>>, vector<1x16xf32>,
      %swap3A_57 = vector.shape_cast %swap3A_56 : vector<1x16xf32> to vector<16xf32>
      %swap3A_58 = vector.shape_cast %broadcast_in_dim3A_1 : vector<16xf32> to vector<1x16xf32>
      tpu.vector_store %arg9[%swap3A_54, %swap3A_55], %swap3A_58 {strides = array<i32>} : memref<128x128xf32, #tpu.memory_space<vmem>>, vector<1x16xf32>,
      %swap3A_59 = arith.index_cast %scan3A_33 : i32 to index
      %swap3A_60 = arith.constant 80 : index
      %swap3A_61 = tpu.vector_load %arg9[%swap3A_59, %swap3A_60] {strides = array<i32>} : memref<128x128xf32, #tpu.memory_space<vmem>>, vector<1x16xf32>,
      %swap3A_62 = vector.shape_cast %swap3A_61 : vector<1x16xf32> to vector<16xf32>
      %swap3A_63 = vector.shape_cast %broadcast_in_dim3A_1 : vector<16xf32> to vector<1x16xf32>
      tpu.vector_store %arg9[%swap3A_59, %swap3A_60], %swap3A_63 {strides = array<i32>} : memref<128x128xf32, #tpu.memory_space<vmem>>, vector<1x16xf32>,
      %swap3A_64 = arith.index_cast %scan3A_33 : i32 to index
      %swap3A_65 = arith.constant 96 : index
      %swap3A_66 = tpu.vector_load %arg9[%swap3A_64, %swap3A_65] {strides = array<i32>} : memref<128x128xf32, #tpu.memory_space<vmem>>, vector<1x16xf32>,
      %swap3A_67 = vector.shape_cast %swap3A_66 : vector<1x16xf32> to vector<16xf32>
      %swap3A_68 = vector.shape_cast %broadcast_in_dim3A_1 : vector<16xf32> to vector<1x16xf32>
      tpu.vector_store %arg9[%swap3A_64, %swap3A_65], %swap3A_68 {strides = array<i32>} : memref<128x128xf32, #tpu.memory_space<vmem>>, vector<1x16xf32>,
      %swap3A_69 = arith.index_cast %scan3A_33 : i32 to index
      %swap3A_70 = arith.constant 112 : index
      %swap3A_71 = tpu.vector_load %arg9[%swap3A_69, %swap3A_70] {strides = array<i32>} : memref<128x128xf32, #tpu.memory_space<vmem>>, vector<1x16xf32>,
      %swap3A_72 = vector.shape_cast %swap3A_71 : vector<1x16xf32> to vector<16xf32>
      %swap3A_73 = vector.shape_cast %broadcast_in_dim3A_1 : vector<16xf32> to vector<1x16xf32>
      tpu.vector_store %arg9[%swap3A_69, %swap3A_70], %swap3A_73 {strides = array<i32>} : memref<128x128xf32, #tpu.memory_space<vmem>>, vector<1x16xf32>,
      %scan3A_74 = arith.constant 0 : i32
      scf.yield %scan3A_74 : i32
    }
    %scan3A_7 = arith.constant 128 : i32
    %add3A = arith.constant 0 : i32
    %add3A_8 = arith.addi %mul3A_0, %add3A : i32
    "tpu.region"() ({
      %run_scoped3A = tpu.sem_alloc : memref<!tpu.dma_semaphore, #tpu.memory_space<semaphore_mem>>
      %dma_start3A = arith.constant 0 : i32
      %dma_start3A_33 = tpu.memref_slice %arg10[%add3A_8, %dma_start3A] : memref<10240x128xf32, #tpu.memory_space<vmem_shared>> -> memref<128x128xf32, #tpu.memory_space<vmem_shared>>
      %dma_start3A_34 = arith.constant 0 : i32
      %dma_start3A_35 = tpu.memref_slice %arg10[%add3A_8, %dma_start3A_34] : memref<10240x128xf32, #tpu.memory_space<vmem_shared>> -> memref<128x128xf32, #tpu.memory_space<vmem_shared>>
      tpu.enqueue_dma source(%arg9 : memref<128x128xf32, #tpu.memory_space<vmem>>) target(%dma_start3A_35 : memref<128x128xf32, #tpu.memory_space<vmem_shared>>) target_semaphore(%run_scoped3A : memref<!tpu.dma_semaphore, #tpu.memory_space<semaphore_mem>>)
      %dma_wait3A = arith.constant 0 : i32
      %dma_wait3A_36 = tpu.memref_slice %arg10[%add3A_8, %dma_wait3A] : memref<10240x128xf32, #tpu.memory_space<vmem_shared>> -> memref<128x128xf32, #tpu.memory_space<vmem_shared>>
      %dma_wait3A_37 = arith.constant 0 : i32
      %dma_wait3A_38 = tpu.memref_slice %arg10[%add3A_8, %dma_wait3A_37] : memref<10240x128xf32, #tpu.memory_space<vmem_shared>> -> memref<128x128xf32, #tpu.memory_space<vmem_shared>>
      tpu.wait_dma2 semaphore(%run_scoped3A : memref<!tpu.dma_semaphore, #tpu.memory_space<semaphore_mem>>) src(%arg9 : memref<128x128xf32, #tpu.memory_space<vmem>>) dst(%dma_wait3A_38 : memref<128x128xf32, #tpu.memory_space<vmem_shared>>)
      tpu.yield
    }) : () -> ()
    %add3A_9 = arith.constant 128 : i32
    %add3A_10 = arith.addi %mul3A_0, %add3A_9 : i32
    "tpu.region"() ({
      %run_scoped3A = tpu.sem_alloc : memref<!tpu.dma_semaphore, #tpu.memory_space<semaphore_mem>>
      %dma_start3A = arith.constant 0 : i32
      %dma_start3A_33 = tpu.memref_slice %arg10[%add3A_10, %dma_start3A] : memref<10240x128xf32, #tpu.memory_space<vmem_shared>> -> memref<128x128xf32, #tpu.memory_space<vmem_shared>>
      %dma_start3A_34 = arith.constant 0 : i32
      %dma_start3A_35 = tpu.memref_slice %arg10[%add3A_10, %dma_start3A_34] : memref<10240x128xf32, #tpu.memory_space<vmem_shared>> -> memref<128x128xf32, #tpu.memory_space<vmem_shared>>
      tpu.enqueue_dma source(%arg9 : memref<128x128xf32, #tpu.memory_space<vmem>>) target(%dma_start3A_35 : memref<128x128xf32, #tpu.memory_space<vmem_shared>>) target_semaphore(%run_scoped3A : memref<!tpu.dma_semaphore, #tpu.memory_space<semaphore_mem>>)
      %dma_wait3A = arith.constant 0 : i32
      %dma_wait3A_36 = tpu.memref_slice %arg10[%add3A_10, %dma_wait3A] : memref<10240x128xf32, #tpu.memory_space<vmem_shared>> -> memref<128x128xf32, #tpu.memory_space<vmem_shared>>
      %dma_wait3A_37 = arith.constant 0 : i32
      %dma_wait3A_38 = tpu.memref_slice %arg10[%add3A_10, %dma_wait3A_37] : memref<10240x128xf32, #tpu.memory_space<vmem_shared>> -> memref<128x128xf32, #tpu.memory_space<vmem_shared>>
      tpu.wait_dma2 semaphore(%run_scoped3A : memref<!tpu.dma_semaphore, #tpu.memory_space<semaphore_mem>>) src(%arg9 : memref<128x128xf32, #tpu.memory_space<vmem>>) dst(%dma_wait3A_38 : memref<128x128xf32, #tpu.memory_space<vmem_shared>>)
      tpu.yield
    }) : () -> ()
    %add3A_11 = arith.constant 256 : i32
    %add3A_12 = arith.addi %mul3A_0, %add3A_11 : i32
    "tpu.region"() ({
      %run_scoped3A = tpu.sem_alloc : memref<!tpu.dma_semaphore, #tpu.memory_space<semaphore_mem>>
      %dma_start3A = arith.constant 0 : i32
      %dma_start3A_33 = tpu.memref_slice %arg10[%add3A_12, %dma_start3A] : memref<10240x128xf32, #tpu.memory_space<vmem_shared>> -> memref<128x128xf32, #tpu.memory_space<vmem_shared>>
      %dma_start3A_34 = arith.constant 0 : i32
      %dma_start3A_35 = tpu.memref_slice %arg10[%add3A_12, %dma_start3A_34] : memref<10240x128xf32, #tpu.memory_space<vmem_shared>> -> memref<128x128xf32, #tpu.memory_space<vmem_shared>>
      tpu.enqueue_dma source(%arg9 : memref<128x128xf32, #tpu.memory_space<vmem>>) target(%dma_start3A_35 : memref<128x128xf32, #tpu.memory_space<vmem_shared>>) target_semaphore(%run_scoped3A : memref<!tpu.dma_semaphore, #tpu.memory_space<semaphore_mem>>)
      %dma_wait3A = arith.constant 0 : i32
      %dma_wait3A_36 = tpu.memref_slice %arg10[%add3A_12, %dma_wait3A] : memref<10240x128xf32, #tpu.memory_space<vmem_shared>> -> memref<128x128xf32, #tpu.memory_space<vmem_shared>>
      %dma_wait3A_37 = arith.constant 0 : i32
      %dma_wait3A_38 = tpu.memref_slice %arg10[%add3A_12, %dma_wait3A_37] : memref<10240x128xf32, #tpu.memory_space<vmem_shared>> -> memref<128x128xf32, #tpu.memory_space<vmem_shared>>
      tpu.wait_dma2 semaphore(%run_scoped3A : memref<!tpu.dma_semaphore, #tpu.memory_space<semaphore_mem>>) src(%arg9 : memref<128x128xf32, #tpu.memory_space<vmem>>) dst(%dma_wait3A_38 : memref<128x128xf32, #tpu.memory_space<vmem_shared>>)
      tpu.yield
    }) : () -> ()
    %add3A_13 = arith.constant 384 : i32
    %add3A_14 = arith.addi %mul3A_0, %add3A_13 : i32
    "tpu.region"() ({
      %run_scoped3A = tpu.sem_alloc : memref<!tpu.dma_semaphore, #tpu.memory_space<semaphore_mem>>
      %dma_start3A = arith.constant 0 : i32
      %dma_start3A_33 = tpu.memref_slice %arg10[%add3A_14, %dma_start3A] : memref<10240x128xf32, #tpu.memory_space<vmem_shared>> -> memref<128x128xf32, #tpu.memory_space<vmem_shared>>
      %dma_start3A_34 = arith.constant 0 : i32
      %dma_start3A_35 = tpu.memref_slice %arg10[%add3A_14, %dma_start3A_34] : memref<10240x128xf32, #tpu.memory_space<vmem_shared>> -> memref<128x128xf32, #tpu.memory_space<vmem_shared>>
      tpu.enqueue_dma source(%arg9 : memref<128x128xf32, #tpu.memory_space<vmem>>) target(%dma_start3A_35 : memref<128x128xf32, #tpu.memory_space<vmem_shared>>) target_semaphore(%run_scoped3A : memref<!tpu.dma_semaphore, #tpu.memory_space<semaphore_mem>>)
      %dma_wait3A = arith.constant 0 : i32
      %dma_wait3A_36 = tpu.memref_slice %arg10[%add3A_14, %dma_wait3A] : memref<10240x128xf32, #tpu.memory_space<vmem_shared>> -> memref<128x128xf32, #tpu.memory_space<vmem_shared>>
      %dma_wait3A_37 = arith.constant 0 : i32
      %dma_wait3A_38 = tpu.memref_slice %arg10[%add3A_14, %dma_wait3A_37] : memref<10240x128xf32, #tpu.memory_space<vmem_shared>> -> memref<128x128xf32, #tpu.memory_space<vmem_shared>>
      tpu.wait_dma2 semaphore(%run_scoped3A : memref<!tpu.dma_semaphore, #tpu.memory_space<semaphore_mem>>) src(%arg9 : memref<128x128xf32, #tpu.memory_space<vmem>>) dst(%dma_wait3A_38 : memref<128x128xf32, #tpu.memory_space<vmem_shared>>)
      tpu.yield
    }) : () -> ()
    %add3A_15 = arith.constant 512 : i32
    %add3A_16 = arith.addi %mul3A_0, %add3A_15 : i32
    "tpu.region"() ({
      %run_scoped3A = tpu.sem_alloc : memref<!tpu.dma_semaphore, #tpu.memory_space<semaphore_mem>>
      %dma_start3A = arith.constant 0 : i32
      %dma_start3A_33 = tpu.memref_slice %arg10[%add3A_16, %dma_start3A] : memref<10240x128xf32, #tpu.memory_space<vmem_shared>> -> memref<128x128xf32, #tpu.memory_space<vmem_shared>>
      %dma_start3A_34 = arith.constant 0 : i32
      %dma_start3A_35 = tpu.memref_slice %arg10[%add3A_16, %dma_start3A_34] : memref<10240x128xf32, #tpu.memory_space<vmem_shared>> -> memref<128x128xf32, #tpu.memory_space<vmem_shared>>
      tpu.enqueue_dma source(%arg9 : memref<128x128xf32, #tpu.memory_space<vmem>>) target(%dma_start3A_35 : memref<128x128xf32, #tpu.memory_space<vmem_shared>>) target_semaphore(%run_scoped3A : memref<!tpu.dma_semaphore, #tpu.memory_space<semaphore_mem>>)
      %dma_wait3A = arith.constant 0 : i32
      %dma_wait3A_36 = tpu.memref_slice %arg10[%add3A_16, %dma_wait3A] : memref<10240x128xf32, #tpu.memory_space<vmem_shared>> -> memref<128x128xf32, #tpu.memory_space<vmem_shared>>
      %dma_wait3A_37 = arith.constant 0 : i32
      %dma_wait3A_38 = tpu.memref_slice %arg10[%add3A_16, %dma_wait3A_37] : memref<10240x128xf32, #tpu.memory_space<vmem_shared>> -> memref<128x128xf32, #tpu.memory_space<vmem_shared>>
      tpu.wait_dma2 semaphore(%run_scoped3A : memref<!tpu.dma_semaphore, #tpu.memory_space<semaphore_mem>>) src(%arg9 : memref<128x128xf32, #tpu.memory_space<vmem>>) dst(%dma_wait3A_38 : memref<128x128xf32, #tpu.memory_space<vmem_shared>>)
      tpu.yield
    }) : () -> ()
    %barrier3A = arith.constant 0 : index
    tpu.barrier barrier_id(%barrier3A)
    %mul3A_17 = arith.constant 16 : i32
    %mul3A_18 = arith.muli %arg0, %mul3A_17 : i32
    %add3A_19 = arith.addi %mul3A_18, %arg1 : i32
    %mul3A_20 = arith.constant 10112 : i32
    %mul3A_21 = arith.muli %add3A_19, %mul3A_20 : i32
    %scan3A_22 = arith.constant 0 : i32
    %scan3A_23 = arith.constant 0 : i32
    %scan3A_24 = arith.constant 79 : i32
    %scan3A_25 = arith.addi %scan3A_23, %scan3A_24 : i32
    %scan3A_26 = arith.constant 1 : i32
    %scan3A_27 = scf.for %scan3A_33 = %scan3A_23 to %scan3A_25 step %scan3A_26 iter_args(%scan3A_34 = %scan3A_22) -> (i32)  : i32 {
      %mul3A_35 = arith.constant 128 : i32
      %mul3A_36 = arith.muli %scan3A_33, %mul3A_35 : i32
      %add3A_37 = arith.addi %mul3A_21, %mul3A_36 : i32
      "tpu.region"() ({
        %run_scoped3A = tpu.sem_alloc : memref<!tpu.dma_semaphore, #tpu.memory_space<semaphore_mem>>
        %dma_start3A_46 = tpu.memref_slice %arg3[%add3A_37] : memref<323584xi32, #tpu.memory_space<hbm>> -> memref<128xi32, #tpu.memory_space<hbm>>
        %dma_start3A_47 = tpu.memref_slice %arg3[%add3A_37] : memref<323584xi32, #tpu.memory_space<hbm>> -> memref<128xi32, #tpu.memory_space<hbm>>
        tpu.enqueue_dma source(%dma_start3A_47 : memref<128xi32, #tpu.memory_space<hbm>>) target(%arg6 : memref<128xi32, #tpu.memory_space<vmem>>) target_semaphore(%run_scoped3A : memref<!tpu.dma_semaphore, #tpu.memory_space<semaphore_mem>>)
        %dma_wait3A_48 = tpu.memref_slice %arg3[%add3A_37] : memref<323584xi32, #tpu.memory_space<hbm>> -> memref<128xi32, #tpu.memory_space<hbm>>
        %dma_wait3A_49 = tpu.memref_slice %arg3[%add3A_37] : memref<323584xi32, #tpu.memory_space<hbm>> -> memref<128xi32, #tpu.memory_space<hbm>>
        tpu.wait_dma2 semaphore(%run_scoped3A : memref<!tpu.dma_semaphore, #tpu.memory_space<semaphore_mem>>) src(%dma_wait3A_49 : memref<128xi32, #tpu.memory_space<hbm>>) dst(%arg6 : memref<128xi32, #tpu.memory_space<vmem>>)
        tpu.yield
      }) : () -> ()
      %mul3A_38 = arith.constant 128 : i32
      %mul3A_39 = arith.muli %scan3A_33, %mul3A_38 : i32
      %add3A_40 = arith.addi %mul3A_21, %mul3A_39 : i32
      "tpu.region"() ({
        %run_scoped3A = tpu.sem_alloc : memref<!tpu.dma_semaphore, #tpu.memory_space<semaphore_mem>>
        %dma_start3A_46 = tpu.memref_slice %arg4[%add3A_40] : memref<323584xi32, #tpu.memory_space<hbm>> -> memref<128xi32, #tpu.memory_space<hbm>>
        %dma_start3A_47 = tpu.memref_slice %arg4[%add3A_40] : memref<323584xi32, #tpu.memory_space<hbm>> -> memref<128xi32, #tpu.memory_space<hbm>>
        tpu.enqueue_dma source(%dma_start3A_47 : memref<128xi32, #tpu.memory_space<hbm>>) target(%arg7 : memref<128xi32, #tpu.memory_space<vmem>>) target_semaphore(%run_scoped3A : memref<!tpu.dma_semaphore, #tpu.memory_space<semaphore_mem>>)
        %dma_wait3A_48 = tpu.memref_slice %arg4[%add3A_40] : memref<323584xi32, #tpu.memory_space<hbm>> -> memref<128xi32, #tpu.memory_space<hbm>>
        %dma_wait3A_49 = tpu.memref_slice %arg4[%add3A_40] : memref<323584xi32, #tpu.memory_space<hbm>> -> memref<128xi32, #tpu.memory_space<hbm>>
        tpu.wait_dma2 semaphore(%run_scoped3A : memref<!tpu.dma_semaphore, #tpu.memory_space<semaphore_mem>>) src(%dma_wait3A_49 : memref<128xi32, #tpu.memory_space<hbm>>) dst(%arg7 : memref<128xi32, #tpu.memory_space<vmem>>)
        tpu.yield
      }) : () -> ()
      %dma_start3A = arith.constant 0 : i32
      %dma_start3A_41 = arith.constant 0 : i32
      %dma_start3A_42 = tpu.memref_slice %arg2[%dma_start3A, %dma_start3A_41] : memref<10240x128xf32, #tpu.memory_space<hbm>> -> memref<10240x128xf32, #tpu.memory_space<hbm>>
      tpu.enqueue_indirect_dma source(%dma_start3A_42 : memref<10240x128xf32, #tpu.memory_space<hbm>>) target(%arg8 : memref<128x128xf32, #tpu.memory_space<vmem>>) offsets(%arg6 : memref<128xi32, #tpu.memory_space<vmem>>) semaphore(%arg11 : memref<!tpu.dma_semaphore, #tpu.memory_space<semaphore_mem>>)
      %dma_wait3A = arith.constant 0 : i32
      %dma_wait3A_43 = arith.constant 0 : i32
      %dma_wait3A_44 = tpu.memref_slice %arg2[%dma_wait3A, %dma_wait3A_43] : memref<10240x128xf32, #tpu.memory_space<hbm>> -> memref<10240x128xf32, #tpu.memory_space<hbm>>
      tpu.wait_indirect_dma semaphore(%arg11 : memref<!tpu.dma_semaphore, #tpu.memory_space<semaphore_mem>>) src(%dma_wait3A_44 : memref<10240x128xf32, #tpu.memory_space<hbm>>) dst(%arg8 : memref<128x128xf32, #tpu.memory_space<vmem>>)
      "tpu.region"() ({
        %run_scoped3A = tpu.sem_alloc : memref<!tpu.dma_semaphore, #tpu.memory_space<semaphore_mem>>
        %dma_start3A_46 = arith.constant 0 : i32
        %dma_start3A_47 = arith.constant 0 : i32
        %dma_start3A_48 = tpu.memref_slice %arg10[%dma_start3A_46, %dma_start3A_47] : memref<10240x128xf32, #tpu.memory_space<vmem_shared>> -> memref<10240x128xf32, #tpu.memory_space<vmem_shared>>
        tpu.enqueue_indirect_dma source(%arg8 : memref<128x128xf32, #tpu.memory_space<vmem>>) target(%dma_start3A_48 : memref<10240x128xf32, #tpu.memory_space<vmem_shared>>) offsets(%arg7 : memref<128xi32, #tpu.memory_space<vmem>>) semaphore(%run_scoped3A : memref<!tpu.dma_semaphore, #tpu.memory_space<semaphore_mem>>) {add = true}
        %dma_wait3A_49 = arith.constant 0 : i32
        %dma_wait3A_50 = arith.constant 0 : i32
        %dma_wait3A_51 = tpu.memref_slice %arg10[%dma_wait3A_49, %dma_wait3A_50] : memref<10240x128xf32, #tpu.memory_space<vmem_shared>> -> memref<10240x128xf32, #tpu.memory_space<vmem_shared>>
        tpu.wait_indirect_dma semaphore(%run_scoped3A : memref<!tpu.dma_semaphore, #tpu.memory_space<semaphore_mem>>) src(%arg8 : memref<128x128xf32, #tpu.memory_space<vmem>>) dst(%dma_wait3A_51 : memref<10240x128xf32, #tpu.memory_space<vmem_shared>>)
        tpu.yield
      }) : () -> ()
      %scan3A_45 = arith.constant 0 : i32
      scf.yield %scan3A_45 : i32
    }
    %scan3A_28 = arith.constant 79 : i32
    %barrier3A_29 = arith.constant 0 : index
    tpu.barrier barrier_id(%barrier3A_29)
    %mul3A_30 = arith.constant 10240 : i32
    %mul3A_31 = arith.muli %arg0, %mul3A_30 : i32
    %add3A_32 = arith.addi %mul3A_31, %mul3A_0 : i32
    "tpu.region"() ({
      %run_scoped3A = tpu.sem_alloc : memref<!tpu.dma_semaphore, #tpu.memory_space<semaphore_mem>>
      %dma_start3A = arith.constant 0 : i32
      %dma_start3A_33 = tpu.memref_slice %arg5[%add3A_32, %dma_start3A] : memref<20480x128xf32, #tpu.memory_space<hbm>> -> memref<640x128xf32, #tpu.memory_space<hbm>>
      %dma_start3A_34 = arith.constant 0 : i32
      %dma_start3A_35 = tpu.memref_slice %arg10[%mul3A_0, %dma_start3A_34] : memref<10240x128xf32, #tpu.memory_space<vmem_shared>> -> memref<640x128xf32, #tpu.memory_space<vmem_shared>>
      tpu.enqueue_dma source(%dma_start3A_35 : memref<640x128xf32, #tpu.memory_space<vmem_shared>>) target(%dma_start3A_33 : memref<640x128xf32, #tpu.memory_space<hbm>>) target_semaphore(%run_scoped3A : memref<!tpu.dma_semaphore, #tpu.memory_space<semaphore_mem>>)
      %dma_wait3A = arith.constant 0 : i32
      %dma_wait3A_36 = tpu.memref_slice %arg5[%add3A_32, %dma_wait3A] : memref<20480x128xf32, #tpu.memory_space<hbm>> -> memref<640x128xf32, #tpu.memory_space<hbm>>
      %dma_wait3A_37 = arith.constant 0 : i32
      %dma_wait3A_38 = tpu.memref_slice %arg10[%mul3A_0, %dma_wait3A_37] : memref<10240x128xf32, #tpu.memory_space<vmem_shared>> -> memref<640x128xf32, #tpu.memory_space<vmem_shared>>
      tpu.wait_dma2 semaphore(%run_scoped3A : memref<!tpu.dma_semaphore, #tpu.memory_space<semaphore_mem>>) src(%dma_wait3A_38 : memref<640x128xf32, #tpu.memory_space<vmem_shared>>) dst(%dma_wait3A_36 : memref<640x128xf32, #tpu.memory_space<hbm>>)
      tpu.yield
    }) : () -> ()
    return
  }
}

#map = affine_map<(d0, d1) -> (0)>
module attributes {stable_mosaic.version = 14 : i64} {
  func.func @_deg_kernel(%arg0: i32, %arg1: i32, %arg2: memref<647168xi32, #tpu.memory_space<hbm>>, %arg3: memref<20480xf32, #tpu.memory_space<hbm>>, %arg4: memref<128xi32, #tpu.memory_space<vmem>>, %arg5: memref<128xf32, #tpu.memory_space<vmem>>, %arg6: memref<10240xf32, #tpu.memory_space<vmem_shared>>, %arg7: memref<!tpu.dma_semaphore, #tpu.memory_space<semaphore_mem>>) attributes {dimension_semantics = [#tpu.dimension_semantics<core_parallel>, #tpu.dimension_semantics<subcore_parallel>], iteration_bounds = array<i64: 2, 16>, scalar_prefetch = 0 : i64, scratch_operands = 4 : i64, tpu.core_type = #tpu.core_type<sc_vector_subcore>, window_params = [{transform_indices = #map}, {transform_indices = #map}]} {
    %mul3A = arith.constant 640 : i32
    %mul3A_0 = arith.muli %arg1, %mul3A : i32
    %broadcast_in_dim3A = arith.constant 0.000000e+00 : f32
    %broadcast_in_dim3A_1 = vector.broadcast %broadcast_in_dim3A : f32 to vector<16xf32>
    %scan3A = arith.constant 0 : i32
    %scan3A_2 = arith.constant 0 : i32
    %scan3A_3 = arith.constant 8 : i32
    %scan3A_4 = arith.addi %scan3A_2, %scan3A_3 : i32
    %scan3A_5 = arith.constant 1 : i32
    %scan3A_6 = scf.for %scan3A_42 = %scan3A_2 to %scan3A_4 step %scan3A_5 iter_args(%scan3A_43 = %scan3A) -> (i32)  : i32 {
      %mul3A_44 = arith.constant 16 : i32
      %mul3A_45 = arith.muli %scan3A_42, %mul3A_44 : i32
      %swap3A = arith.index_cast %mul3A_45 : i32 to index
      %swap3A_46 = tpu.vector_load %arg5[%swap3A] {strides = array<i32>} : memref<128xf32, #tpu.memory_space<vmem>>, vector<16xf32>,
      %swap3A_47 = vector.shape_cast %swap3A_46 : vector<16xf32> to vector<16xf32>
      %swap3A_48 = vector.shape_cast %broadcast_in_dim3A_1 : vector<16xf32> to vector<16xf32>
      tpu.vector_store %arg5[%swap3A], %swap3A_48 {strides = array<i32>} : memref<128xf32, #tpu.memory_space<vmem>>, vector<16xf32>,
      %scan3A_49 = arith.constant 0 : i32
      scf.yield %scan3A_49 : i32
    }
    %scan3A_7 = arith.constant 8 : i32
    %add3A = arith.constant 0 : i32
    %add3A_8 = arith.addi %mul3A_0, %add3A : i32
    "tpu.region"() ({
      %run_scoped3A = tpu.sem_alloc : memref<!tpu.dma_semaphore, #tpu.memory_space<semaphore_mem>>
      %dma_start3A = tpu.memref_slice %arg6[%add3A_8] : memref<10240xf32, #tpu.memory_space<vmem_shared>> -> memref<128xf32, #tpu.memory_space<vmem_shared>>
      %dma_start3A_42 = tpu.memref_slice %arg6[%add3A_8] : memref<10240xf32, #tpu.memory_space<vmem_shared>> -> memref<128xf32, #tpu.memory_space<vmem_shared>>
      tpu.enqueue_dma source(%arg5 : memref<128xf32, #tpu.memory_space<vmem>>) target(%dma_start3A_42 : memref<128xf32, #tpu.memory_space<vmem_shared>>) target_semaphore(%run_scoped3A : memref<!tpu.dma_semaphore, #tpu.memory_space<semaphore_mem>>)
      %dma_wait3A = tpu.memref_slice %arg6[%add3A_8] : memref<10240xf32, #tpu.memory_space<vmem_shared>> -> memref<128xf32, #tpu.memory_space<vmem_shared>>
      %dma_wait3A_43 = tpu.memref_slice %arg6[%add3A_8] : memref<10240xf32, #tpu.memory_space<vmem_shared>> -> memref<128xf32, #tpu.memory_space<vmem_shared>>
      tpu.wait_dma2 semaphore(%run_scoped3A : memref<!tpu.dma_semaphore, #tpu.memory_space<semaphore_mem>>) src(%arg5 : memref<128xf32, #tpu.memory_space<vmem>>) dst(%dma_wait3A_43 : memref<128xf32, #tpu.memory_space<vmem_shared>>)
      tpu.yield
    }) : () -> ()
    %add3A_9 = arith.constant 128 : i32
    %add3A_10 = arith.addi %mul3A_0, %add3A_9 : i32
    "tpu.region"() ({
      %run_scoped3A = tpu.sem_alloc : memref<!tpu.dma_semaphore, #tpu.memory_space<semaphore_mem>>
      %dma_start3A = tpu.memref_slice %arg6[%add3A_10] : memref<10240xf32, #tpu.memory_space<vmem_shared>> -> memref<128xf32, #tpu.memory_space<vmem_shared>>
      %dma_start3A_42 = tpu.memref_slice %arg6[%add3A_10] : memref<10240xf32, #tpu.memory_space<vmem_shared>> -> memref<128xf32, #tpu.memory_space<vmem_shared>>
      tpu.enqueue_dma source(%arg5 : memref<128xf32, #tpu.memory_space<vmem>>) target(%dma_start3A_42 : memref<128xf32, #tpu.memory_space<vmem_shared>>) target_semaphore(%run_scoped3A : memref<!tpu.dma_semaphore, #tpu.memory_space<semaphore_mem>>)
      %dma_wait3A = tpu.memref_slice %arg6[%add3A_10] : memref<10240xf32, #tpu.memory_space<vmem_shared>> -> memref<128xf32, #tpu.memory_space<vmem_shared>>
      %dma_wait3A_43 = tpu.memref_slice %arg6[%add3A_10] : memref<10240xf32, #tpu.memory_space<vmem_shared>> -> memref<128xf32, #tpu.memory_space<vmem_shared>>
      tpu.wait_dma2 semaphore(%run_scoped3A : memref<!tpu.dma_semaphore, #tpu.memory_space<semaphore_mem>>) src(%arg5 : memref<128xf32, #tpu.memory_space<vmem>>) dst(%dma_wait3A_43 : memref<128xf32, #tpu.memory_space<vmem_shared>>)
      tpu.yield
    }) : () -> ()
    %add3A_11 = arith.constant 256 : i32
    %add3A_12 = arith.addi %mul3A_0, %add3A_11 : i32
    "tpu.region"() ({
      %run_scoped3A = tpu.sem_alloc : memref<!tpu.dma_semaphore, #tpu.memory_space<semaphore_mem>>
      %dma_start3A = tpu.memref_slice %arg6[%add3A_12] : memref<10240xf32, #tpu.memory_space<vmem_shared>> -> memref<128xf32, #tpu.memory_space<vmem_shared>>
      %dma_start3A_42 = tpu.memref_slice %arg6[%add3A_12] : memref<10240xf32, #tpu.memory_space<vmem_shared>> -> memref<128xf32, #tpu.memory_space<vmem_shared>>
      tpu.enqueue_dma source(%arg5 : memref<128xf32, #tpu.memory_space<vmem>>) target(%dma_start3A_42 : memref<128xf32, #tpu.memory_space<vmem_shared>>) target_semaphore(%run_scoped3A : memref<!tpu.dma_semaphore, #tpu.memory_space<semaphore_mem>>)
      %dma_wait3A = tpu.memref_slice %arg6[%add3A_12] : memref<10240xf32, #tpu.memory_space<vmem_shared>> -> memref<128xf32, #tpu.memory_space<vmem_shared>>
      %dma_wait3A_43 = tpu.memref_slice %arg6[%add3A_12] : memref<10240xf32, #tpu.memory_space<vmem_shared>> -> memref<128xf32, #tpu.memory_space<vmem_shared>>
      tpu.wait_dma2 semaphore(%run_scoped3A : memref<!tpu.dma_semaphore, #tpu.memory_space<semaphore_mem>>) src(%arg5 : memref<128xf32, #tpu.memory_space<vmem>>) dst(%dma_wait3A_43 : memref<128xf32, #tpu.memory_space<vmem_shared>>)
      tpu.yield
    }) : () -> ()
    %add3A_13 = arith.constant 384 : i32
    %add3A_14 = arith.addi %mul3A_0, %add3A_13 : i32
    "tpu.region"() ({
      %run_scoped3A = tpu.sem_alloc : memref<!tpu.dma_semaphore, #tpu.memory_space<semaphore_mem>>
      %dma_start3A = tpu.memref_slice %arg6[%add3A_14] : memref<10240xf32, #tpu.memory_space<vmem_shared>> -> memref<128xf32, #tpu.memory_space<vmem_shared>>
      %dma_start3A_42 = tpu.memref_slice %arg6[%add3A_14] : memref<10240xf32, #tpu.memory_space<vmem_shared>> -> memref<128xf32, #tpu.memory_space<vmem_shared>>
      tpu.enqueue_dma source(%arg5 : memref<128xf32, #tpu.memory_space<vmem>>) target(%dma_start3A_42 : memref<128xf32, #tpu.memory_space<vmem_shared>>) target_semaphore(%run_scoped3A : memref<!tpu.dma_semaphore, #tpu.memory_space<semaphore_mem>>)
      %dma_wait3A = tpu.memref_slice %arg6[%add3A_14] : memref<10240xf32, #tpu.memory_space<vmem_shared>> -> memref<128xf32, #tpu.memory_space<vmem_shared>>
      %dma_wait3A_43 = tpu.memref_slice %arg6[%add3A_14] : memref<10240xf32, #tpu.memory_space<vmem_shared>> -> memref<128xf32, #tpu.memory_space<vmem_shared>>
      tpu.wait_dma2 semaphore(%run_scoped3A : memref<!tpu.dma_semaphore, #tpu.memory_space<semaphore_mem>>) src(%arg5 : memref<128xf32, #tpu.memory_space<vmem>>) dst(%dma_wait3A_43 : memref<128xf32, #tpu.memory_space<vmem_shared>>)
      tpu.yield
    }) : () -> ()
    %add3A_15 = arith.constant 512 : i32
    %add3A_16 = arith.addi %mul3A_0, %add3A_15 : i32
    "tpu.region"() ({
      %run_scoped3A = tpu.sem_alloc : memref<!tpu.dma_semaphore, #tpu.memory_space<semaphore_mem>>
      %dma_start3A = tpu.memref_slice %arg6[%add3A_16] : memref<10240xf32, #tpu.memory_space<vmem_shared>> -> memref<128xf32, #tpu.memory_space<vmem_shared>>
      %dma_start3A_42 = tpu.memref_slice %arg6[%add3A_16] : memref<10240xf32, #tpu.memory_space<vmem_shared>> -> memref<128xf32, #tpu.memory_space<vmem_shared>>
      tpu.enqueue_dma source(%arg5 : memref<128xf32, #tpu.memory_space<vmem>>) target(%dma_start3A_42 : memref<128xf32, #tpu.memory_space<vmem_shared>>) target_semaphore(%run_scoped3A : memref<!tpu.dma_semaphore, #tpu.memory_space<semaphore_mem>>)
      %dma_wait3A = tpu.memref_slice %arg6[%add3A_16] : memref<10240xf32, #tpu.memory_space<vmem_shared>> -> memref<128xf32, #tpu.memory_space<vmem_shared>>
      %dma_wait3A_43 = tpu.memref_slice %arg6[%add3A_16] : memref<10240xf32, #tpu.memory_space<vmem_shared>> -> memref<128xf32, #tpu.memory_space<vmem_shared>>
      tpu.wait_dma2 semaphore(%run_scoped3A : memref<!tpu.dma_semaphore, #tpu.memory_space<semaphore_mem>>) src(%arg5 : memref<128xf32, #tpu.memory_space<vmem>>) dst(%dma_wait3A_43 : memref<128xf32, #tpu.memory_space<vmem_shared>>)
      tpu.yield
    }) : () -> ()
    %broadcast_in_dim3A_17 = arith.constant 1.000000e+00 : f32
    %broadcast_in_dim3A_18 = vector.broadcast %broadcast_in_dim3A_17 : f32 to vector<16xf32>
    %scan3A_19 = arith.constant 0 : i32
    %scan3A_20 = arith.constant 0 : i32
    %scan3A_21 = arith.constant 8 : i32
    %scan3A_22 = arith.addi %scan3A_20, %scan3A_21 : i32
    %scan3A_23 = arith.constant 1 : i32
    %scan3A_24 = scf.for %scan3A_42 = %scan3A_20 to %scan3A_22 step %scan3A_23 iter_args(%scan3A_43 = %scan3A_19) -> (i32)  : i32 {
      %mul3A_44 = arith.constant 16 : i32
      %mul3A_45 = arith.muli %scan3A_42, %mul3A_44 : i32
      %swap3A = arith.index_cast %mul3A_45 : i32 to index
      %swap3A_46 = tpu.vector_load %arg5[%swap3A] {strides = array<i32>} : memref<128xf32, #tpu.memory_space<vmem>>, vector<16xf32>,
      %swap3A_47 = vector.shape_cast %swap3A_46 : vector<16xf32> to vector<16xf32>
      %swap3A_48 = vector.shape_cast %broadcast_in_dim3A_18 : vector<16xf32> to vector<16xf32>
      tpu.vector_store %arg5[%swap3A], %swap3A_48 {strides = array<i32>} : memref<128xf32, #tpu.memory_space<vmem>>, vector<16xf32>,
      %scan3A_49 = arith.constant 0 : i32
      scf.yield %scan3A_49 : i32
    }
    %scan3A_25 = arith.constant 8 : i32
    %barrier3A = arith.constant 0 : index
    tpu.barrier barrier_id(%barrier3A)
    %mul3A_26 = arith.constant 323584 : i32
    %mul3A_27 = arith.muli %arg0, %mul3A_26 : i32
    %mul3A_28 = arith.constant 20224 : i32
    %mul3A_29 = arith.muli %arg1, %mul3A_28 : i32
    %add3A_30 = arith.addi %mul3A_27, %mul3A_29 : i32
    %scan3A_31 = arith.constant 0 : i32
    %scan3A_32 = arith.constant 0 : i32
    %scan3A_33 = arith.constant 158 : i32
    %scan3A_34 = arith.addi %scan3A_32, %scan3A_33 : i32
    %scan3A_35 = arith.constant 1 : i32
    %scan3A_36 = scf.for %scan3A_42 = %scan3A_32 to %scan3A_34 step %scan3A_35 iter_args(%scan3A_43 = %scan3A_31) -> (i32)  : i32 {
      %mul3A_44 = arith.constant 128 : i32
      %mul3A_45 = arith.muli %scan3A_42, %mul3A_44 : i32
      %add3A_46 = arith.addi %add3A_30, %mul3A_45 : i32
      "tpu.region"() ({
        %run_scoped3A = tpu.sem_alloc : memref<!tpu.dma_semaphore, #tpu.memory_space<semaphore_mem>>
        %dma_start3A = tpu.memref_slice %arg2[%add3A_46] : memref<647168xi32, #tpu.memory_space<hbm>> -> memref<128xi32, #tpu.memory_space<hbm>>
        %dma_start3A_48 = tpu.memref_slice %arg2[%add3A_46] : memref<647168xi32, #tpu.memory_space<hbm>> -> memref<128xi32, #tpu.memory_space<hbm>>
        tpu.enqueue_dma source(%dma_start3A_48 : memref<128xi32, #tpu.memory_space<hbm>>) target(%arg4 : memref<128xi32, #tpu.memory_space<vmem>>) target_semaphore(%run_scoped3A : memref<!tpu.dma_semaphore, #tpu.memory_space<semaphore_mem>>)
        %dma_wait3A = tpu.memref_slice %arg2[%add3A_46] : memref<647168xi32, #tpu.memory_space<hbm>> -> memref<128xi32, #tpu.memory_space<hbm>>
        %dma_wait3A_49 = tpu.memref_slice %arg2[%add3A_46] : memref<647168xi32, #tpu.memory_space<hbm>> -> memref<128xi32, #tpu.memory_space<hbm>>
        tpu.wait_dma2 semaphore(%run_scoped3A : memref<!tpu.dma_semaphore, #tpu.memory_space<semaphore_mem>>) src(%dma_wait3A_49 : memref<128xi32, #tpu.memory_space<hbm>>) dst(%arg4 : memref<128xi32, #tpu.memory_space<vmem>>)
        tpu.yield
      }) : () -> ()
      "tpu.region"() ({
        %run_scoped3A = tpu.sem_alloc : memref<!tpu.dma_semaphore, #tpu.memory_space<semaphore_mem>>
        %dma_start3A = arith.constant 0 : i32
        %dma_start3A_48 = tpu.memref_slice %arg6[%dma_start3A] : memref<10240xf32, #tpu.memory_space<vmem_shared>> -> memref<10240xf32, #tpu.memory_space<vmem_shared>>
        tpu.enqueue_indirect_dma source(%arg5 : memref<128xf32, #tpu.memory_space<vmem>>) target(%dma_start3A_48 : memref<10240xf32, #tpu.memory_space<vmem_shared>>) offsets(%arg4 : memref<128xi32, #tpu.memory_space<vmem>>) semaphore(%run_scoped3A : memref<!tpu.dma_semaphore, #tpu.memory_space<semaphore_mem>>) {add = true}
        %dma_wait3A = arith.constant 0 : i32
        %dma_wait3A_49 = tpu.memref_slice %arg6[%dma_wait3A] : memref<10240xf32, #tpu.memory_space<vmem_shared>> -> memref<10240xf32, #tpu.memory_space<vmem_shared>>
        tpu.wait_indirect_dma semaphore(%run_scoped3A : memref<!tpu.dma_semaphore, #tpu.memory_space<semaphore_mem>>) src(%arg5 : memref<128xf32, #tpu.memory_space<vmem>>) dst(%dma_wait3A_49 : memref<10240xf32, #tpu.memory_space<vmem_shared>>)
        tpu.yield
      }) : () -> ()
      %scan3A_47 = arith.constant 0 : i32
      scf.yield %scan3A_47 : i32
    }
    %scan3A_37 = arith.constant 158 : i32
    %barrier3A_38 = arith.constant 0 : index
    tpu.barrier barrier_id(%barrier3A_38)
    %mul3A_39 = arith.constant 10240 : i32
    %mul3A_40 = arith.muli %arg0, %mul3A_39 : i32
    %add3A_41 = arith.addi %mul3A_40, %mul3A_0 : i32
    "tpu.region"() ({
      %run_scoped3A = tpu.sem_alloc : memref<!tpu.dma_semaphore, #tpu.memory_space<semaphore_mem>>
      %dma_start3A = tpu.memref_slice %arg3[%add3A_41] : memref<20480xf32, #tpu.memory_space<hbm>> -> memref<640xf32, #tpu.memory_space<hbm>>
      %dma_start3A_42 = tpu.memref_slice %arg6[%mul3A_0] : memref<10240xf32, #tpu.memory_space<vmem_shared>> -> memref<640xf32, #tpu.memory_space<vmem_shared>>
      tpu.enqueue_dma source(%dma_start3A_42 : memref<640xf32, #tpu.memory_space<vmem_shared>>) target(%dma_start3A : memref<640xf32, #tpu.memory_space<hbm>>) target_semaphore(%run_scoped3A : memref<!tpu.dma_semaphore, #tpu.memory_space<semaphore_mem>>)
      %dma_wait3A = tpu.memref_slice %arg3[%add3A_41] : memref<20480xf32, #tpu.memory_space<hbm>> -> memref<640xf32, #tpu.memory_space<hbm>>
      %dma_wait3A_43 = tpu.memref_slice %arg6[%mul3A_0] : memref<10240xf32, #tpu.memory_space<vmem_shared>> -> memref<640xf32, #tpu.memory_space<vmem_shared>>
      tpu.wait_dma2 semaphore(%run_scoped3A : memref<!tpu.dma_semaphore, #tpu.memory_space<semaphore_mem>>) src(%dma_wait3A_43 : memref<640xf32, #tpu.memory_space<vmem_shared>>) dst(%dma_wait3A : memref<640xf32, #tpu.memory_space<hbm>>)
      tpu.yield
    }) : () -> ()
    return
  }
}

#map = affine_map<(d0, d1) -> (0, 0)>
#map1 = affine_map<(d0, d1) -> (0)>
module attributes {stable_mosaic.version = 14 : i64} {
  func.func @_sweep_kernel(%arg0: i32, %arg1: i32, %arg2: memref<10240x128xf32, #tpu.memory_space<hbm>>, %arg3: memref<323584xi32, #tpu.memory_space<hbm>>, %arg4: memref<323584xi32, #tpu.memory_space<hbm>>, %arg5: memref<20480x128xf32, #tpu.memory_space<hbm>>, %arg6: memref<128xi32, #tpu.memory_space<vmem>>, %arg7: memref<128xi32, #tpu.memory_space<vmem>>, %arg8: memref<128x128xf32, #tpu.memory_space<vmem>>, %arg9: memref<128x128xf32, #tpu.memory_space<vmem>>, %arg10: memref<10240x128xf32, #tpu.memory_space<vmem_shared>>, %arg11: memref<!tpu.dma_semaphore, #tpu.memory_space<semaphore_mem>>) attributes {dimension_semantics = [#tpu.dimension_semantics<core_parallel>, #tpu.dimension_semantics<subcore_parallel>], iteration_bounds = array<i64: 2, 16>, scalar_prefetch = 0 : i64, scratch_operands = 6 : i64, tpu.core_type = #tpu.core_type<sc_vector_subcore>, window_params = [{transform_indices = #map}, {transform_indices = #map1}, {transform_indices = #map1}, {transform_indices = #map}]} {
    %mul3A = arith.constant 640 : i32
    %mul3A_0 = arith.muli %arg1, %mul3A : i32
    %broadcast_in_dim3A = arith.constant 0.000000e+00 : f32
    %broadcast_in_dim3A_1 = vector.broadcast %broadcast_in_dim3A : f32 to vector<16xf32>
    %scan3A = arith.constant 0 : i32
    %scan3A_2 = arith.constant 0 : i32
    %scan3A_3 = arith.constant 128 : i32
    %scan3A_4 = arith.addi %scan3A_2, %scan3A_3 : i32
    %scan3A_5 = arith.constant 1 : i32
    %scan3A_6 = scf.for %scan3A_33 = %scan3A_2 to %scan3A_4 step %scan3A_5 iter_args(%scan3A_34 = %scan3A) -> (i32)  : i32 {
      %swap3A = arith.index_cast %scan3A_33 : i32 to index
      %swap3A_35 = arith.constant 0 : index
      %swap3A_36 = tpu.vector_load %arg9[%swap3A, %swap3A_35] {strides = array<i32>} : memref<128x128xf32, #tpu.memory_space<vmem>>, vector<1x16xf32>,
      %swap3A_37 = vector.shape_cast %swap3A_36 : vector<1x16xf32> to vector<16xf32>
      %swap3A_38 = vector.shape_cast %broadcast_in_dim3A_1 : vector<16xf32> to vector<1x16xf32>
      tpu.vector_store %arg9[%swap3A, %swap3A_35], %swap3A_38 {strides = array<i32>} : memref<128x128xf32, #tpu.memory_space<vmem>>, vector<1x16xf32>,
      %swap3A_39 = arith.index_cast %scan3A_33 : i32 to index
      %swap3A_40 = arith.constant 16 : index
      %swap3A_41 = tpu.vector_load %arg9[%swap3A_39, %swap3A_40] {strides = array<i32>} : memref<128x128xf32, #tpu.memory_space<vmem>>, vector<1x16xf32>,
      %swap3A_42 = vector.shape_cast %swap3A_41 : vector<1x16xf32> to vector<16xf32>
      %swap3A_43 = vector.shape_cast %broadcast_in_dim3A_1 : vector<16xf32> to vector<1x16xf32>
      tpu.vector_store %arg9[%swap3A_39, %swap3A_40], %swap3A_43 {strides = array<i32>} : memref<128x128xf32, #tpu.memory_space<vmem>>, vector<1x16xf32>,
      %swap3A_44 = arith.index_cast %scan3A_33 : i32 to index
      %swap3A_45 = arith.constant 32 : index
      %swap3A_46 = tpu.vector_load %arg9[%swap3A_44, %swap3A_45] {strides = array<i32>} : memref<128x128xf32, #tpu.memory_space<vmem>>, vector<1x16xf32>,
      %swap3A_47 = vector.shape_cast %swap3A_46 : vector<1x16xf32> to vector<16xf32>
      %swap3A_48 = vector.shape_cast %broadcast_in_dim3A_1 : vector<16xf32> to vector<1x16xf32>
      tpu.vector_store %arg9[%swap3A_44, %swap3A_45], %swap3A_48 {strides = array<i32>} : memref<128x128xf32, #tpu.memory_space<vmem>>, vector<1x16xf32>,
      %swap3A_49 = arith.index_cast %scan3A_33 : i32 to index
      %swap3A_50 = arith.constant 48 : index
      %swap3A_51 = tpu.vector_load %arg9[%swap3A_49, %swap3A_50] {strides = array<i32>} : memref<128x128xf32, #tpu.memory_space<vmem>>, vector<1x16xf32>,
      %swap3A_52 = vector.shape_cast %swap3A_51 : vector<1x16xf32> to vector<16xf32>
      %swap3A_53 = vector.shape_cast %broadcast_in_dim3A_1 : vector<16xf32> to vector<1x16xf32>
      tpu.vector_store %arg9[%swap3A_49, %swap3A_50], %swap3A_53 {strides = array<i32>} : memref<128x128xf32, #tpu.memory_space<vmem>>, vector<1x16xf32>,
      %swap3A_54 = arith.index_cast %scan3A_33 : i32 to index
      %swap3A_55 = arith.constant 64 : index
      %swap3A_56 = tpu.vector_load %arg9[%swap3A_54, %swap3A_55] {strides = array<i32>} : memref<128x128xf32, #tpu.memory_space<vmem>>, vector<1x16xf32>,
      %swap3A_57 = vector.shape_cast %swap3A_56 : vector<1x16xf32> to vector<16xf32>
      %swap3A_58 = vector.shape_cast %broadcast_in_dim3A_1 : vector<16xf32> to vector<1x16xf32>
      tpu.vector_store %arg9[%swap3A_54, %swap3A_55], %swap3A_58 {strides = array<i32>} : memref<128x128xf32, #tpu.memory_space<vmem>>, vector<1x16xf32>,
      %swap3A_59 = arith.index_cast %scan3A_33 : i32 to index
      %swap3A_60 = arith.constant 80 : index
      %swap3A_61 = tpu.vector_load %arg9[%swap3A_59, %swap3A_60] {strides = array<i32>} : memref<128x128xf32, #tpu.memory_space<vmem>>, vector<1x16xf32>,
      %swap3A_62 = vector.shape_cast %swap3A_61 : vector<1x16xf32> to vector<16xf32>
      %swap3A_63 = vector.shape_cast %broadcast_in_dim3A_1 : vector<16xf32> to vector<1x16xf32>
      tpu.vector_store %arg9[%swap3A_59, %swap3A_60], %swap3A_63 {strides = array<i32>} : memref<128x128xf32, #tpu.memory_space<vmem>>, vector<1x16xf32>,
      %swap3A_64 = arith.index_cast %scan3A_33 : i32 to index
      %swap3A_65 = arith.constant 96 : index
      %swap3A_66 = tpu.vector_load %arg9[%swap3A_64, %swap3A_65] {strides = array<i32>} : memref<128x128xf32, #tpu.memory_space<vmem>>, vector<1x16xf32>,
      %swap3A_67 = vector.shape_cast %swap3A_66 : vector<1x16xf32> to vector<16xf32>
      %swap3A_68 = vector.shape_cast %broadcast_in_dim3A_1 : vector<16xf32> to vector<1x16xf32>
      tpu.vector_store %arg9[%swap3A_64, %swap3A_65], %swap3A_68 {strides = array<i32>} : memref<128x128xf32, #tpu.memory_space<vmem>>, vector<1x16xf32>,
      %swap3A_69 = arith.index_cast %scan3A_33 : i32 to index
      %swap3A_70 = arith.constant 112 : index
      %swap3A_71 = tpu.vector_load %arg9[%swap3A_69, %swap3A_70] {strides = array<i32>} : memref<128x128xf32, #tpu.memory_space<vmem>>, vector<1x16xf32>,
      %swap3A_72 = vector.shape_cast %swap3A_71 : vector<1x16xf32> to vector<16xf32>
      %swap3A_73 = vector.shape_cast %broadcast_in_dim3A_1 : vector<16xf32> to vector<1x16xf32>
      tpu.vector_store %arg9[%swap3A_69, %swap3A_70], %swap3A_73 {strides = array<i32>} : memref<128x128xf32, #tpu.memory_space<vmem>>, vector<1x16xf32>,
      %scan3A_74 = arith.constant 0 : i32
      scf.yield %scan3A_74 : i32
    }
    %scan3A_7 = arith.constant 128 : i32
    %add3A = arith.constant 0 : i32
    %add3A_8 = arith.addi %mul3A_0, %add3A : i32
    "tpu.region"() ({
      %run_scoped3A = tpu.sem_alloc : memref<!tpu.dma_semaphore, #tpu.memory_space<semaphore_mem>>
      %dma_start3A = arith.constant 0 : i32
      %dma_start3A_33 = tpu.memref_slice %arg10[%add3A_8, %dma_start3A] : memref<10240x128xf32, #tpu.memory_space<vmem_shared>> -> memref<128x128xf32, #tpu.memory_space<vmem_shared>>
      %dma_start3A_34 = arith.constant 0 : i32
      %dma_start3A_35 = tpu.memref_slice %arg10[%add3A_8, %dma_start3A_34] : memref<10240x128xf32, #tpu.memory_space<vmem_shared>> -> memref<128x128xf32, #tpu.memory_space<vmem_shared>>
      tpu.enqueue_dma source(%arg9 : memref<128x128xf32, #tpu.memory_space<vmem>>) target(%dma_start3A_35 : memref<128x128xf32, #tpu.memory_space<vmem_shared>>) target_semaphore(%run_scoped3A : memref<!tpu.dma_semaphore, #tpu.memory_space<semaphore_mem>>)
      %dma_wait3A = arith.constant 0 : i32
      %dma_wait3A_36 = tpu.memref_slice %arg10[%add3A_8, %dma_wait3A] : memref<10240x128xf32, #tpu.memory_space<vmem_shared>> -> memref<128x128xf32, #tpu.memory_space<vmem_shared>>
      %dma_wait3A_37 = arith.constant 0 : i32
      %dma_wait3A_38 = tpu.memref_slice %arg10[%add3A_8, %dma_wait3A_37] : memref<10240x128xf32, #tpu.memory_space<vmem_shared>> -> memref<128x128xf32, #tpu.memory_space<vmem_shared>>
      tpu.wait_dma2 semaphore(%run_scoped3A : memref<!tpu.dma_semaphore, #tpu.memory_space<semaphore_mem>>) src(%arg9 : memref<128x128xf32, #tpu.memory_space<vmem>>) dst(%dma_wait3A_38 : memref<128x128xf32, #tpu.memory_space<vmem_shared>>)
      tpu.yield
    }) : () -> ()
    %add3A_9 = arith.constant 128 : i32
    %add3A_10 = arith.addi %mul3A_0, %add3A_9 : i32
    "tpu.region"() ({
      %run_scoped3A = tpu.sem_alloc : memref<!tpu.dma_semaphore, #tpu.memory_space<semaphore_mem>>
      %dma_start3A = arith.constant 0 : i32
      %dma_start3A_33 = tpu.memref_slice %arg10[%add3A_10, %dma_start3A] : memref<10240x128xf32, #tpu.memory_space<vmem_shared>> -> memref<128x128xf32, #tpu.memory_space<vmem_shared>>
      %dma_start3A_34 = arith.constant 0 : i32
      %dma_start3A_35 = tpu.memref_slice %arg10[%add3A_10, %dma_start3A_34] : memref<10240x128xf32, #tpu.memory_space<vmem_shared>> -> memref<128x128xf32, #tpu.memory_space<vmem_shared>>
      tpu.enqueue_dma source(%arg9 : memref<128x128xf32, #tpu.memory_space<vmem>>) target(%dma_start3A_35 : memref<128x128xf32, #tpu.memory_space<vmem_shared>>) target_semaphore(%run_scoped3A : memref<!tpu.dma_semaphore, #tpu.memory_space<semaphore_mem>>)
      %dma_wait3A = arith.constant 0 : i32
      %dma_wait3A_36 = tpu.memref_slice %arg10[%add3A_10, %dma_wait3A] : memref<10240x128xf32, #tpu.memory_space<vmem_shared>> -> memref<128x128xf32, #tpu.memory_space<vmem_shared>>
      %dma_wait3A_37 = arith.constant 0 : i32
      %dma_wait3A_38 = tpu.memref_slice %arg10[%add3A_10, %dma_wait3A_37] : memref<10240x128xf32, #tpu.memory_space<vmem_shared>> -> memref<128x128xf32, #tpu.memory_space<vmem_shared>>
      tpu.wait_dma2 semaphore(%run_scoped3A : memref<!tpu.dma_semaphore, #tpu.memory_space<semaphore_mem>>) src(%arg9 : memref<128x128xf32, #tpu.memory_space<vmem>>) dst(%dma_wait3A_38 : memref<128x128xf32, #tpu.memory_space<vmem_shared>>)
      tpu.yield
    }) : () -> ()
    %add3A_11 = arith.constant 256 : i32
    %add3A_12 = arith.addi %mul3A_0, %add3A_11 : i32
    "tpu.region"() ({
      %run_scoped3A = tpu.sem_alloc : memref<!tpu.dma_semaphore, #tpu.memory_space<semaphore_mem>>
      %dma_start3A = arith.constant 0 : i32
      %dma_start3A_33 = tpu.memref_slice %arg10[%add3A_12, %dma_start3A] : memref<10240x128xf32, #tpu.memory_space<vmem_shared>> -> memref<128x128xf32, #tpu.memory_space<vmem_shared>>
      %dma_start3A_34 = arith.constant 0 : i32
      %dma_start3A_35 = tpu.memref_slice %arg10[%add3A_12, %dma_start3A_34] : memref<10240x128xf32, #tpu.memory_space<vmem_shared>> -> memref<128x128xf32, #tpu.memory_space<vmem_shared>>
      tpu.enqueue_dma source(%arg9 : memref<128x128xf32, #tpu.memory_space<vmem>>) target(%dma_start3A_35 : memref<128x128xf32, #tpu.memory_space<vmem_shared>>) target_semaphore(%run_scoped3A : memref<!tpu.dma_semaphore, #tpu.memory_space<semaphore_mem>>)
      %dma_wait3A = arith.constant 0 : i32
      %dma_wait3A_36 = tpu.memref_slice %arg10[%add3A_12, %dma_wait3A] : memref<10240x128xf32, #tpu.memory_space<vmem_shared>> -> memref<128x128xf32, #tpu.memory_space<vmem_shared>>
      %dma_wait3A_37 = arith.constant 0 : i32
      %dma_wait3A_38 = tpu.memref_slice %arg10[%add3A_12, %dma_wait3A_37] : memref<10240x128xf32, #tpu.memory_space<vmem_shared>> -> memref<128x128xf32, #tpu.memory_space<vmem_shared>>
      tpu.wait_dma2 semaphore(%run_scoped3A : memref<!tpu.dma_semaphore, #tpu.memory_space<semaphore_mem>>) src(%arg9 : memref<128x128xf32, #tpu.memory_space<vmem>>) dst(%dma_wait3A_38 : memref<128x128xf32, #tpu.memory_space<vmem_shared>>)
      tpu.yield
    }) : () -> ()
    %add3A_13 = arith.constant 384 : i32
    %add3A_14 = arith.addi %mul3A_0, %add3A_13 : i32
    "tpu.region"() ({
      %run_scoped3A = tpu.sem_alloc : memref<!tpu.dma_semaphore, #tpu.memory_space<semaphore_mem>>
      %dma_start3A = arith.constant 0 : i32
      %dma_start3A_33 = tpu.memref_slice %arg10[%add3A_14, %dma_start3A] : memref<10240x128xf32, #tpu.memory_space<vmem_shared>> -> memref<128x128xf32, #tpu.memory_space<vmem_shared>>
      %dma_start3A_34 = arith.constant 0 : i32
      %dma_start3A_35 = tpu.memref_slice %arg10[%add3A_14, %dma_start3A_34] : memref<10240x128xf32, #tpu.memory_space<vmem_shared>> -> memref<128x128xf32, #tpu.memory_space<vmem_shared>>
      tpu.enqueue_dma source(%arg9 : memref<128x128xf32, #tpu.memory_space<vmem>>) target(%dma_start3A_35 : memref<128x128xf32, #tpu.memory_space<vmem_shared>>) target_semaphore(%run_scoped3A : memref<!tpu.dma_semaphore, #tpu.memory_space<semaphore_mem>>)
      %dma_wait3A = arith.constant 0 : i32
      %dma_wait3A_36 = tpu.memref_slice %arg10[%add3A_14, %dma_wait3A] : memref<10240x128xf32, #tpu.memory_space<vmem_shared>> -> memref<128x128xf32, #tpu.memory_space<vmem_shared>>
      %dma_wait3A_37 = arith.constant 0 : i32
      %dma_wait3A_38 = tpu.memref_slice %arg10[%add3A_14, %dma_wait3A_37] : memref<10240x128xf32, #tpu.memory_space<vmem_shared>> -> memref<128x128xf32, #tpu.memory_space<vmem_shared>>
      tpu.wait_dma2 semaphore(%run_scoped3A : memref<!tpu.dma_semaphore, #tpu.memory_space<semaphore_mem>>) src(%arg9 : memref<128x128xf32, #tpu.memory_space<vmem>>) dst(%dma_wait3A_38 : memref<128x128xf32, #tpu.memory_space<vmem_shared>>)
      tpu.yield
    }) : () -> ()
    %add3A_15 = arith.constant 512 : i32
    %add3A_16 = arith.addi %mul3A_0, %add3A_15 : i32
    "tpu.region"() ({
      %run_scoped3A = tpu.sem_alloc : memref<!tpu.dma_semaphore, #tpu.memory_space<semaphore_mem>>
      %dma_start3A = arith.constant 0 : i32
      %dma_start3A_33 = tpu.memref_slice %arg10[%add3A_16, %dma_start3A] : memref<10240x128xf32, #tpu.memory_space<vmem_shared>> -> memref<128x128xf32, #tpu.memory_space<vmem_shared>>
      %dma_start3A_34 = arith.constant 0 : i32
      %dma_start3A_35 = tpu.memref_slice %arg10[%add3A_16, %dma_start3A_34] : memref<10240x128xf32, #tpu.memory_space<vmem_shared>> -> memref<128x128xf32, #tpu.memory_space<vmem_shared>>
      tpu.enqueue_dma source(%arg9 : memref<128x128xf32, #tpu.memory_space<vmem>>) target(%dma_start3A_35 : memref<128x128xf32, #tpu.memory_space<vmem_shared>>) target_semaphore(%run_scoped3A : memref<!tpu.dma_semaphore, #tpu.memory_space<semaphore_mem>>)
      %dma_wait3A = arith.constant 0 : i32
      %dma_wait3A_36 = tpu.memref_slice %arg10[%add3A_16, %dma_wait3A] : memref<10240x128xf32, #tpu.memory_space<vmem_shared>> -> memref<128x128xf32, #tpu.memory_space<vmem_shared>>
      %dma_wait3A_37 = arith.constant 0 : i32
      %dma_wait3A_38 = tpu.memref_slice %arg10[%add3A_16, %dma_wait3A_37] : memref<10240x128xf32, #tpu.memory_space<vmem_shared>> -> memref<128x128xf32, #tpu.memory_space<vmem_shared>>
      tpu.wait_dma2 semaphore(%run_scoped3A : memref<!tpu.dma_semaphore, #tpu.memory_space<semaphore_mem>>) src(%arg9 : memref<128x128xf32, #tpu.memory_space<vmem>>) dst(%dma_wait3A_38 : memref<128x128xf32, #tpu.memory_space<vmem_shared>>)
      tpu.yield
    }) : () -> ()
    %barrier3A = arith.constant 0 : index
    tpu.barrier barrier_id(%barrier3A)
    %mul3A_17 = arith.constant 16 : i32
    %mul3A_18 = arith.muli %arg0, %mul3A_17 : i32
    %add3A_19 = arith.addi %mul3A_18, %arg1 : i32
    %mul3A_20 = arith.constant 10112 : i32
    %mul3A_21 = arith.muli %add3A_19, %mul3A_20 : i32
    %scan3A_22 = arith.constant 0 : i32
    %scan3A_23 = arith.constant 0 : i32
    %scan3A_24 = arith.constant 79 : i32
    %scan3A_25 = arith.addi %scan3A_23, %scan3A_24 : i32
    %scan3A_26 = arith.constant 1 : i32
    %scan3A_27 = scf.for %scan3A_33 = %scan3A_23 to %scan3A_25 step %scan3A_26 iter_args(%scan3A_34 = %scan3A_22) -> (i32)  : i32 {
      %mul3A_35 = arith.constant 128 : i32
      %mul3A_36 = arith.muli %scan3A_33, %mul3A_35 : i32
      %add3A_37 = arith.addi %mul3A_21, %mul3A_36 : i32
      "tpu.region"() ({
        %run_scoped3A = tpu.sem_alloc : memref<!tpu.dma_semaphore, #tpu.memory_space<semaphore_mem>>
        %dma_start3A_46 = tpu.memref_slice %arg3[%add3A_37] : memref<323584xi32, #tpu.memory_space<hbm>> -> memref<128xi32, #tpu.memory_space<hbm>>
        %dma_start3A_47 = tpu.memref_slice %arg3[%add3A_37] : memref<323584xi32, #tpu.memory_space<hbm>> -> memref<128xi32, #tpu.memory_space<hbm>>
        tpu.enqueue_dma source(%dma_start3A_47 : memref<128xi32, #tpu.memory_space<hbm>>) target(%arg6 : memref<128xi32, #tpu.memory_space<vmem>>) target_semaphore(%run_scoped3A : memref<!tpu.dma_semaphore, #tpu.memory_space<semaphore_mem>>)
        %dma_wait3A_48 = tpu.memref_slice %arg3[%add3A_37] : memref<323584xi32, #tpu.memory_space<hbm>> -> memref<128xi32, #tpu.memory_space<hbm>>
        %dma_wait3A_49 = tpu.memref_slice %arg3[%add3A_37] : memref<323584xi32, #tpu.memory_space<hbm>> -> memref<128xi32, #tpu.memory_space<hbm>>
        tpu.wait_dma2 semaphore(%run_scoped3A : memref<!tpu.dma_semaphore, #tpu.memory_space<semaphore_mem>>) src(%dma_wait3A_49 : memref<128xi32, #tpu.memory_space<hbm>>) dst(%arg6 : memref<128xi32, #tpu.memory_space<vmem>>)
        tpu.yield
      }) : () -> ()
      %mul3A_38 = arith.constant 128 : i32
      %mul3A_39 = arith.muli %scan3A_33, %mul3A_38 : i32
      %add3A_40 = arith.addi %mul3A_21, %mul3A_39 : i32
      "tpu.region"() ({
        %run_scoped3A = tpu.sem_alloc : memref<!tpu.dma_semaphore, #tpu.memory_space<semaphore_mem>>
        %dma_start3A_46 = tpu.memref_slice %arg4[%add3A_40] : memref<323584xi32, #tpu.memory_space<hbm>> -> memref<128xi32, #tpu.memory_space<hbm>>
        %dma_start3A_47 = tpu.memref_slice %arg4[%add3A_40] : memref<323584xi32, #tpu.memory_space<hbm>> -> memref<128xi32, #tpu.memory_space<hbm>>
        tpu.enqueue_dma source(%dma_start3A_47 : memref<128xi32, #tpu.memory_space<hbm>>) target(%arg7 : memref<128xi32, #tpu.memory_space<vmem>>) target_semaphore(%run_scoped3A : memref<!tpu.dma_semaphore, #tpu.memory_space<semaphore_mem>>)
        %dma_wait3A_48 = tpu.memref_slice %arg4[%add3A_40] : memref<323584xi32, #tpu.memory_space<hbm>> -> memref<128xi32, #tpu.memory_space<hbm>>
        %dma_wait3A_49 = tpu.memref_slice %arg4[%add3A_40] : memref<323584xi32, #tpu.memory_space<hbm>> -> memref<128xi32, #tpu.memory_space<hbm>>
        tpu.wait_dma2 semaphore(%run_scoped3A : memref<!tpu.dma_semaphore, #tpu.memory_space<semaphore_mem>>) src(%dma_wait3A_49 : memref<128xi32, #tpu.memory_space<hbm>>) dst(%arg7 : memref<128xi32, #tpu.memory_space<vmem>>)
        tpu.yield
      }) : () -> ()
      %dma_start3A = arith.constant 0 : i32
      %dma_start3A_41 = arith.constant 0 : i32
      %dma_start3A_42 = tpu.memref_slice %arg2[%dma_start3A, %dma_start3A_41] : memref<10240x128xf32, #tpu.memory_space<hbm>> -> memref<10240x128xf32, #tpu.memory_space<hbm>>
      tpu.enqueue_indirect_dma source(%dma_start3A_42 : memref<10240x128xf32, #tpu.memory_space<hbm>>) target(%arg8 : memref<128x128xf32, #tpu.memory_space<vmem>>) offsets(%arg6 : memref<128xi32, #tpu.memory_space<vmem>>) semaphore(%arg11 : memref<!tpu.dma_semaphore, #tpu.memory_space<semaphore_mem>>)
      %dma_wait3A = arith.constant 0 : i32
      %dma_wait3A_43 = arith.constant 0 : i32
      %dma_wait3A_44 = tpu.memref_slice %arg2[%dma_wait3A, %dma_wait3A_43] : memref<10240x128xf32, #tpu.memory_space<hbm>> -> memref<10240x128xf32, #tpu.memory_space<hbm>>
      tpu.wait_indirect_dma semaphore(%arg11 : memref<!tpu.dma_semaphore, #tpu.memory_space<semaphore_mem>>) src(%dma_wait3A_44 : memref<10240x128xf32, #tpu.memory_space<hbm>>) dst(%arg8 : memref<128x128xf32, #tpu.memory_space<vmem>>)
      "tpu.region"() ({
        %run_scoped3A = tpu.sem_alloc : memref<!tpu.dma_semaphore, #tpu.memory_space<semaphore_mem>>
        %dma_start3A_46 = arith.constant 0 : i32
        %dma_start3A_47 = arith.constant 0 : i32
        %dma_start3A_48 = tpu.memref_slice %arg10[%dma_start3A_46, %dma_start3A_47] : memref<10240x128xf32, #tpu.memory_space<vmem_shared>> -> memref<10240x128xf32, #tpu.memory_space<vmem_shared>>
        tpu.enqueue_indirect_dma source(%arg8 : memref<128x128xf32, #tpu.memory_space<vmem>>) target(%dma_start3A_48 : memref<10240x128xf32, #tpu.memory_space<vmem_shared>>) offsets(%arg7 : memref<128xi32, #tpu.memory_space<vmem>>) semaphore(%run_scoped3A : memref<!tpu.dma_semaphore, #tpu.memory_space<semaphore_mem>>) {add = true}
        %dma_wait3A_49 = arith.constant 0 : i32
        %dma_wait3A_50 = arith.constant 0 : i32
        %dma_wait3A_51 = tpu.memref_slice %arg10[%dma_wait3A_49, %dma_wait3A_50] : memref<10240x128xf32, #tpu.memory_space<vmem_shared>> -> memref<10240x128xf32, #tpu.memory_space<vmem_shared>>
        tpu.wait_indirect_dma semaphore(%run_scoped3A : memref<!tpu.dma_semaphore, #tpu.memory_space<semaphore_mem>>) src(%arg8 : memref<128x128xf32, #tpu.memory_space<vmem>>) dst(%dma_wait3A_51 : memref<10240x128xf32, #tpu.memory_space<vmem_shared>>)
        tpu.yield
      }) : () -> ()
      %scan3A_45 = arith.constant 0 : i32
      scf.yield %scan3A_45 : i32
    }
    %scan3A_28 = arith.constant 79 : i32
    %barrier3A_29 = arith.constant 0 : index
    tpu.barrier barrier_id(%barrier3A_29)
    %mul3A_30 = arith.constant 10240 : i32
    %mul3A_31 = arith.muli %arg0, %mul3A_30 : i32
    %add3A_32 = arith.addi %mul3A_31, %mul3A_0 : i32
    "tpu.region"() ({
      %run_scoped3A = tpu.sem_alloc : memref<!tpu.dma_semaphore, #tpu.memory_space<semaphore_mem>>
      %dma_start3A = arith.constant 0 : i32
      %dma_start3A_33 = tpu.memref_slice %arg5[%add3A_32, %dma_start3A] : memref<20480x128xf32, #tpu.memory_space<hbm>> -> memref<640x128xf32, #tpu.memory_space<hbm>>
      %dma_start3A_34 = arith.constant 0 : i32
      %dma_start3A_35 = tpu.memref_slice %arg10[%mul3A_0, %dma_start3A_34] : memref<10240x128xf32, #tpu.memory_space<vmem_shared>> -> memref<640x128xf32, #tpu.memory_space<vmem_shared>>
      tpu.enqueue_dma source(%dma_start3A_35 : memref<640x128xf32, #tpu.memory_space<vmem_shared>>) target(%dma_start3A_33 : memref<640x128xf32, #tpu.memory_space<hbm>>) target_semaphore(%run_scoped3A : memref<!tpu.dma_semaphore, #tpu.memory_space<semaphore_mem>>)
      %dma_wait3A = arith.constant 0 : i32
      %dma_wait3A_36 = tpu.memref_slice %arg5[%add3A_32, %dma_wait3A] : memref<20480x128xf32, #tpu.memory_space<hbm>> -> memref<640x128xf32, #tpu.memory_space<hbm>>
      %dma_wait3A_37 = arith.constant 0 : i32
      %dma_wait3A_38 = tpu.memref_slice %arg10[%mul3A_0, %dma_wait3A_37] : memref<10240x128xf32, #tpu.memory_space<vmem_shared>> -> memref<640x128xf32, #tpu.memory_space<vmem_shared>>
      tpu.wait_dma2 semaphore(%run_scoped3A : memref<!tpu.dma_semaphore, #tpu.memory_space<semaphore_mem>>) src(%dma_wait3A_38 : memref<640x128xf32, #tpu.memory_space<vmem_shared>>) dst(%dma_wait3A_36 : memref<640x128xf32, #tpu.memory_space<hbm>>)
      tpu.yield
    }) : () -> ()
    return
  }
}

#map = affine_map<(d0, d1) -> (0, 0)>
#map1 = affine_map<(d0, d1) -> (0)>
module attributes {stable_mosaic.version = 14 : i64} {
  func.func @_sweep_kernel(%arg0: i32, %arg1: i32, %arg2: memref<10240x128xf32, #tpu.memory_space<hbm>>, %arg3: memref<323584xi32, #tpu.memory_space<hbm>>, %arg4: memref<323584xi32, #tpu.memory_space<hbm>>, %arg5: memref<20480x128xf32, #tpu.memory_space<hbm>>, %arg6: memref<128xi32, #tpu.memory_space<vmem>>, %arg7: memref<128xi32, #tpu.memory_space<vmem>>, %arg8: memref<128x128xf32, #tpu.memory_space<vmem>>, %arg9: memref<128x128xf32, #tpu.memory_space<vmem>>, %arg10: memref<10240x128xf32, #tpu.memory_space<vmem_shared>>, %arg11: memref<!tpu.dma_semaphore, #tpu.memory_space<semaphore_mem>>) attributes {dimension_semantics = [#tpu.dimension_semantics<core_parallel>, #tpu.dimension_semantics<subcore_parallel>], iteration_bounds = array<i64: 2, 16>, scalar_prefetch = 0 : i64, scratch_operands = 6 : i64, tpu.core_type = #tpu.core_type<sc_vector_subcore>, window_params = [{transform_indices = #map}, {transform_indices = #map1}, {transform_indices = #map1}, {transform_indices = #map}]} {
    %mul3A = arith.constant 640 : i32
    %mul3A_0 = arith.muli %arg1, %mul3A : i32
    %broadcast_in_dim3A = arith.constant 0.000000e+00 : f32
    %broadcast_in_dim3A_1 = vector.broadcast %broadcast_in_dim3A : f32 to vector<16xf32>
    %scan3A = arith.constant 0 : i32
    %scan3A_2 = arith.constant 0 : i32
    %scan3A_3 = arith.constant 128 : i32
    %scan3A_4 = arith.addi %scan3A_2, %scan3A_3 : i32
    %scan3A_5 = arith.constant 1 : i32
    %scan3A_6 = scf.for %scan3A_33 = %scan3A_2 to %scan3A_4 step %scan3A_5 iter_args(%scan3A_34 = %scan3A) -> (i32)  : i32 {
      %swap3A = arith.index_cast %scan3A_33 : i32 to index
      %swap3A_35 = arith.constant 0 : index
      %swap3A_36 = tpu.vector_load %arg9[%swap3A, %swap3A_35] {strides = array<i32>} : memref<128x128xf32, #tpu.memory_space<vmem>>, vector<1x16xf32>,
      %swap3A_37 = vector.shape_cast %swap3A_36 : vector<1x16xf32> to vector<16xf32>
      %swap3A_38 = vector.shape_cast %broadcast_in_dim3A_1 : vector<16xf32> to vector<1x16xf32>
      tpu.vector_store %arg9[%swap3A, %swap3A_35], %swap3A_38 {strides = array<i32>} : memref<128x128xf32, #tpu.memory_space<vmem>>, vector<1x16xf32>,
      %swap3A_39 = arith.index_cast %scan3A_33 : i32 to index
      %swap3A_40 = arith.constant 16 : index
      %swap3A_41 = tpu.vector_load %arg9[%swap3A_39, %swap3A_40] {strides = array<i32>} : memref<128x128xf32, #tpu.memory_space<vmem>>, vector<1x16xf32>,
      %swap3A_42 = vector.shape_cast %swap3A_41 : vector<1x16xf32> to vector<16xf32>
      %swap3A_43 = vector.shape_cast %broadcast_in_dim3A_1 : vector<16xf32> to vector<1x16xf32>
      tpu.vector_store %arg9[%swap3A_39, %swap3A_40], %swap3A_43 {strides = array<i32>} : memref<128x128xf32, #tpu.memory_space<vmem>>, vector<1x16xf32>,
      %swap3A_44 = arith.index_cast %scan3A_33 : i32 to index
      %swap3A_45 = arith.constant 32 : index
      %swap3A_46 = tpu.vector_load %arg9[%swap3A_44, %swap3A_45] {strides = array<i32>} : memref<128x128xf32, #tpu.memory_space<vmem>>, vector<1x16xf32>,
      %swap3A_47 = vector.shape_cast %swap3A_46 : vector<1x16xf32> to vector<16xf32>
      %swap3A_48 = vector.shape_cast %broadcast_in_dim3A_1 : vector<16xf32> to vector<1x16xf32>
      tpu.vector_store %arg9[%swap3A_44, %swap3A_45], %swap3A_48 {strides = array<i32>} : memref<128x128xf32, #tpu.memory_space<vmem>>, vector<1x16xf32>,
      %swap3A_49 = arith.index_cast %scan3A_33 : i32 to index
      %swap3A_50 = arith.constant 48 : index
      %swap3A_51 = tpu.vector_load %arg9[%swap3A_49, %swap3A_50] {strides = array<i32>} : memref<128x128xf32, #tpu.memory_space<vmem>>, vector<1x16xf32>,
      %swap3A_52 = vector.shape_cast %swap3A_51 : vector<1x16xf32> to vector<16xf32>
      %swap3A_53 = vector.shape_cast %broadcast_in_dim3A_1 : vector<16xf32> to vector<1x16xf32>
      tpu.vector_store %arg9[%swap3A_49, %swap3A_50], %swap3A_53 {strides = array<i32>} : memref<128x128xf32, #tpu.memory_space<vmem>>, vector<1x16xf32>,
      %swap3A_54 = arith.index_cast %scan3A_33 : i32 to index
      %swap3A_55 = arith.constant 64 : index
      %swap3A_56 = tpu.vector_load %arg9[%swap3A_54, %swap3A_55] {strides = array<i32>} : memref<128x128xf32, #tpu.memory_space<vmem>>, vector<1x16xf32>,
      %swap3A_57 = vector.shape_cast %swap3A_56 : vector<1x16xf32> to vector<16xf32>
      %swap3A_58 = vector.shape_cast %broadcast_in_dim3A_1 : vector<16xf32> to vector<1x16xf32>
      tpu.vector_store %arg9[%swap3A_54, %swap3A_55], %swap3A_58 {strides = array<i32>} : memref<128x128xf32, #tpu.memory_space<vmem>>, vector<1x16xf32>,
      %swap3A_59 = arith.index_cast %scan3A_33 : i32 to index
      %swap3A_60 = arith.constant 80 : index
      %swap3A_61 = tpu.vector_load %arg9[%swap3A_59, %swap3A_60] {strides = array<i32>} : memref<128x128xf32, #tpu.memory_space<vmem>>, vector<1x16xf32>,
      %swap3A_62 = vector.shape_cast %swap3A_61 : vector<1x16xf32> to vector<16xf32>
      %swap3A_63 = vector.shape_cast %broadcast_in_dim3A_1 : vector<16xf32> to vector<1x16xf32>
      tpu.vector_store %arg9[%swap3A_59, %swap3A_60], %swap3A_63 {strides = array<i32>} : memref<128x128xf32, #tpu.memory_space<vmem>>, vector<1x16xf32>,
      %swap3A_64 = arith.index_cast %scan3A_33 : i32 to index
      %swap3A_65 = arith.constant 96 : index
      %swap3A_66 = tpu.vector_load %arg9[%swap3A_64, %swap3A_65] {strides = array<i32>} : memref<128x128xf32, #tpu.memory_space<vmem>>, vector<1x16xf32>,
      %swap3A_67 = vector.shape_cast %swap3A_66 : vector<1x16xf32> to vector<16xf32>
      %swap3A_68 = vector.shape_cast %broadcast_in_dim3A_1 : vector<16xf32> to vector<1x16xf32>
      tpu.vector_store %arg9[%swap3A_64, %swap3A_65], %swap3A_68 {strides = array<i32>} : memref<128x128xf32, #tpu.memory_space<vmem>>, vector<1x16xf32>,
      %swap3A_69 = arith.index_cast %scan3A_33 : i32 to index
      %swap3A_70 = arith.constant 112 : index
      %swap3A_71 = tpu.vector_load %arg9[%swap3A_69, %swap3A_70] {strides = array<i32>} : memref<128x128xf32, #tpu.memory_space<vmem>>, vector<1x16xf32>,
      %swap3A_72 = vector.shape_cast %swap3A_71 : vector<1x16xf32> to vector<16xf32>
      %swap3A_73 = vector.shape_cast %broadcast_in_dim3A_1 : vector<16xf32> to vector<1x16xf32>
      tpu.vector_store %arg9[%swap3A_69, %swap3A_70], %swap3A_73 {strides = array<i32>} : memref<128x128xf32, #tpu.memory_space<vmem>>, vector<1x16xf32>,
      %scan3A_74 = arith.constant 0 : i32
      scf.yield %scan3A_74 : i32
    }
    %scan3A_7 = arith.constant 128 : i32
    %add3A = arith.constant 0 : i32
    %add3A_8 = arith.addi %mul3A_0, %add3A : i32
    "tpu.region"() ({
      %run_scoped3A = tpu.sem_alloc : memref<!tpu.dma_semaphore, #tpu.memory_space<semaphore_mem>>
      %dma_start3A = arith.constant 0 : i32
      %dma_start3A_33 = tpu.memref_slice %arg10[%add3A_8, %dma_start3A] : memref<10240x128xf32, #tpu.memory_space<vmem_shared>> -> memref<128x128xf32, #tpu.memory_space<vmem_shared>>
      %dma_start3A_34 = arith.constant 0 : i32
      %dma_start3A_35 = tpu.memref_slice %arg10[%add3A_8, %dma_start3A_34] : memref<10240x128xf32, #tpu.memory_space<vmem_shared>> -> memref<128x128xf32, #tpu.memory_space<vmem_shared>>
      tpu.enqueue_dma source(%arg9 : memref<128x128xf32, #tpu.memory_space<vmem>>) target(%dma_start3A_35 : memref<128x128xf32, #tpu.memory_space<vmem_shared>>) target_semaphore(%run_scoped3A : memref<!tpu.dma_semaphore, #tpu.memory_space<semaphore_mem>>)
      %dma_wait3A = arith.constant 0 : i32
      %dma_wait3A_36 = tpu.memref_slice %arg10[%add3A_8, %dma_wait3A] : memref<10240x128xf32, #tpu.memory_space<vmem_shared>> -> memref<128x128xf32, #tpu.memory_space<vmem_shared>>
      %dma_wait3A_37 = arith.constant 0 : i32
      %dma_wait3A_38 = tpu.memref_slice %arg10[%add3A_8, %dma_wait3A_37] : memref<10240x128xf32, #tpu.memory_space<vmem_shared>> -> memref<128x128xf32, #tpu.memory_space<vmem_shared>>
      tpu.wait_dma2 semaphore(%run_scoped3A : memref<!tpu.dma_semaphore, #tpu.memory_space<semaphore_mem>>) src(%arg9 : memref<128x128xf32, #tpu.memory_space<vmem>>) dst(%dma_wait3A_38 : memref<128x128xf32, #tpu.memory_space<vmem_shared>>)
      tpu.yield
    }) : () -> ()
    %add3A_9 = arith.constant 128 : i32
    %add3A_10 = arith.addi %mul3A_0, %add3A_9 : i32
    "tpu.region"() ({
      %run_scoped3A = tpu.sem_alloc : memref<!tpu.dma_semaphore, #tpu.memory_space<semaphore_mem>>
      %dma_start3A = arith.constant 0 : i32
      %dma_start3A_33 = tpu.memref_slice %arg10[%add3A_10, %dma_start3A] : memref<10240x128xf32, #tpu.memory_space<vmem_shared>> -> memref<128x128xf32, #tpu.memory_space<vmem_shared>>
      %dma_start3A_34 = arith.constant 0 : i32
      %dma_start3A_35 = tpu.memref_slice %arg10[%add3A_10, %dma_start3A_34] : memref<10240x128xf32, #tpu.memory_space<vmem_shared>> -> memref<128x128xf32, #tpu.memory_space<vmem_shared>>
      tpu.enqueue_dma source(%arg9 : memref<128x128xf32, #tpu.memory_space<vmem>>) target(%dma_start3A_35 : memref<128x128xf32, #tpu.memory_space<vmem_shared>>) target_semaphore(%run_scoped3A : memref<!tpu.dma_semaphore, #tpu.memory_space<semaphore_mem>>)
      %dma_wait3A = arith.constant 0 : i32
      %dma_wait3A_36 = tpu.memref_slice %arg10[%add3A_10, %dma_wait3A] : memref<10240x128xf32, #tpu.memory_space<vmem_shared>> -> memref<128x128xf32, #tpu.memory_space<vmem_shared>>
      %dma_wait3A_37 = arith.constant 0 : i32
      %dma_wait3A_38 = tpu.memref_slice %arg10[%add3A_10, %dma_wait3A_37] : memref<10240x128xf32, #tpu.memory_space<vmem_shared>> -> memref<128x128xf32, #tpu.memory_space<vmem_shared>>
      tpu.wait_dma2 semaphore(%run_scoped3A : memref<!tpu.dma_semaphore, #tpu.memory_space<semaphore_mem>>) src(%arg9 : memref<128x128xf32, #tpu.memory_space<vmem>>) dst(%dma_wait3A_38 : memref<128x128xf32, #tpu.memory_space<vmem_shared>>)
      tpu.yield
    }) : () -> ()
    %add3A_11 = arith.constant 256 : i32
    %add3A_12 = arith.addi %mul3A_0, %add3A_11 : i32
    "tpu.region"() ({
      %run_scoped3A = tpu.sem_alloc : memref<!tpu.dma_semaphore, #tpu.memory_space<semaphore_mem>>
      %dma_start3A = arith.constant 0 : i32
      %dma_start3A_33 = tpu.memref_slice %arg10[%add3A_12, %dma_start3A] : memref<10240x128xf32, #tpu.memory_space<vmem_shared>> -> memref<128x128xf32, #tpu.memory_space<vmem_shared>>
      %dma_start3A_34 = arith.constant 0 : i32
      %dma_start3A_35 = tpu.memref_slice %arg10[%add3A_12, %dma_start3A_34] : memref<10240x128xf32, #tpu.memory_space<vmem_shared>> -> memref<128x128xf32, #tpu.memory_space<vmem_shared>>
      tpu.enqueue_dma source(%arg9 : memref<128x128xf32, #tpu.memory_space<vmem>>) target(%dma_start3A_35 : memref<128x128xf32, #tpu.memory_space<vmem_shared>>) target_semaphore(%run_scoped3A : memref<!tpu.dma_semaphore, #tpu.memory_space<semaphore_mem>>)
      %dma_wait3A = arith.constant 0 : i32
      %dma_wait3A_36 = tpu.memref_slice %arg10[%add3A_12, %dma_wait3A] : memref<10240x128xf32, #tpu.memory_space<vmem_shared>> -> memref<128x128xf32, #tpu.memory_space<vmem_shared>>
      %dma_wait3A_37 = arith.constant 0 : i32
      %dma_wait3A_38 = tpu.memref_slice %arg10[%add3A_12, %dma_wait3A_37] : memref<10240x128xf32, #tpu.memory_space<vmem_shared>> -> memref<128x128xf32, #tpu.memory_space<vmem_shared>>
      tpu.wait_dma2 semaphore(%run_scoped3A : memref<!tpu.dma_semaphore, #tpu.memory_space<semaphore_mem>>) src(%arg9 : memref<128x128xf32, #tpu.memory_space<vmem>>) dst(%dma_wait3A_38 : memref<128x128xf32, #tpu.memory_space<vmem_shared>>)
      tpu.yield
    }) : () -> ()
    %add3A_13 = arith.constant 384 : i32
    %add3A_14 = arith.addi %mul3A_0, %add3A_13 : i32
    "tpu.region"() ({
      %run_scoped3A = tpu.sem_alloc : memref<!tpu.dma_semaphore, #tpu.memory_space<semaphore_mem>>
      %dma_start3A = arith.constant 0 : i32
      %dma_start3A_33 = tpu.memref_slice %arg10[%add3A_14, %dma_start3A] : memref<10240x128xf32, #tpu.memory_space<vmem_shared>> -> memref<128x128xf32, #tpu.memory_space<vmem_shared>>
      %dma_start3A_34 = arith.constant 0 : i32
      %dma_start3A_35 = tpu.memref_slice %arg10[%add3A_14, %dma_start3A_34] : memref<10240x128xf32, #tpu.memory_space<vmem_shared>> -> memref<128x128xf32, #tpu.memory_space<vmem_shared>>
      tpu.enqueue_dma source(%arg9 : memref<128x128xf32, #tpu.memory_space<vmem>>) target(%dma_start3A_35 : memref<128x128xf32, #tpu.memory_space<vmem_shared>>) target_semaphore(%run_scoped3A : memref<!tpu.dma_semaphore, #tpu.memory_space<semaphore_mem>>)
      %dma_wait3A = arith.constant 0 : i32
      %dma_wait3A_36 = tpu.memref_slice %arg10[%add3A_14, %dma_wait3A] : memref<10240x128xf32, #tpu.memory_space<vmem_shared>> -> memref<128x128xf32, #tpu.memory_space<vmem_shared>>
      %dma_wait3A_37 = arith.constant 0 : i32
      %dma_wait3A_38 = tpu.memref_slice %arg10[%add3A_14, %dma_wait3A_37] : memref<10240x128xf32, #tpu.memory_space<vmem_shared>> -> memref<128x128xf32, #tpu.memory_space<vmem_shared>>
      tpu.wait_dma2 semaphore(%run_scoped3A : memref<!tpu.dma_semaphore, #tpu.memory_space<semaphore_mem>>) src(%arg9 : memref<128x128xf32, #tpu.memory_space<vmem>>) dst(%dma_wait3A_38 : memref<128x128xf32, #tpu.memory_space<vmem_shared>>)
      tpu.yield
    }) : () -> ()
    %add3A_15 = arith.constant 512 : i32
    %add3A_16 = arith.addi %mul3A_0, %add3A_15 : i32
    "tpu.region"() ({
      %run_scoped3A = tpu.sem_alloc : memref<!tpu.dma_semaphore, #tpu.memory_space<semaphore_mem>>
      %dma_start3A = arith.constant 0 : i32
      %dma_start3A_33 = tpu.memref_slice %arg10[%add3A_16, %dma_start3A] : memref<10240x128xf32, #tpu.memory_space<vmem_shared>> -> memref<128x128xf32, #tpu.memory_space<vmem_shared>>
      %dma_start3A_34 = arith.constant 0 : i32
      %dma_start3A_35 = tpu.memref_slice %arg10[%add3A_16, %dma_start3A_34] : memref<10240x128xf32, #tpu.memory_space<vmem_shared>> -> memref<128x128xf32, #tpu.memory_space<vmem_shared>>
      tpu.enqueue_dma source(%arg9 : memref<128x128xf32, #tpu.memory_space<vmem>>) target(%dma_start3A_35 : memref<128x128xf32, #tpu.memory_space<vmem_shared>>) target_semaphore(%run_scoped3A : memref<!tpu.dma_semaphore, #tpu.memory_space<semaphore_mem>>)
      %dma_wait3A = arith.constant 0 : i32
      %dma_wait3A_36 = tpu.memref_slice %arg10[%add3A_16, %dma_wait3A] : memref<10240x128xf32, #tpu.memory_space<vmem_shared>> -> memref<128x128xf32, #tpu.memory_space<vmem_shared>>
      %dma_wait3A_37 = arith.constant 0 : i32
      %dma_wait3A_38 = tpu.memref_slice %arg10[%add3A_16, %dma_wait3A_37] : memref<10240x128xf32, #tpu.memory_space<vmem_shared>> -> memref<128x128xf32, #tpu.memory_space<vmem_shared>>
      tpu.wait_dma2 semaphore(%run_scoped3A : memref<!tpu.dma_semaphore, #tpu.memory_space<semaphore_mem>>) src(%arg9 : memref<128x128xf32, #tpu.memory_space<vmem>>) dst(%dma_wait3A_38 : memref<128x128xf32, #tpu.memory_space<vmem_shared>>)
      tpu.yield
    }) : () -> ()
    %barrier3A = arith.constant 0 : index
    tpu.barrier barrier_id(%barrier3A)
    %mul3A_17 = arith.constant 16 : i32
    %mul3A_18 = arith.muli %arg0, %mul3A_17 : i32
    %add3A_19 = arith.addi %mul3A_18, %arg1 : i32
    %mul3A_20 = arith.constant 10112 : i32
    %mul3A_21 = arith.muli %add3A_19, %mul3A_20 : i32
    %scan3A_22 = arith.constant 0 : i32
    %scan3A_23 = arith.constant 0 : i32
    %scan3A_24 = arith.constant 79 : i32
    %scan3A_25 = arith.addi %scan3A_23, %scan3A_24 : i32
    %scan3A_26 = arith.constant 1 : i32
    %scan3A_27 = scf.for %scan3A_33 = %scan3A_23 to %scan3A_25 step %scan3A_26 iter_args(%scan3A_34 = %scan3A_22) -> (i32)  : i32 {
      %mul3A_35 = arith.constant 128 : i32
      %mul3A_36 = arith.muli %scan3A_33, %mul3A_35 : i32
      %add3A_37 = arith.addi %mul3A_21, %mul3A_36 : i32
      "tpu.region"() ({
        %run_scoped3A = tpu.sem_alloc : memref<!tpu.dma_semaphore, #tpu.memory_space<semaphore_mem>>
        %dma_start3A_46 = tpu.memref_slice %arg3[%add3A_37] : memref<323584xi32, #tpu.memory_space<hbm>> -> memref<128xi32, #tpu.memory_space<hbm>>
        %dma_start3A_47 = tpu.memref_slice %arg3[%add3A_37] : memref<323584xi32, #tpu.memory_space<hbm>> -> memref<128xi32, #tpu.memory_space<hbm>>
        tpu.enqueue_dma source(%dma_start3A_47 : memref<128xi32, #tpu.memory_space<hbm>>) target(%arg6 : memref<128xi32, #tpu.memory_space<vmem>>) target_semaphore(%run_scoped3A : memref<!tpu.dma_semaphore, #tpu.memory_space<semaphore_mem>>)
        %dma_wait3A_48 = tpu.memref_slice %arg3[%add3A_37] : memref<323584xi32, #tpu.memory_space<hbm>> -> memref<128xi32, #tpu.memory_space<hbm>>
        %dma_wait3A_49 = tpu.memref_slice %arg3[%add3A_37] : memref<323584xi32, #tpu.memory_space<hbm>> -> memref<128xi32, #tpu.memory_space<hbm>>
        tpu.wait_dma2 semaphore(%run_scoped3A : memref<!tpu.dma_semaphore, #tpu.memory_space<semaphore_mem>>) src(%dma_wait3A_49 : memref<128xi32, #tpu.memory_space<hbm>>) dst(%arg6 : memref<128xi32, #tpu.memory_space<vmem>>)
        tpu.yield
      }) : () -> ()
      %mul3A_38 = arith.constant 128 : i32
      %mul3A_39 = arith.muli %scan3A_33, %mul3A_38 : i32
      %add3A_40 = arith.addi %mul3A_21, %mul3A_39 : i32
      "tpu.region"() ({
        %run_scoped3A = tpu.sem_alloc : memref<!tpu.dma_semaphore, #tpu.memory_space<semaphore_mem>>
        %dma_start3A_46 = tpu.memref_slice %arg4[%add3A_40] : memref<323584xi32, #tpu.memory_space<hbm>> -> memref<128xi32, #tpu.memory_space<hbm>>
        %dma_start3A_47 = tpu.memref_slice %arg4[%add3A_40] : memref<323584xi32, #tpu.memory_space<hbm>> -> memref<128xi32, #tpu.memory_space<hbm>>
        tpu.enqueue_dma source(%dma_start3A_47 : memref<128xi32, #tpu.memory_space<hbm>>) target(%arg7 : memref<128xi32, #tpu.memory_space<vmem>>) target_semaphore(%run_scoped3A : memref<!tpu.dma_semaphore, #tpu.memory_space<semaphore_mem>>)
        %dma_wait3A_48 = tpu.memref_slice %arg4[%add3A_40] : memref<323584xi32, #tpu.memory_space<hbm>> -> memref<128xi32, #tpu.memory_space<hbm>>
        %dma_wait3A_49 = tpu.memref_slice %arg4[%add3A_40] : memref<323584xi32, #tpu.memory_space<hbm>> -> memref<128xi32, #tpu.memory_space<hbm>>
        tpu.wait_dma2 semaphore(%run_scoped3A : memref<!tpu.dma_semaphore, #tpu.memory_space<semaphore_mem>>) src(%dma_wait3A_49 : memref<128xi32, #tpu.memory_space<hbm>>) dst(%arg7 : memref<128xi32, #tpu.memory_space<vmem>>)
        tpu.yield
      }) : () -> ()
      %dma_start3A = arith.constant 0 : i32
      %dma_start3A_41 = arith.constant 0 : i32
      %dma_start3A_42 = tpu.memref_slice %arg2[%dma_start3A, %dma_start3A_41] : memref<10240x128xf32, #tpu.memory_space<hbm>> -> memref<10240x128xf32, #tpu.memory_space<hbm>>
      tpu.enqueue_indirect_dma source(%dma_start3A_42 : memref<10240x128xf32, #tpu.memory_space<hbm>>) target(%arg8 : memref<128x128xf32, #tpu.memory_space<vmem>>) offsets(%arg6 : memref<128xi32, #tpu.memory_space<vmem>>) semaphore(%arg11 : memref<!tpu.dma_semaphore, #tpu.memory_space<semaphore_mem>>)
      %dma_wait3A = arith.constant 0 : i32
      %dma_wait3A_43 = arith.constant 0 : i32
      %dma_wait3A_44 = tpu.memref_slice %arg2[%dma_wait3A, %dma_wait3A_43] : memref<10240x128xf32, #tpu.memory_space<hbm>> -> memref<10240x128xf32, #tpu.memory_space<hbm>>
      tpu.wait_indirect_dma semaphore(%arg11 : memref<!tpu.dma_semaphore, #tpu.memory_space<semaphore_mem>>) src(%dma_wait3A_44 : memref<10240x128xf32, #tpu.memory_space<hbm>>) dst(%arg8 : memref<128x128xf32, #tpu.memory_space<vmem>>)
      "tpu.region"() ({
        %run_scoped3A = tpu.sem_alloc : memref<!tpu.dma_semaphore, #tpu.memory_space<semaphore_mem>>
        %dma_start3A_46 = arith.constant 0 : i32
        %dma_start3A_47 = arith.constant 0 : i32
        %dma_start3A_48 = tpu.memref_slice %arg10[%dma_start3A_46, %dma_start3A_47] : memref<10240x128xf32, #tpu.memory_space<vmem_shared>> -> memref<10240x128xf32, #tpu.memory_space<vmem_shared>>
        tpu.enqueue_indirect_dma source(%arg8 : memref<128x128xf32, #tpu.memory_space<vmem>>) target(%dma_start3A_48 : memref<10240x128xf32, #tpu.memory_space<vmem_shared>>) offsets(%arg7 : memref<128xi32, #tpu.memory_space<vmem>>) semaphore(%run_scoped3A : memref<!tpu.dma_semaphore, #tpu.memory_space<semaphore_mem>>) {add = true}
        %dma_wait3A_49 = arith.constant 0 : i32
        %dma_wait3A_50 = arith.constant 0 : i32
        %dma_wait3A_51 = tpu.memref_slice %arg10[%dma_wait3A_49, %dma_wait3A_50] : memref<10240x128xf32, #tpu.memory_space<vmem_shared>> -> memref<10240x128xf32, #tpu.memory_space<vmem_shared>>
        tpu.wait_indirect_dma semaphore(%run_scoped3A : memref<!tpu.dma_semaphore, #tpu.memory_space<semaphore_mem>>) src(%arg8 : memref<128x128xf32, #tpu.memory_space<vmem>>) dst(%dma_wait3A_51 : memref<10240x128xf32, #tpu.memory_space<vmem_shared>>)
        tpu.yield
      }) : () -> ()
      %scan3A_45 = arith.constant 0 : i32
      scf.yield %scan3A_45 : i32
    }
    %scan3A_28 = arith.constant 79 : i32
    %barrier3A_29 = arith.constant 0 : index
    tpu.barrier barrier_id(%barrier3A_29)
    %mul3A_30 = arith.constant 10240 : i32
    %mul3A_31 = arith.muli %arg0, %mul3A_30 : i32
    %add3A_32 = arith.addi %mul3A_31, %mul3A_0 : i32
    "tpu.region"() ({
      %run_scoped3A = tpu.sem_alloc : memref<!tpu.dma_semaphore, #tpu.memory_space<semaphore_mem>>
      %dma_start3A = arith.constant 0 : i32
      %dma_start3A_33 = tpu.memref_slice %arg5[%add3A_32, %dma_start3A] : memref<20480x128xf32, #tpu.memory_space<hbm>> -> memref<640x128xf32, #tpu.memory_space<hbm>>
      %dma_start3A_34 = arith.constant 0 : i32
      %dma_start3A_35 = tpu.memref_slice %arg10[%mul3A_0, %dma_start3A_34] : memref<10240x128xf32, #tpu.memory_space<vmem_shared>> -> memref<640x128xf32, #tpu.memory_space<vmem_shared>>
      tpu.enqueue_dma source(%dma_start3A_35 : memref<640x128xf32, #tpu.memory_space<vmem_shared>>) target(%dma_start3A_33 : memref<640x128xf32, #tpu.memory_space<hbm>>) target_semaphore(%run_scoped3A : memref<!tpu.dma_semaphore, #tpu.memory_space<semaphore_mem>>)
      %dma_wait3A = arith.constant 0 : i32
      %dma_wait3A_36 = tpu.memref_slice %arg5[%add3A_32, %dma_wait3A] : memref<20480x128xf32, #tpu.memory_space<hbm>> -> memref<640x128xf32, #tpu.memory_space<hbm>>
      %dma_wait3A_37 = arith.constant 0 : i32
      %dma_wait3A_38 = tpu.memref_slice %arg10[%mul3A_0, %dma_wait3A_37] : memref<10240x128xf32, #tpu.memory_space<vmem_shared>> -> memref<640x128xf32, #tpu.memory_space<vmem_shared>>
      tpu.wait_dma2 semaphore(%run_scoped3A : memref<!tpu.dma_semaphore, #tpu.memory_space<semaphore_mem>>) src(%dma_wait3A_38 : memref<640x128xf32, #tpu.memory_space<vmem_shared>>) dst(%dma_wait3A_36 : memref<640x128xf32, #tpu.memory_space<hbm>>)
      tpu.yield
    }) : () -> ()
    return
  }
}

module attributes {stable_mosaic.version = 14 : i64} {
  func.func @body(%arg0: memref<160x128xf32, #tpu.memory_space<vmem>>, %arg1: memref<160x128xf32, #tpu.memory_space<vmem>>) attributes {dimension_semantics = [], scalar_prefetch = 0 : i64, scratch_operands = 0 : i64, tpu.core_type = #tpu.core_type<tc>} {
    %get3A = arith.constant 0 : index
    %get3A_0 = arith.constant 0 : index
    %get3A_1 = vector.load %arg0[%get3A, %get3A_0] : memref<160x128xf32, #tpu.memory_space<vmem>>, vector<160x128xf32>
    %gt3A = arith.constant 0.000000e+00 : f32
    %gt3A_2 = vector.broadcast %gt3A : f32 to vector<160x128xf32>
    %gt3A_3 = arith.cmpf ogt, %get3A_1, %gt3A_2 : vector<160x128xf32>
    %jit3A = arith.constant 1.000000e+00 : f32
    %broadcast_in_dim3A = vector.broadcast %jit3A : f32 to vector<160x128xf32>
    %select_n3A = arith.select %gt3A_3, %get3A_1, %broadcast_in_dim3A : vector<160x128xi1>, vector<160x128xf32>
    %iota3A = tpu.iota {dimensions = array<i32: 0>} : vector<160x128xi32>
    %lt3A = arith.constant 80 : i32
    %lt3A_4 = vector.broadcast %lt3A : i32 to vector<160x128xi32>
    %lt3A_5 = arith.cmpi slt, %iota3A, %lt3A_4 : vector<160x128xi32>
    %rsqrt3A = math.rsqrt %select_n3A : vector<160x128xf32>
    %div3A = arith.constant 1.000000e+00 : f32
    %div3A_6 = vector.broadcast %div3A : f32 to vector<160x128xf32>
    %div3A_7 = arith.divf %div3A_6, %select_n3A : vector<160x128xf32>
    %select_n3A_8 = arith.select %lt3A_5, %rsqrt3A, %div3A_7 : vector<160x128xi1>, vector<160x128xf32>
    %swap3A = arith.constant 0 : index
    %swap3A_9 = arith.constant 0 : index
    %swap3A_10 = vector.load %arg1[%swap3A, %swap3A_9] : memref<160x128xf32, #tpu.memory_space<vmem>>, vector<160x128xf32>
    tpu.vector_store %arg1[%swap3A, %swap3A_9], %select_n3A_8 {strides = array<i32>} : memref<160x128xf32, #tpu.memory_space<vmem>>, vector<160x128xf32>,
    return
  }
}

module attributes {stable_mosaic.version = 14 : i64} {
  func.func @body(%arg0: i32, %arg1: memref<2048x128xf32, #tpu.memory_space<vmem>>, %arg2: memref<2048x1xf32, #tpu.memory_space<vmem>>, %arg3: memref<2048x128xf32, #tpu.memory_space<vmem>>) attributes {dimension_semantics = [#tpu.dimension_semantics<arbitrary>], iteration_bounds = array<i64: 5>, scalar_prefetch = 0 : i64, scratch_operands = 0 : i64, tpu.core_type = #tpu.core_type<tc>, window_params = [{transform_indices = @transform_0, window_bounds = array<i64: 2048, 128>}, {transform_indices = @transform_1, window_bounds = array<i64: 2048, 1>}, {transform_indices = @transform_2, window_bounds = array<i64: 2048, 128>}]} {
    %get3A = arith.constant 0 : index
    %get3A_0 = arith.constant 0 : index
    %get3A_1 = vector.load %arg1[%get3A, %get3A_0] : memref<2048x128xf32, #tpu.memory_space<vmem>>, vector<2048x128xf32>
    %get3A_2 = arith.constant 0 : index
    %get3A_3 = arith.constant 0 : index
    %get3A_4 = vector.load %arg2[%get3A_2, %get3A_3] : memref<2048x1xf32, #tpu.memory_space<vmem>>, vector<2048x1xf32>
    %mul3A = vector.broadcast %get3A_4 : vector<2048x1xf32> to vector<2048x128xf32>
    %mul3A_5 = arith.mulf %get3A_1, %mul3A : vector<2048x128xf32>
    %swap3A = arith.constant 0 : index
    %swap3A_6 = arith.constant 0 : index
    %swap3A_7 = vector.load %arg3[%swap3A, %swap3A_6] : memref<2048x128xf32, #tpu.memory_space<vmem>>, vector<2048x128xf32>
    tpu.vector_store %arg3[%swap3A, %swap3A_6], %mul3A_5 {strides = array<i32>} : memref<2048x128xf32, #tpu.memory_space<vmem>>, vector<2048x128xf32>,
    return
  }
  func.func @transform_0(%arg0: i32) -> (i32, i32) {
    %c0_i32 = arith.constant 0 : i32
    %c0_i32_0 = arith.constant 0 : i32
    return %arg0, %c0_i32 : i32, i32
  }
  func.func @transform_1(%arg0: i32) -> (i32, i32) {
    %c0_i32 = arith.constant 0 : i32
    %c0_i32_0 = arith.constant 0 : i32
    return %arg0, %c0_i32 : i32, i32
  }
  func.func @transform_2(%arg0: i32) -> (i32, i32) {
    %c0_i32 = arith.constant 0 : i32
    %c0_i32_0 = arith.constant 0 : i32
    return %arg0, %c0_i32 : i32, i32
  }
}

module attributes {stable_mosaic.version = 14 : i64} {
  func.func @body(%arg0: i32, %arg1: memref<2048x128xf32, #tpu.memory_space<vmem>>, %arg2: memref<2048x128xf32, #tpu.memory_space<vmem>>, %arg3: memref<2048x1xf32, #tpu.memory_space<vmem>>, %arg4: memref<2048x128xf32, #tpu.memory_space<vmem>>) attributes {dimension_semantics = [#tpu.dimension_semantics<arbitrary>], iteration_bounds = array<i64: 5>, scalar_prefetch = 0 : i64, scratch_operands = 0 : i64, tpu.core_type = #tpu.core_type<tc>, window_params = [{transform_indices = @transform_0, window_bounds = array<i64: 2048, 128>}, {transform_indices = @transform_1, window_bounds = array<i64: 2048, 128>}, {transform_indices = @transform_2, window_bounds = array<i64: 2048, 1>}, {transform_indices = @transform_3, window_bounds = array<i64: 2048, 128>}]} {
    %get3A = arith.constant 0 : index
    %get3A_0 = arith.constant 0 : index
    %get3A_1 = vector.load %arg1[%get3A, %get3A_0] : memref<2048x128xf32, #tpu.memory_space<vmem>>, vector<2048x128xf32>
    %get3A_2 = arith.constant 0 : index
    %get3A_3 = arith.constant 0 : index
    %get3A_4 = vector.load %arg2[%get3A_2, %get3A_3] : memref<2048x128xf32, #tpu.memory_space<vmem>>, vector<2048x128xf32>
    %add3A = arith.addf %get3A_1, %get3A_4 : vector<2048x128xf32>
    %get3A_5 = arith.constant 0 : index
    %get3A_6 = arith.constant 0 : index
    %get3A_7 = vector.load %arg3[%get3A_5, %get3A_6] : memref<2048x1xf32, #tpu.memory_space<vmem>>, vector<2048x1xf32>
    %mul3A = vector.broadcast %get3A_7 : vector<2048x1xf32> to vector<2048x128xf32>
    %mul3A_8 = arith.mulf %add3A, %mul3A : vector<2048x128xf32>
    %swap3A = arith.constant 0 : index
    %swap3A_9 = arith.constant 0 : index
    %swap3A_10 = vector.load %arg4[%swap3A, %swap3A_9] : memref<2048x128xf32, #tpu.memory_space<vmem>>, vector<2048x128xf32>
    tpu.vector_store %arg4[%swap3A, %swap3A_9], %mul3A_8 {strides = array<i32>} : memref<2048x128xf32, #tpu.memory_space<vmem>>, vector<2048x128xf32>,
    return
  }
  func.func @transform_0(%arg0: i32) -> (i32, i32) {
    %c0_i32 = arith.constant 0 : i32
    %c0_i32_0 = arith.constant 0 : i32
    return %arg0, %c0_i32 : i32, i32
  }
  func.func @transform_1(%arg0: i32) -> (i32, i32) {
    %add3A = arith.constant 5 : i32
    %add3A_0 = arith.addi %arg0, %add3A : i32
    %c0_i32 = arith.constant 0 : i32
    %c0_i32_1 = arith.constant 0 : i32
    return %add3A_0, %c0_i32 : i32, i32
  }
  func.func @transform_2(%arg0: i32) -> (i32, i32) {
    %c0_i32 = arith.constant 0 : i32
    %c0_i32_0 = arith.constant 0 : i32
    return %arg0, %c0_i32 : i32, i32
  }
  func.func @transform_3(%arg0: i32) -> (i32, i32) {
    %c0_i32 = arith.constant 0 : i32
    %c0_i32_0 = arith.constant 0 : i32
    return %arg0, %c0_i32 : i32, i32
  }
}

module attributes {stable_mosaic.version = 14 : i64} {
  func.func @body(%arg0: i32, %arg1: memref<2048x128xf32, #tpu.memory_space<vmem>>, %arg2: memref<2048x128xf32, #tpu.memory_space<vmem>>, %arg3: memref<2048x128xf32, #tpu.memory_space<vmem>>, %arg4: memref<2048x1xf32, #tpu.memory_space<vmem>>, %arg5: memref<128x128xf32, #tpu.memory_space<vmem>>, %arg6: memref<1x128xf32, #tpu.memory_space<vmem>>, %arg7: memref<2048x128xf32, #tpu.memory_space<vmem>>, %arg8: memref<2048x128xf32, #tpu.memory_space<vmem>>) attributes {dimension_semantics = [#tpu.dimension_semantics<arbitrary>], iteration_bounds = array<i64: 5>, scalar_prefetch = 0 : i64, scratch_operands = 0 : i64, tpu.core_type = #tpu.core_type<tc>, window_params = [{transform_indices = @transform_0, window_bounds = array<i64: 2048, 128>}, {transform_indices = @transform_1, window_bounds = array<i64: 2048, 128>}, {transform_indices = @transform_2, window_bounds = array<i64: 2048, 128>}, {transform_indices = @transform_3, window_bounds = array<i64: 2048, 1>}, {pipeline_mode = #tpu.pipeline_mode<synchronous>, transform_indices = @transform_4, window_bounds = array<i64: 128, 128>}, {pipeline_mode = #tpu.pipeline_mode<synchronous>, transform_indices = @transform_5, window_bounds = array<i64: 1, 128>}, {transform_indices = @transform_6, window_bounds = array<i64: 2048, 128>}, {transform_indices = @transform_7, window_bounds = array<i64: 2048, 128>}]} {
    %get3A = arith.constant 0 : index
    %get3A_0 = arith.constant 0 : index
    %get3A_1 = vector.load %arg2[%get3A, %get3A_0] : memref<2048x128xf32, #tpu.memory_space<vmem>>, vector<2048x128xf32>
    %get3A_2 = arith.constant 0 : index
    %get3A_3 = arith.constant 0 : index
    %get3A_4 = vector.load %arg3[%get3A_2, %get3A_3] : memref<2048x128xf32, #tpu.memory_space<vmem>>, vector<2048x128xf32>
    %add3A = arith.addf %get3A_1, %get3A_4 : vector<2048x128xf32>
    %get3A_5 = arith.constant 0 : index
    %get3A_6 = arith.constant 0 : index
    %get3A_7 = vector.load %arg4[%get3A_5, %get3A_6] : memref<2048x1xf32, #tpu.memory_space<vmem>>, vector<2048x1xf32>
    %mul3A = vector.broadcast %get3A_7 : vector<2048x1xf32> to vector<2048x128xf32>
    %mul3A_8 = arith.mulf %add3A, %mul3A : vector<2048x128xf32>
    %get3A_9 = arith.constant 0 : index
    %get3A_10 = arith.constant 0 : index
    %get3A_11 = vector.load %arg5[%get3A_9, %get3A_10] : memref<128x128xf32, #tpu.memory_space<vmem>>, vector<128x128xf32>
    %dot_general3A = arith.constant dense<0.000000e+00> : vector<2048x128xf32>
    %dot_general3A_12 = tpu.matmul %mul3A_8, %get3A_11, %dot_general3A {dimension_numbers = #tpu.dot_dimension_numbers<[1], [0], [0], [1], [0, 0, 1, 1], [], []>, transpose_lhs_hint = false} : vector<2048x128xf32>, vector<128x128xf32>, vector<2048x128xf32> -> vector<2048x128xf32>
    %get3A_13 = arith.constant 0 : index
    %get3A_14 = arith.constant 0 : index
    %get3A_15 = vector.load %arg1[%get3A_13, %get3A_14] : memref<2048x128xf32, #tpu.memory_space<vmem>>, vector<2048x128xf32>
    %add3A_16 = arith.addf %get3A_15, %dot_general3A_12 : vector<2048x128xf32>
    %get3A_17 = arith.constant 0 : index
    %get3A_18 = arith.constant 0 : index
    %get3A_19 = vector.load %arg6[%get3A_17, %get3A_18] : memref<1x128xf32, #tpu.memory_space<vmem>>, vector<1x128xf32>
    %add3A_20 = vector.broadcast %get3A_19 : vector<1x128xf32> to vector<2048x128xf32>
    %add3A_21 = arith.addf %add3A_16, %add3A_20 : vector<2048x128xf32>
    %max3A = arith.constant 0.000000e+00 : f32
    %max3A_22 = vector.broadcast %max3A : f32 to vector<2048x128xf32>
    %max3A_23 = arith.maximumf %add3A_21, %max3A_22 : vector<2048x128xf32>
    %swap3A = arith.constant 0 : index
    %swap3A_24 = arith.constant 0 : index
    %swap3A_25 = vector.load %arg7[%swap3A, %swap3A_24] : memref<2048x128xf32, #tpu.memory_space<vmem>>, vector<2048x128xf32>
    tpu.vector_store %arg7[%swap3A, %swap3A_24], %max3A_23 {strides = array<i32>} : memref<2048x128xf32, #tpu.memory_space<vmem>>, vector<2048x128xf32>,
    %get3A_26 = arith.constant 0 : index
    %get3A_27 = arith.constant 0 : index
    %get3A_28 = vector.load %arg4[%get3A_26, %get3A_27] : memref<2048x1xf32, #tpu.memory_space<vmem>>, vector<2048x1xf32>
    %mul3A_29 = vector.broadcast %get3A_28 : vector<2048x1xf32> to vector<2048x128xf32>
    %mul3A_30 = arith.mulf %max3A_23, %mul3A_29 : vector<2048x128xf32>
    %swap3A_31 = arith.constant 0 : index
    %swap3A_32 = arith.constant 0 : index
    %swap3A_33 = vector.load %arg8[%swap3A_31, %swap3A_32] : memref<2048x128xf32, #tpu.memory_space<vmem>>, vector<2048x128xf32>
    tpu.vector_store %arg8[%swap3A_31, %swap3A_32], %mul3A_30 {strides = array<i32>} : memref<2048x128xf32, #tpu.memory_space<vmem>>, vector<2048x128xf32>,
    return
  }
  func.func @transform_0(%arg0: i32) -> (i32, i32) {
    %c0_i32 = arith.constant 0 : i32
    %c0_i32_0 = arith.constant 0 : i32
    return %arg0, %c0_i32 : i32, i32
  }
  func.func @transform_1(%arg0: i32) -> (i32, i32) {
    %c0_i32 = arith.constant 0 : i32
    %c0_i32_0 = arith.constant 0 : i32
    return %arg0, %c0_i32 : i32, i32
  }
  func.func @transform_2(%arg0: i32) -> (i32, i32) {
    %add3A = arith.constant 5 : i32
    %add3A_0 = arith.addi %arg0, %add3A : i32
    %c0_i32 = arith.constant 0 : i32
    %c0_i32_1 = arith.constant 0 : i32
    return %add3A_0, %c0_i32 : i32, i32
  }
  func.func @transform_3(%arg0: i32) -> (i32, i32) {
    %c0_i32 = arith.constant 0 : i32
    %c0_i32_0 = arith.constant 0 : i32
    return %arg0, %c0_i32 : i32, i32
  }
  func.func @transform_4(%arg0: i32) -> (i32, i32) {
    %c0_i32 = arith.constant 0 : i32
    %c0_i32_0 = arith.constant 0 : i32
    %c0_i32_1 = arith.constant 0 : i32
    return %c0_i32, %c0_i32_0 : i32, i32
  }
  func.func @transform_5(%arg0: i32) -> (i32, i32) {
    %c0_i32 = arith.constant 0 : i32
    %c0_i32_0 = arith.constant 0 : i32
    %c0_i32_1 = arith.constant 0 : i32
    return %c0_i32, %c0_i32_0 : i32, i32
  }
  func.func @transform_6(%arg0: i32) -> (i32, i32) {
    %c0_i32 = arith.constant 0 : i32
    %c0_i32_0 = arith.constant 0 : i32
    return %arg0, %c0_i32 : i32, i32
  }
  func.func @transform_7(%arg0: i32) -> (i32, i32) {
    %c0_i32 = arith.constant 0 : i32
    %c0_i32_0 = arith.constant 0 : i32
    return %arg0, %c0_i32 : i32, i32
  }
}

module attributes {stable_mosaic.version = 14 : i64} {
  func.func @body(%arg0: i32, %arg1: memref<2048x128xf32, #tpu.memory_space<vmem>>, %arg2: memref<2048x128xf32, #tpu.memory_space<vmem>>, %arg3: memref<2048x128xf32, #tpu.memory_space<vmem>>, %arg4: memref<2048x1xf32, #tpu.memory_space<vmem>>, %arg5: memref<128x128xf32, #tpu.memory_space<vmem>>, %arg6: memref<1x128xf32, #tpu.memory_space<vmem>>, %arg7: memref<2048x128xf32, #tpu.memory_space<vmem>>, %arg8: memref<2048x128xf32, #tpu.memory_space<vmem>>) attributes {dimension_semantics = [#tpu.dimension_semantics<arbitrary>], iteration_bounds = array<i64: 5>, scalar_prefetch = 0 : i64, scratch_operands = 0 : i64, tpu.core_type = #tpu.core_type<tc>, window_params = [{transform_indices = @transform_0, window_bounds = array<i64: 2048, 128>}, {transform_indices = @transform_1, window_bounds = array<i64: 2048, 128>}, {transform_indices = @transform_2, window_bounds = array<i64: 2048, 128>}, {transform_indices = @transform_3, window_bounds = array<i64: 2048, 1>}, {pipeline_mode = #tpu.pipeline_mode<synchronous>, transform_indices = @transform_4, window_bounds = array<i64: 128, 128>}, {pipeline_mode = #tpu.pipeline_mode<synchronous>, transform_indices = @transform_5, window_bounds = array<i64: 1, 128>}, {transform_indices = @transform_6, window_bounds = array<i64: 2048, 128>}, {transform_indices = @transform_7, window_bounds = array<i64: 2048, 128>}]} {
    %get3A = arith.constant 0 : index
    %get3A_0 = arith.constant 0 : index
    %get3A_1 = vector.load %arg2[%get3A, %get3A_0] : memref<2048x128xf32, #tpu.memory_space<vmem>>, vector<2048x128xf32>
    %get3A_2 = arith.constant 0 : index
    %get3A_3 = arith.constant 0 : index
    %get3A_4 = vector.load %arg3[%get3A_2, %get3A_3] : memref<2048x128xf32, #tpu.memory_space<vmem>>, vector<2048x128xf32>
    %add3A = arith.addf %get3A_1, %get3A_4 : vector<2048x128xf32>
    %get3A_5 = arith.constant 0 : index
    %get3A_6 = arith.constant 0 : index
    %get3A_7 = vector.load %arg4[%get3A_5, %get3A_6] : memref<2048x1xf32, #tpu.memory_space<vmem>>, vector<2048x1xf32>
    %mul3A = vector.broadcast %get3A_7 : vector<2048x1xf32> to vector<2048x128xf32>
    %mul3A_8 = arith.mulf %add3A, %mul3A : vector<2048x128xf32>
    %get3A_9 = arith.constant 0 : index
    %get3A_10 = arith.constant 0 : index
    %get3A_11 = vector.load %arg5[%get3A_9, %get3A_10] : memref<128x128xf32, #tpu.memory_space<vmem>>, vector<128x128xf32>
    %dot_general3A = arith.constant dense<0.000000e+00> : vector<2048x128xf32>
    %dot_general3A_12 = tpu.matmul %mul3A_8, %get3A_11, %dot_general3A {dimension_numbers = #tpu.dot_dimension_numbers<[1], [0], [0], [1], [0, 0, 1, 1], [], []>, transpose_lhs_hint = false} : vector<2048x128xf32>, vector<128x128xf32>, vector<2048x128xf32> -> vector<2048x128xf32>
    %get3A_13 = arith.constant 0 : index
    %get3A_14 = arith.constant 0 : index
    %get3A_15 = vector.load %arg1[%get3A_13, %get3A_14] : memref<2048x128xf32, #tpu.memory_space<vmem>>, vector<2048x128xf32>
    %add3A_16 = arith.addf %get3A_15, %dot_general3A_12 : vector<2048x128xf32>
    %get3A_17 = arith.constant 0 : index
    %get3A_18 = arith.constant 0 : index
    %get3A_19 = vector.load %arg6[%get3A_17, %get3A_18] : memref<1x128xf32, #tpu.memory_space<vmem>>, vector<1x128xf32>
    %add3A_20 = vector.broadcast %get3A_19 : vector<1x128xf32> to vector<2048x128xf32>
    %add3A_21 = arith.addf %add3A_16, %add3A_20 : vector<2048x128xf32>
    %max3A = arith.constant 0.000000e+00 : f32
    %max3A_22 = vector.broadcast %max3A : f32 to vector<2048x128xf32>
    %max3A_23 = arith.maximumf %add3A_21, %max3A_22 : vector<2048x128xf32>
    %swap3A = arith.constant 0 : index
    %swap3A_24 = arith.constant 0 : index
    %swap3A_25 = vector.load %arg7[%swap3A, %swap3A_24] : memref<2048x128xf32, #tpu.memory_space<vmem>>, vector<2048x128xf32>
    tpu.vector_store %arg7[%swap3A, %swap3A_24], %max3A_23 {strides = array<i32>} : memref<2048x128xf32, #tpu.memory_space<vmem>>, vector<2048x128xf32>,
    %get3A_26 = arith.constant 0 : index
    %get3A_27 = arith.constant 0 : index
    %get3A_28 = vector.load %arg4[%get3A_26, %get3A_27] : memref<2048x1xf32, #tpu.memory_space<vmem>>, vector<2048x1xf32>
    %mul3A_29 = vector.broadcast %get3A_28 : vector<2048x1xf32> to vector<2048x128xf32>
    %mul3A_30 = arith.mulf %max3A_23, %mul3A_29 : vector<2048x128xf32>
    %swap3A_31 = arith.constant 0 : index
    %swap3A_32 = arith.constant 0 : index
    %swap3A_33 = vector.load %arg8[%swap3A_31, %swap3A_32] : memref<2048x128xf32, #tpu.memory_space<vmem>>, vector<2048x128xf32>
    tpu.vector_store %arg8[%swap3A_31, %swap3A_32], %mul3A_30 {strides = array<i32>} : memref<2048x128xf32, #tpu.memory_space<vmem>>, vector<2048x128xf32>,
    return
  }
  func.func @transform_0(%arg0: i32) -> (i32, i32) {
    %c0_i32 = arith.constant 0 : i32
    %c0_i32_0 = arith.constant 0 : i32
    return %arg0, %c0_i32 : i32, i32
  }
  func.func @transform_1(%arg0: i32) -> (i32, i32) {
    %c0_i32 = arith.constant 0 : i32
    %c0_i32_0 = arith.constant 0 : i32
    return %arg0, %c0_i32 : i32, i32
  }
  func.func @transform_2(%arg0: i32) -> (i32, i32) {
    %add3A = arith.constant 5 : i32
    %add3A_0 = arith.addi %arg0, %add3A : i32
    %c0_i32 = arith.constant 0 : i32
    %c0_i32_1 = arith.constant 0 : i32
    return %add3A_0, %c0_i32 : i32, i32
  }
  func.func @transform_3(%arg0: i32) -> (i32, i32) {
    %c0_i32 = arith.constant 0 : i32
    %c0_i32_0 = arith.constant 0 : i32
    return %arg0, %c0_i32 : i32, i32
  }
  func.func @transform_4(%arg0: i32) -> (i32, i32) {
    %c0_i32 = arith.constant 0 : i32
    %c0_i32_0 = arith.constant 0 : i32
    %c0_i32_1 = arith.constant 0 : i32
    return %c0_i32, %c0_i32_0 : i32, i32
  }
  func.func @transform_5(%arg0: i32) -> (i32, i32) {
    %c0_i32 = arith.constant 0 : i32
    %c0_i32_0 = arith.constant 0 : i32
    %c0_i32_1 = arith.constant 0 : i32
    return %c0_i32, %c0_i32_0 : i32, i32
  }
  func.func @transform_6(%arg0: i32) -> (i32, i32) {
    %c0_i32 = arith.constant 0 : i32
    %c0_i32_0 = arith.constant 0 : i32
    return %arg0, %c0_i32 : i32, i32
  }
  func.func @transform_7(%arg0: i32) -> (i32, i32) {
    %c0_i32 = arith.constant 0 : i32
    %c0_i32_0 = arith.constant 0 : i32
    return %arg0, %c0_i32 : i32, i32
  }
}

</mosaic_0001>

<sc_bundles>
// kernel: kernel.13.cloned.1.call-start
scs
__scs_entry_jumppad:
0x0: {  	(pc) =	sbr.rel $0x88, $3  }
0x1: {  	(tag) =	ssettag $0x0;
	lr =	simm.s32 $0x1  }
0x2: {  	[smem:$0x3F9B] =	sst lr;
	_ =	strace $0xD0000000  }
0x3: {  	_ = 	snop  }
0x4: {  	_ = 	snop  }
0x5: {  	_ = 	snop  }
0x6: {  	_ = 	snop  }
0x7: {  	_ = 	snop  }
__scs_overlays_trampoline_lowered:
0x8: {  	[smem:$0x3FAA] =	sst s0  }
0x9: {  	[smem:$0x3FAB] =	sst s1  }
0xa: {  	[smem:$0x3FAC] =	sst s2  }
0xb: {  	[smem:$0x3FAD] =	sst s3  }
0xc: {  	[smem:$0x3FAE] =	sst s4  }
0xd: {  	[smem:$0x3FAF] =	sst s5  }
0xe: {  	[smem:$0x3FB0] =	sst s6  }
0xf: {  	[smem:$0x3FB1] =	sst s7  }
0x10: {  	[smem:$0x3FB2] =	sst s8  }
0x11: {  	[smem:$0x3FB3] =	sst s9;
	s0 =	simm.s32 @!p0 $0x0  }
0x12: {  	s1 =	sld [smem:$0x3F99];
	s0 =	simm.s32 @p0 $0x1  }
0x13: {  	[smem:$0x3FB4] =	sst s0;
	s0 =	simm.s32 @!p1 $0x0  }
0x14: {  	s2 =	sld [smem:$0x3F98];
	s0 =	simm.s32 @p1 $0x1  }
0x15: {  	[smem:$0x3FB5] =	sst s0;
	s0 =	simm.s32 @!p2 $0x0  }
0x16: {  	s3 =	sld [smem:$0x3FDB];
	s0 =	simm.s32 @p2 $0x1  }
0x17: {  	s4 =	simm.s32 $0x1BF5;
	[smem:$0x3FB7] =	sst s0  }
0x18: {  	s0 =	sld [smem:$0x3F9A];
	_ =	swait.ge [sflag:s4], $0x0  }
0x19: {  	s7 =	sld [smem:$0x3F9B]  }
0x1a: {  	s8 =	sadd.s32 $0xFFFFE003, lr  }
0x1b: {  	s9 =	sadd.s32 $0xFFFFFEF7, lr;
	s5 =	simm.s32 $0xFFFFFFFF;
	p2 =	slt.u32 s8, $0xFFFFF086  }
0x1c: {  	p1 =	slt.u32 s9, $0xF7A;
	s5 =	simm.s32 @!p2 $0x0  }
0x1d: {  	s5 =	simm.s32 @p1 $0x1;
	p0 =	seq.s32 s7, s2  }
0x1e: {  	s7 =	smul.u32 @!p0 $0xF7A, s2;
	p2 =	seq.s32 @!p0 s5, $0x0  }
0x1f: {  	s9 =	smul.u32 $0xF7A, s1;
	s8 =	simm.s32 @!p0 $0x1BF5;
	p2 =	por !p2, p0  }
0x20: {  	[sflag:s8] =	ssyncset.s32 @!p0 $0xFFFFF086;
	s6 =	sadd.s32 @!p0 s3, s7;
	s7 =	simm.s32 @!p0 $0x108  }
0x21: {  	s3 =	sadd.s32 s3, s9;
	s6 =	sadd.s32 @!p0 $0x88, s6;
	s7 =	simm.s32 @p2 $0x1082  }
0x22: {  	[simem:s7], [sflag:s8] =	dma.local @!p0 [hbm:s6], $0xF7A  }
0x23: {  	s9 =	sor.u32 $0xD0000000, s2;
	s6 =	simm.s32 $0x108;
	_ =	swait.ge @!p0 [sflag:s8], $0x0  }
0x24: {  	s3 =	sadd.s32 $0x88, s3;
	s6 =	simm.s32 @!p1 $0x1082;
	[sflag:s4] =	ssyncset.s32 $0xFFFFF086  }
0x25: {  	[simem:s6], [sflag:s4] =	dma.local [hbm:s3], $0xF7A  }
0x26: {  	[smem:$0x3F9B] =	sst s1;
	(tag) =	ssettag s2;
	_ =	strace s9  }
0x27: {  	s1 =	sld [smem:$0x3FAB]  }
0x28: {  	s2 =	sld [smem:$0x3FAC]  }
0x29: {  	s4 =	sld [smem:$0x3FAE]  }
0x2a: {  	p0 =	seq.s32 s5, $0x0;
	s5 =	sld [smem:$0x3FAF]  }
0x2b: {  	s6 =	sld [smem:$0x3FB0]  }
0x2c: {  	s7 =	sld [smem:$0x3FB1]  }
0x2d: {  	s3 =	simm.s32 $0x108;
	s8 =	sld [smem:$0x3FB2]  }
0x2e: {  	s3 =	simm.s32 @!p0 $0x1082;
	s9 =	sld [smem:$0x3FB3]  }
0x2f: {  	lr =	sadd.s32 s0, s3;
	s0 =	sld [smem:$0x3FAA]  }
0x30: {  	s3 =	sld [smem:$0x3FAD]  }
0x31: {  	[smem:$0x3FB6] =	sst s10  }
0x32: {  	s10 =	sld [smem:$0x3FB4];
	_ =	sdelay $0x3  }
0x33: {  	p0 =	seq.s32 s10, $0x1;
	s10 =	sld [smem:$0x3FB6];
	_ =	sdelay $0x3  }
0x34: {  	[smem:$0x3FB6] =	sst s10  }
0x35: {  	s10 =	sld [smem:$0x3FB5];
	_ =	sdelay $0x3  }
0x36: {  	p1 =	seq.s32 s10, $0x1;
	s10 =	sld [smem:$0x3FB6];
	_ =	sdelay $0x3  }
0x37: {  	[smem:$0x3FB6] =	sst s10  }
0x38: {  	s10 =	sld [smem:$0x3FB7]  }
0x39: {  	_ = 	snop;
	(pc) =	sbr.ind lr, $3  }
0x3a: {  	_ = 	snop  }
0x3b: {  	_ = 	snop  }
0x3c: {  	p2 =	seq.s32 s10, $0x1;
	s10 =	sld [smem:$0x3FB6]  }
0x3d: {  	_ =	shalt  }
0x3e: {  	_ =	shalt  }
0x3f: {  	_ =	shalt  }
0x40: {  	_ =	shalt  }
0x41: {  	_ =	shalt  }
0x42: {  	_ =	shalt  }
0x43: {  	_ =	shalt  }
0x44: {  	_ =	shalt  }
0x45: {  	_ =	shalt  }
0x46: {  	_ =	shalt  }
0x47: {  	_ =	shalt  }
0x48: {  	_ =	shalt  }
0x49: {  	_ =	shalt  }
0x4a: {  	_ =	shalt  }
0x4b: {  	_ =	shalt  }
0x4c: {  	_ =	shalt  }
0x4d: {  	_ =	shalt  }
0x4e: {  	_ =	shalt  }
0x4f: {  	_ =	shalt  }
0x50: {  	_ =	shalt  }
0x51: {  	_ =	shalt  }
0x52: {  	_ =	shalt  }
0x53: {  	_ =	shalt  }
0x54: {  	_ =	shalt  }
0x55: {  	_ =	shalt  }
0x56: {  	_ =	shalt  }
0x57: {  	_ =	shalt  }
0x58: {  	_ =	shalt  }
0x59: {  	_ =	shalt  }
0x5a: {  	_ =	shalt  }
0x5b: {  	_ =	shalt  }
0x5c: {  	_ =	shalt  }
0x5d: {  	_ =	shalt  }
0x5e: {  	_ =	shalt  }
0x5f: {  	_ =	shalt  }
0x60: {  	_ =	shalt  }
0x61: {  	_ =	shalt  }
0x62: {  	_ =	shalt  }
0x63: {  	_ =	shalt  }
0x64: {  	_ =	shalt  }
0x65: {  	_ =	shalt  }
0x66: {  	_ =	shalt  }
0x67: {  	_ =	shalt  }
0x68: {  	_ =	shalt  }
0x69: {  	_ =	shalt  }
0x6a: {  	_ =	shalt  }
0x6b: {  	_ =	shalt  }
0x6c: {  	_ =	shalt  }
0x6d: {  	_ =	shalt  }
0x6e: {  	_ =	shalt  }
0x6f: {  	_ =	shalt  }
0x70: {  	_ =	shalt  }
0x71: {  	_ =	shalt  }
0x72: {  	_ =	shalt  }
0x73: {  	_ =	shalt  }
0x74: {  	_ =	shalt  }
0x75: {  	_ =	shalt  }
0x76: {  	_ =	shalt  }
0x77: {  	_ =	shalt  }
0x78: {  	_ =	shalt  }
0x79: {  	_ =	shalt  }
0x7a: {  	_ =	shalt  }
0x7b: {  	_ =	shalt  }
0x7c: {  	_ =	shalt  }
0x7d: {  	_ =	shalt  }
0x7e: {  	_ =	shalt  }
0x7f: {  	_ =	shalt  }
0x80: {  	_ =	shalt  }
0x81: {  	_ =	shalt  }
0x82: {  	_ =	shalt  }
0x83: {  	_ =	shalt  }
0x84: {  	_ =	shalt  }
0x85: {  	_ =	shalt  }
0x86: {  	_ =	shalt  }
0x87: {  	_ =	shalt  }
.Lfunc_end0:
.L_simem_size_0:
called_computation_lowered:
.L_overlay_start_0:
0x88: {  	s2 =	sld [smem:$0x3FD9]  }
0x89: {  	s3 =	sld [smem:$0x3FFE];
	_ =	sdelay $0x1  }
0x8a: {  	s1 =	srdreg.scid  }
0x8b: {  	s0 =	sand.u32 $0x1, s1  }
0x8c: {  	s17 =	sshll.u32 s0, $0xA;
	s2 =	sadd.s32 s3, s2  }
0x8d: {  	s2 =	sadd.s32 s2, s17  }
0x8e: {  	[smem:$0x3FC2] =	sst s2  }
0x8f: {  	_ = 	snop  }
0x90: {  	s2 =	sld [smem:$0x3FD0];
	(tm) =	ssettm $0x1  }
0x91: {  	s18 =	sld [smem:$0x3FFB];
	_ =	sdelay $0x3  }
0x92: {  	_ =	strace s18  }
0x93: {  	s3 =	sld [smem:$0x3FFC];
	_ =	sdelay $0x3  }
0x94: {  	_ =	strace s3  }
0x95: {  	s3 =	sld [smem:$0x3FFD];
	_ =	sdelay $0x3  }
0x96: {  	_ =	strace s3  }
0x97: {  	_ =	strace $0x8FFFFFFF  }
0x98: {  	s19 =	sld [smem:$0x3FDB];
	_ =	sdelay $0x1  }
0x99: {  	s4 =	simm.s32 $_scs_section_size  }
0x9a: {  	s5 =	simm.s32 $_size__tile_overlayer_lowered;
	s6 =	simm.s32 $_tile_overlayer_lowered  }
0x9b: {  	s22 =	simm.s32 $0x1BFF;
	s21 =	sshll.u32 s6, $0x1;
	s3 =	sadd.s32 s4, s19  }
0x9c: {  	s7 =	simm.s32 $0x0;
	s20 =	sshll.u32 s5, $0x1;
	s5 =	sadd.s32 s21, s3  }
0x9d: {  	[timem:s7], [sflag:s22] =	dma.local [hbm:s5], s20  }
0x9e: {  	_ =	swait.ge [sflag:s22], s20  }
0x9f: {  	s4 =	ssub.s32 $0x0, s20;
	[sflag:s22] =	ssyncset.done $0x0  }
0xa0: {  	[sflag:s22] =	ssyncadd.s32 s4;
	_ =	sdelay $0x1  }
0xa1: {  	s23 =	simm.s32 $0x1B8B  }
0xa2: {  	_ =	swait.ge [sflag:s23], $0x1  }
0xa3: {  	[sflag:s23] =	ssyncset.done $0x0  }
0xa4: {  	s25 =	simm.s32 $0x1B8E;
	s24 =	sld [smem:$0x3FFE];
	[sflag:s23] =	ssyncadd.s32 $0xFFFFFFFF  }
0xa5: {  	s26 =	simm.s32 $execute0_lowered;
	[smem:$0x3FD2] =	sst s25  }
0xa6: {  	s5 =	sshll.u32 s26, $0x1;
	_ =	strace $0x80000046;
	[dreg:$0x1] =	wrdreg $0xFFFFFFFF  }
0xa7: {  	s28 =	simm.s32 $_size_execute0_lowered;
	s3 =	sadd.s32 s3, s5;
	[dreg:$0x0] =	wrdreg $0x0  }
0xa8: {  	s5 =	sshll.u32 s28, $0x1;
	[dreg:$0x2] =	wrdreg s3  }
0xa9: {  	[dreg:$0x3] =	wrdreg s5  }
0xaa: {  	[dreg:$0x4] =	wrdreg $0xC0  }
0xab: {  	_ =	task [dreg:s7], $0x5FFFF  }
0xac: {  	[dreg:$0x1] =	wrdreg $0xFFFFFFFF  }
0xad: {  	[dreg:$0x0] =	wrdreg $0x60  }
0xae: {  	[dreg:$0x2] =	wrdreg s2  }
0xaf: {  	[dreg:$0x3] =	wrdreg s24  }
0xb0: {  	[dreg:$0x4] =	wrdreg $0x1000  }
0xb1: {  	[dreg:$0x5] =	wrdreg $0x9  }
0xb2: {  	_ =	task.clear_ibuf [dreg:s7], $0x6FFFF;
	_ =	strace $0x90000046  }
0xb3: {  	s29 =	simm.s32 $0x9;
	_ =	strace $0x80000048  }
0xb4: {  	_ =	swait.ge [sflag:s29], $0x1  }
0xb5: {  	[sflag:s29] =	ssyncadd.s32 $0xFFFFFFFF  }
0xb6: {  	_ =	strace $0x90000048  }
0xb7: {  	_ =	sfence  }
0xb8: {  	s30 =	sld [smem:$0x0];
	_ =	sdelay $0x2  }
0xb9: {  	s31 =	sshll.u32 s1, $0xD;
	s1 =	sshrl.u32 s1, $0x2  }
0xba: {  	s3 =	sand.u32 $0x4000, s31;
	s1 =	sadd.s32 s1, s30  }
0xbb: {  	s0 =	sor.u32 s3, s0;
	s1 =	sshll.u32 s1, $0x11  }
0xbc: {  	s0 =	sor.u32 s1, s0  }
0xbd: {  	s0 =	sadd.s32 $0x8F2B, s0  }
0xbe: {  	[sflag:s0] =	ssyncadd.remote.s32 $0x1  }
0xbf: {  	_ =	sfence.sel $0xFFFF  }
0xc0: {  	[dreg:$0x0] =	wrdreg $0xFFFFFFFF;
	(pc) =	sbr.abs _section_cstart, $3  }
0xc1: {  	[dreg:$0x1] =	wrdreg $0xFFFFFFFF  }
0xc2: {  	_ =	task.clear_ibuf [dreg:s7], $0x2FFFF;
	_ =	strace $0x9FFFFFFF  }
0xc3: {  	(tm) =	ssettm $0x7FFFFFFF  }
tec
execute0_lowered:
.L_overlay_start_1:
0x0: {  	(tag) =	ssettag $0x1  }
0x1: {  	s11 =	rddreg [dreg:$0x0]  }
0x2: {  	s4 =	rddreg [dreg:$0x1]  }
0x3: {  	s2 =	rddreg [dreg:$0x2];
	s1 =	stileid.u32  }
0x4: {  	s5 =	srdreg.scid;
	s6 =	smul.u32 $0x280, s1  }
0x5: {  	s0 =	rddreg [dreg:$0x3];
	s5 =	sand.u32 $0x1, s5;
	s10 =	smul.u32 $0x4F00, s1  }
0x6: {  	s3 =	simm.s32 $0x0;
	s16 =	simm.s32 $0x0;
	s7 =	smul.u32 $0x2800, s5  }
0x7: {  	[smem:$0x7FF] =	sst s3;
	s8 =	ssub.s32 $0x2, s5;
	s9 =	smul.u32 $0x4F000, s5  }
0x8: {  	s31 =	sshll.u32 s1, $0x6;
	_ =	strace $0x80000047;
	s30 =	sshrl.u32 s8, $0x1  }
0x9: {  	s7 =	sadd.s32 s6, s7;
	s13 =	ssub.s32 s8, s30;
	s9 =	sadd.s32 s10, s9  }
0xa: {  	s29 =	sshrl.u32 s7, $0x3;
	s14 =	sshrl.u32 s9, $0x3;
	s10 =	smax.u32 s13, $0x1  }
0xb: {  	s13 =	simm.s32 $0x1;
	s12 =	sadd.s32 s29, s4;
	s4 =	sadd.s32 s6, s2  }
0xc: {  	s11 =	sadd.s32 s14, s11;
	s14 =	sor.u32 $0x1C01, s31;
	s5 =	sadd.s32 $0x80, s4  }
0xd: {  	s6 =	sadd.s32 $0x100, s4;
	s7 =	sadd.s32 $0x180, s4;
	s8 =	sadd.s32 $0x200, s4  }
0xe: {  	v0 =	vimm.f32 $0.0e+00;
	v1 =	vimm.f32 $1.000000000e+00;
	s9 =	sadd.s32 $0x4200, s12;
	s12 =	simm.s32 $0x80;
	s15 =	sshrl.u32 s4, $0x3  }
.LBB2_1:
0xf: {  	[tilespmem:$0x80] =	vst v0  }
0x10: {  	[tilespmem:$0x90] =	vst v0  }
0x11: {  	[tilespmem:$0xA0] =	vst v0  }
0x12: {  	[tilespmem:$0xB0] =	vst v0  }
0x13: {  	[tilespmem:$0xC0] =	vst v0  }
0x14: {  	[tilespmem:$0xD0] =	vst v0  }
0x15: {  	[tilespmem:$0xE0] =	vst v0  }
0x16: {  	[tilespmem:$0xF0] =	vst v0  }
0x17: {  	[spmem:s4] =	stream.linear.scatter [tilespmem:s12], [sflag:$0x1], $0x80, $0x38;
	[tilespmem:$0x380] =	vst v63  }
0x18: {  	_ =	swait.ge [sflag:s13], $0x80  }
0x19: {  	[sflag:s13] =	ssyncset.done $0x0  }
0x1a: {  	[sflag:s13] =	ssyncadd.s32 $0xFFFFFF80  }
0x1b: {  	[spmem:s5] =	stream.linear.scatter [tilespmem:s12], [sflag:$0x1], $0x80, $0x38;
	[tilespmem:$0x380] =	vst v63  }
0x1c: {  	_ =	swait.ge [sflag:s13], $0x80  }
0x1d: {  	[sflag:s13] =	ssyncset.done $0x0  }
0x1e: {  	[sflag:s13] =	ssyncadd.s32 $0xFFFFFF80  }
0x1f: {  	[spmem:s6] =	stream.linear.scatter [tilespmem:s12], [sflag:$0x1], $0x80, $0x38;
	[tilespmem:$0x380] =	vst v63  }
0x20: {  	_ =	swait.ge [sflag:s13], $0x80  }
0x21: {  	[sflag:s13] =	ssyncset.done $0x0  }
0x22: {  	[sflag:s13] =	ssyncadd.s32 $0xFFFFFF80  }
0x23: {  	[spmem:s7] =	stream.linear.scatter [tilespmem:s12], [sflag:$0x1], $0x80, $0x38;
	[tilespmem:$0x380] =	vst v63  }
0x24: {  	_ =	swait.ge [sflag:s13], $0x80  }
0x25: {  	[sflag:s13] =	ssyncset.done $0x0  }
0x26: {  	[sflag:s13] =	ssyncadd.s32 $0xFFFFFF80  }
0x27: {  	[spmem:s8] =	stream.linear.scatter [tilespmem:s12], [sflag:$0x1], $0x80, $0x38;
	[tilespmem:$0x380] =	vst v63  }
0x28: {  	_ =	swait.ge [sflag:s13], $0x80  }
0x29: {  	[sflag:s13] =	ssyncset.done $0x0  }
0x2a: {  	[sflag:s13] =	ssyncadd.s32 $0xFFFFFF80  }
0x2b: {  	[tilespmem:$0x80] =	vst v1  }
0x2c: {  	[tilespmem:$0x90] =	vst v1  }
0x2d: {  	[tilespmem:$0xA0] =	vst v1  }
0x2e: {  	[tilespmem:$0xB0] =	vst v1  }
0x2f: {  	[tilespmem:$0xC0] =	vst v1  }
0x30: {  	[tilespmem:$0xD0] =	vst v1  }
0x31: {  	[tilespmem:$0xE0] =	vst v1  }
0x32: {  	[tilespmem:$0xF0] =	vst v1  }
0x33: {  	s17 =	sadd.s32 $0x0, s11;
	[bflag:$0x0] =	sbarrier.arrive $0xFFFF  }
0x34: {  	[tilespmem:s3], [sflag:$0x1] =	stream.linear.gather [hbm4b:s17+s3], $0x80, $0x38;
	[tilespmem:$0x380] =	vst v63  }
0x35: {  	_ =	swait.ge [sflag:s13], $0x80  }
0x36: {  	[sflag:s13] =	ssyncset.done $0x0  }
0x37: {  	[sflag:s13] =	ssyncadd.s32 $0xFFFFFF80  }
0x38: {  	[spmem:s2] =	stream.indirect.scatter.add.f32 [tilespmem:s12], [sflag:$0x1], $0x1, s3, s12, $0xb8;
	[tilespmem:$0x380] =	vst v63  }
0x39: {  	_ =	swait.ge [sflag:s13], $0x80  }
0x3a: {  	s18 =	simm.s32 $0x20;
	s17 =	simm.s32 $0x10;
	[sflag:s13] =	ssyncset.done $0x0  }
.LBB2_2:
0x3b: {  	s19 =	sadd.s32 s17, s11  }
0x3c: {  	[sflag:s13] =	ssyncadd.s32 $0xFFFFFF80;
	s17 =	smov.u32 s18;
	s20 =	sadd.s32 $0x10, s18  }
0x3d: {  	[tilespmem:s3], [sflag:$0x1] =	stream.linear.gather [hbm4b:s19+s3], $0x80, $0x38;
	[tilespmem:$0x380] =	vst v63  }
0x3e: {  	p0 =	sne.s32 s18, $0x9D0;
	_ =	swait.ge [sflag:s13], $0x80  }
.Ltmp0:
0x3f: {  	[sflag:s13] =	ssyncset.done $0x0;
	(pc) =	sbr.rel @p0 .LBB2_2-.Ltmp0, $4  }
0x40: {  	[sflag:s13] =	ssyncadd.s32 $0xFFFFFF80  }
0x41: {  	[spmem:s2] =	stream.indirect.scatter.add.f32 [tilespmem:s12], [sflag:$0x1], $0x1, s3, s12, $0xb8;
	[tilespmem:$0x380] =	vst v63  }
0x42: {  	_ =	swait.ge [sflag:s13], $0x80  }
0x43: {  	s18 =	smov.u32 s20;
	[sflag:s13] =	ssyncset.done $0x0  }
0x44: {  	s17 =	sadd.s32 s17, s11;
	[sflag:s13] =	ssyncadd.s32 $0xFFFFFF80  }
0x45: {  	[tilespmem:s3], [sflag:$0x1] =	stream.linear.gather [hbm4b:s17+s3], $0x80, $0x38;
	[tilespmem:$0x380] =	vst v63  }
0x46: {  	_ =	swait.ge [sflag:s13], $0x80  }
0x47: {  	[sflag:s13] =	ssyncset.done $0x0  }
0x48: {  	[sflag:s13] =	ssyncadd.s32 $0xFFFFFF80  }
0x49: {  	[spmem:s2] =	stream.indirect.scatter.add.f32 [tilespmem:s12], [sflag:$0x1], $0x1, s3, s12, $0xb8;
	[tilespmem:$0x380] =	vst v63  }
0x4a: {  	_ =	swait.ge [sflag:s13], $0x80  }
0x4b: {  	s16 =	sadd.s32 $0x1, s16;
	[sflag:s13] =	ssyncset.done $0x0  }
0x4c: {  	p0 =	sne.s32 s16, s10;
	[sflag:s13] =	ssyncadd.s32 $0xFFFFFF80  }
.Ltmp1:
0x4d: {  	[bflag:$0x0] =	sbarrier.arrive $0xFFFF;
	(pc) =	sbr.rel @p0 .LBB2_1-.Ltmp1, $4  }
0x4e: {  	[hbm:s9], [sflag:s14] =	dma.local [spmem:s15], $0x50  }
0x4f: {  	_ =	swait.ge [sflag:s13], $0x50  }
0x50: {  	[sflag:s13] =	ssyncset.done $0x0  }
0x51: {  	[sflag:s13] =	ssyncadd.s32 $0xFFFFFFB0  }
0x52: {  	_ =	sfence.sel $0x180000  }
0x53: {  	[bflag:$0x0] =	sbarrier.arrive $0xFFFF  }
0x54: {  	p0 =	sne.s32 s1, $0x0;
	_ =	strace $0x90000047  }
0x55: {  	s0 =	sadd.s32 @!p0 $0x100000, s0;
	[bflag:$0x2] =	sbarrier.arrive $0xFFFF  }
0x56: {  	[sflag:s0] =	ssyncadd.tile.s32 @!p0 $0x1;
	_ =	shalt  }
.Lfunc_end2:
_tile_overlayer_lowered:
.L_overlay_start_2:
0x57: {  	(tag) =	ssettag $0x2  }
0x58: {  	s0 =	rddreg [dreg:$0x0];
	s2 =	stileid.u32  }
0x59: {  	s1 =	rddreg [dreg:$0x1];
	p0 =	sne.s32 s2, $0x0  }
0x5a: {  	s3 =	rddreg [dreg:$0x2];
	[bflag:$0x3] =	sbarrier.arrive $0xFFFF;
	s2 =	simm.s32 @!p0 $0x1C01  }
0x5b: {  	[timem:s3], [sflag:s2] =	dma.local @!p0 [hbm:s0], s1  }
0x5c: {  	s0 =	simm.s32 @!p0 $0x1  }
0x5d: {  	_ =	swait.ge @!p0 [sflag:s0], s1  }
0x5e: {  	s1 =	ssub.s32 @!p0 $0x0, s1;
	[sflag:s0] =	ssyncset.done @!p0 $0x0  }
0x5f: {  	[sflag:s0] =	ssyncadd.s32 @!p0 s1  }
0x60: {  	[bflag:$0x3] =	sbarrier.arrive $0xFFFF  }
0x61: {  	_ =	shalt  }

// kernel: kernel.16.cloned.1.call-start
scs
__scs_entry_jumppad:
0x0: {  	(pc) =	sbr.rel $0x88, $3  }
0x1: {  	(tag) =	ssettag $0x0;
	lr =	simm.s32 $0x1  }
0x2: {  	[smem:$0x3F9B] =	sst lr;
	_ =	strace $0xD0000000  }
0x3: {  	_ = 	snop  }
0x4: {  	_ = 	snop  }
0x5: {  	_ = 	snop  }
0x6: {  	_ = 	snop  }
0x7: {  	_ = 	snop  }
__scs_overlays_trampoline_lowered:
0x8: {  	[smem:$0x3FAA] =	sst s0  }
0x9: {  	[smem:$0x3FAB] =	sst s1  }
0xa: {  	[smem:$0x3FAC] =	sst s2  }
0xb: {  	[smem:$0x3FAD] =	sst s3  }
0xc: {  	[smem:$0x3FAE] =	sst s4  }
0xd: {  	[smem:$0x3FAF] =	sst s5  }
0xe: {  	[smem:$0x3FB0] =	sst s6  }
0xf: {  	[smem:$0x3FB1] =	sst s7  }
0x10: {  	[smem:$0x3FB2] =	sst s8  }
0x11: {  	[smem:$0x3FB3] =	sst s9;
	s0 =	simm.s32 @!p0 $0x0  }
0x12: {  	s1 =	sld [smem:$0x3F99];
	s0 =	simm.s32 @p0 $0x1  }
0x13: {  	[smem:$0x3FB4] =	sst s0;
	s0 =	simm.s32 @!p1 $0x0  }
0x14: {  	s2 =	sld [smem:$0x3F98];
	s0 =	simm.s32 @p1 $0x1  }
0x15: {  	[smem:$0x3FB5] =	sst s0;
	s0 =	simm.s32 @!p2 $0x0  }
0x16: {  	s3 =	sld [smem:$0x3FDB];
	s0 =	simm.s32 @p2 $0x1  }
0x17: {  	s4 =	simm.s32 $0x1BF5;
	[smem:$0x3FB7] =	sst s0  }
0x18: {  	s0 =	sld [smem:$0x3F9A];
	_ =	swait.ge [sflag:s4], $0x0  }
0x19: {  	s7 =	sld [smem:$0x3F9B]  }
0x1a: {  	s8 =	sadd.s32 $0xFFFFE003, lr  }
0x1b: {  	s9 =	sadd.s32 $0xFFFFFEF7, lr;
	s5 =	simm.s32 $0xFFFFFFFF;
	p2 =	slt.u32 s8, $0xFFFFF086  }
0x1c: {  	p1 =	slt.u32 s9, $0xF7A;
	s5 =	simm.s32 @!p2 $0x0  }
0x1d: {  	s5 =	simm.s32 @p1 $0x1;
	p0 =	seq.s32 s7, s2  }
0x1e: {  	s7 =	smul.u32 @!p0 $0xF7A, s2;
	p2 =	seq.s32 @!p0 s5, $0x0  }
0x1f: {  	s9 =	smul.u32 $0xF7A, s1;
	s8 =	simm.s32 @!p0 $0x1BF5;
	p2 =	por !p2, p0  }
0x20: {  	[sflag:s8] =	ssyncset.s32 @!p0 $0xFFFFF086;
	s6 =	sadd.s32 @!p0 s3, s7;
	s7 =	simm.s32 @!p0 $0x108  }
0x21: {  	s3 =	sadd.s32 s3, s9;
	s6 =	sadd.s32 @!p0 $0x88, s6;
	s7 =	simm.s32 @p2 $0x1082  }
0x22: {  	[simem:s7], [sflag:s8] =	dma.local @!p0 [hbm:s6], $0xF7A  }
0x23: {  	s9 =	sor.u32 $0xD0000000, s2;
	s6 =	simm.s32 $0x108;
	_ =	swait.ge @!p0 [sflag:s8], $0x0  }
0x24: {  	s3 =	sadd.s32 $0x88, s3;
	s6 =	simm.s32 @!p1 $0x1082;
	[sflag:s4] =	ssyncset.s32 $0xFFFFF086  }
0x25: {  	[simem:s6], [sflag:s4] =	dma.local [hbm:s3], $0xF7A  }
0x26: {  	[smem:$0x3F9B] =	sst s1;
	(tag) =	ssettag s2;
	_ =	strace s9  }
0x27: {  	s1 =	sld [smem:$0x3FAB]  }
0x28: {  	s2 =	sld [smem:$0x3FAC]  }
0x29: {  	s4 =	sld [smem:$0x3FAE]  }
0x2a: {  	p0 =	seq.s32 s5, $0x0;
	s5 =	sld [smem:$0x3FAF]  }
0x2b: {  	s6 =	sld [smem:$0x3FB0]  }
0x2c: {  	s7 =	sld [smem:$0x3FB1]  }
0x2d: {  	s3 =	simm.s32 $0x108;
	s8 =	sld [smem:$0x3FB2]  }
0x2e: {  	s3 =	simm.s32 @!p0 $0x1082;
	s9 =	sld [smem:$0x3FB3]  }
0x2f: {  	lr =	sadd.s32 s0, s3;
	s0 =	sld [smem:$0x3FAA]  }
0x30: {  	s3 =	sld [smem:$0x3FAD]  }
0x31: {  	[smem:$0x3FB6] =	sst s10  }
0x32: {  	s10 =	sld [smem:$0x3FB4];
	_ =	sdelay $0x3  }
0x33: {  	p0 =	seq.s32 s10, $0x1;
	s10 =	sld [smem:$0x3FB6];
	_ =	sdelay $0x3  }
0x34: {  	[smem:$0x3FB6] =	sst s10  }
0x35: {  	s10 =	sld [smem:$0x3FB5];
	_ =	sdelay $0x3  }
0x36: {  	p1 =	seq.s32 s10, $0x1;
	s10 =	sld [smem:$0x3FB6];
	_ =	sdelay $0x3  }
0x37: {  	[smem:$0x3FB6] =	sst s10  }
0x38: {  	s10 =	sld [smem:$0x3FB7]  }
0x39: {  	_ = 	snop;
	(pc) =	sbr.ind lr, $3  }
0x3a: {  	_ = 	snop  }
0x3b: {  	_ = 	snop  }
0x3c: {  	p2 =	seq.s32 s10, $0x1;
	s10 =	sld [smem:$0x3FB6]  }
0x3d: {  	_ =	shalt  }
0x3e: {  	_ =	shalt  }
0x3f: {  	_ =	shalt  }
0x40: {  	_ =	shalt  }
0x41: {  	_ =	shalt  }
0x42: {  	_ =	shalt  }
0x43: {  	_ =	shalt  }
0x44: {  	_ =	shalt  }
0x45: {  	_ =	shalt  }
0x46: {  	_ =	shalt  }
0x47: {  	_ =	shalt  }
0x48: {  	_ =	shalt  }
0x49: {  	_ =	shalt  }
0x4a: {  	_ =	shalt  }
0x4b: {  	_ =	shalt  }
0x4c: {  	_ =	shalt  }
0x4d: {  	_ =	shalt  }
0x4e: {  	_ =	shalt  }
0x4f: {  	_ =	shalt  }
0x50: {  	_ =	shalt  }
0x51: {  	_ =	shalt  }
0x52: {  	_ =	shalt  }
0x53: {  	_ =	shalt  }
0x54: {  	_ =	shalt  }
0x55: {  	_ =	shalt  }
0x56: {  	_ =	shalt  }
0x57: {  	_ =	shalt  }
0x58: {  	_ =	shalt  }
0x59: {  	_ =	shalt  }
0x5a: {  	_ =	shalt  }
0x5b: {  	_ =	shalt  }
0x5c: {  	_ =	shalt  }
0x5d: {  	_ =	shalt  }
0x5e: {  	_ =	shalt  }
0x5f: {  	_ =	shalt  }
0x60: {  	_ =	shalt  }
0x61: {  	_ =	shalt  }
0x62: {  	_ =	shalt  }
0x63: {  	_ =	shalt  }
0x64: {  	_ =	shalt  }
0x65: {  	_ =	shalt  }
0x66: {  	_ =	shalt  }
0x67: {  	_ =	shalt  }
0x68: {  	_ =	shalt  }
0x69: {  	_ =	shalt  }
0x6a: {  	_ =	shalt  }
0x6b: {  	_ =	shalt  }
0x6c: {  	_ =	shalt  }
0x6d: {  	_ =	shalt  }
0x6e: {  	_ =	shalt  }
0x6f: {  	_ =	shalt  }
0x70: {  	_ =	shalt  }
0x71: {  	_ =	shalt  }
0x72: {  	_ =	shalt  }
0x73: {  	_ =	shalt  }
0x74: {  	_ =	shalt  }
0x75: {  	_ =	shalt  }
0x76: {  	_ =	shalt  }
0x77: {  	_ =	shalt  }
0x78: {  	_ =	shalt  }
0x79: {  	_ =	shalt  }
0x7a: {  	_ =	shalt  }
0x7b: {  	_ =	shalt  }
0x7c: {  	_ =	shalt  }
0x7d: {  	_ =	shalt  }
0x7e: {  	_ =	shalt  }
0x7f: {  	_ =	shalt  }
0x80: {  	_ =	shalt  }
0x81: {  	_ =	shalt  }
0x82: {  	_ =	shalt  }
0x83: {  	_ =	shalt  }
0x84: {  	_ =	shalt  }
0x85: {  	_ =	shalt  }
0x86: {  	_ =	shalt  }
0x87: {  	_ =	shalt  }
.Lfunc_end0:
.L_simem_size_0:
called_computation.1_lowered:
.L_overlay_start_0:
0x88: {  	s2 =	sld [smem:$0x3FD9]  }
0x89: {  	s3 =	sld [smem:$0x3FFE];
	_ =	sdelay $0x1  }
0x8a: {  	s1 =	srdreg.scid  }
0x8b: {  	s0 =	sand.u32 $0x1, s1  }
0x8c: {  	s16 =	sshll.u32 s0, $0xA;
	s2 =	sadd.s32 s3, s2  }
0x8d: {  	s2 =	sadd.s32 s2, s16  }
0x8e: {  	[smem:$0x3FC2] =	sst s2  }
0x8f: {  	_ = 	snop  }
0x90: {  	(tm) =	ssettm $0x1  }
0x91: {  	s17 =	sld [smem:$0x3FFB];
	_ =	sdelay $0x3  }
0x92: {  	_ =	strace s17  }
0x93: {  	s2 =	sld [smem:$0x3FFC];
	_ =	sdelay $0x3  }
0x94: {  	_ =	strace s2  }
0x95: {  	s2 =	sld [smem:$0x3FFD];
	_ =	sdelay $0x3  }
0x96: {  	_ =	strace s2  }
0x97: {  	_ =	strace $0x8FFFFFFF  }
0x98: {  	s18 =	sld [smem:$0x3FDB];
	_ =	sdelay $0x1  }
0x99: {  	s19 =	simm.s32 $_scs_section_size  }
0x9a: {  	s4 =	simm.s32 $_size__tile_overlayer_lowered;
	s5 =	simm.s32 $_tile_overlayer_lowered  }
0x9b: {  	s22 =	simm.s32 $0x1BFF;
	s21 =	sshll.u32 s5, $0x1;
	s2 =	sadd.s32 s19, s18  }
0x9c: {  	s6 =	simm.s32 $0x0;
	s20 =	sshll.u32 s4, $0x1;
	s4 =	sadd.s32 s21, s2  }
0x9d: {  	[timem:s6], [sflag:s22] =	dma.local [hbm:s4], s20  }
0x9e: {  	_ =	swait.ge [sflag:s22], s20  }
0x9f: {  	s3 =	ssub.s32 $0x0, s20;
	[sflag:s22] =	ssyncset.done $0x0  }
0xa0: {  	[sflag:s22] =	ssyncadd.s32 s3;
	_ =	sdelay $0x1  }
0xa1: {  	s23 =	simm.s32 $0x1B8B  }
0xa2: {  	_ =	swait.ge [sflag:s23], $0x1  }
0xa3: {  	[sflag:s23] =	ssyncset.done $0x0  }
0xa4: {  	s25 =	simm.s32 $0x1B8E;
	s24 =	sld [smem:$0x3FFE];
	[sflag:s23] =	ssyncadd.s32 $0xFFFFFFFF  }
0xa5: {  	s26 =	simm.s32 $execute0_lowered;
	[smem:$0x3FD2] =	sst s25  }
0xa6: {  	s4 =	sshll.u32 s26, $0x1;
	_ =	strace $0x80000049;
	[dreg:$0x1] =	wrdreg $0xFFFFFFFF  }
0xa7: {  	s28 =	simm.s32 $_size_execute0_lowered;
	s2 =	sadd.s32 s2, s4;
	[dreg:$0x0] =	wrdreg $0x0  }
0xa8: {  	s4 =	sshll.u32 s28, $0x1;
	[dreg:$0x2] =	wrdreg s2  }
0xa9: {  	[dreg:$0x3] =	wrdreg s4  }
0xaa: {  	[dreg:$0x4] =	wrdreg $0xC0  }
0xab: {  	_ =	task [dreg:s6], $0x5FFFF  }
0xac: {  	[dreg:$0x1] =	wrdreg $0xFFFFFFFF  }
0xad: {  	[dreg:$0x0] =	wrdreg $0x60  }
0xae: {  	[dreg:$0x2] =	wrdreg s24  }
0xaf: {  	[dreg:$0x3] =	wrdreg $0x81000  }
0xb0: {  	[dreg:$0x4] =	wrdreg $0x9  }
0xb1: {  	_ =	task.clear_ibuf [dreg:s6], $0x5FFFF;
	_ =	strace $0x90000049  }
0xb2: {  	s29 =	simm.s32 $0x9;
	_ =	strace $0x8000004B  }
0xb3: {  	_ =	swait.ge [sflag:s29], $0x1  }
0xb4: {  	[sflag:s29] =	ssyncadd.s32 $0xFFFFFFFF  }
0xb5: {  	_ =	strace $0x9000004B  }
0xb6: {  	_ =	sfence  }
0xb7: {  	s30 =	sld [smem:$0x0];
	_ =	sdelay $0x2  }
0xb8: {  	s31 =	sshll.u32 s1, $0xD;
	s1 =	sshrl.u32 s1, $0x2  }
0xb9: {  	s3 =	sand.u32 $0x4000, s31;
	s1 =	sadd.s32 s1, s30  }
0xba: {  	s0 =	sor.u32 s3, s0;
	s1 =	sshll.u32 s1, $0x11  }
0xbb: {  	s0 =	sor.u32 s1, s0  }
0xbc: {  	s0 =	sadd.s32 $0x8F2B, s0  }
0xbd: {  	[sflag:s0] =	ssyncadd.remote.s32 $0x1  }
0xbe: {  	_ =	sfence.sel $0xFFFF  }
0xbf: {  	[dreg:$0x0] =	wrdreg $0xFFFFFFFF;
	(pc) =	sbr.abs _section_cstart, $3  }
0xc0: {  	[dreg:$0x1] =	wrdreg $0xFFFFFFFF  }
0xc1: {  	_ =	task.clear_ibuf [dreg:s6], $0x2FFFF;
	_ =	strace $0x9FFFFFFF  }
0xc2: {  	(tm) =	ssettm $0x7FFFFFFF  }
0xc3: {  	_ =	shalt  }
tec
execute0_lowered:
.L_overlay_start_1:
0x0: {  	(tag) =	ssettag $0x1  }
0x1: {  	s5 =	rddreg [dreg:$0x0];
	s0 =	srdreg.scid  }
0x2: {  	s2 =	rddreg [dreg:$0x1];
	s1 =	stileid.u32;
	s3 =	simm.s32 $0x0  }
0x3: {  	s15 =	simm.s32 $0x2;
	s16 =	simm.s32 $0x80;
	s8 =	smul.u32 $0x2800, s1  }
0x4: {  	s17 =	simm.s32 $0x100;
	s18 =	simm.s32 $0x1;
	s10 =	smul.u32 $0x50000, s1  }
0x5: {  	s6 =	sand.u32 $0x1, s0;
	s0 =	rddreg [dreg:$0x2];
	s14 =	smul.u32 $0x4F0, s1  }
0x6: {  	s21 =	simm.s32 $0x0;
	[smem:$0x7FF] =	sst s3;
	s7 =	smul.u32 $0x4F00, s6  }
0x7: {  	s4 =	sadd.s32 $0x18800, s5;
	s19 =	sshll.u32 s1, $0x6;
	s9 =	smul.u32 $0x28000, s6  }
0x8: {  	_ =	strace $0x8000004A;
	s6 =	ssub.s32 $0x2, s6;
	s19 =	sor.u32 $0x1C02, s19  }
0x9: {  	s30 =	sshrl.u32 s6, $0x1;
	s31 =	sshrl.u32 s10, $0x2;
	s29 =	sadd.s32 s8, s9  }
0xa: {  	s11 =	sadd.s32 s7, s5;
	s13 =	ssub.s32 s6, s30;
	s12 =	sadd.s32 s29, s5  }
0xb: {  	s5 =	sadd.s32 s31, s2;
	s14 =	sadd.s32 s14, s11;
	s11 =	smax.u32 s13, $0x1  }
0xc: {  	s6 =	sadd.s32 $0x4000, s5;
	s7 =	sadd.s32 $0x8000, s5;
	s8 =	sadd.s32 $0xC000, s5  }
0xd: {  	s9 =	sadd.s32 $0x10000, s5;
	s10 =	sadd.s32 $0x40800, s12;
	s12 =	sadd.s32 $0xEA00, s14  }
0xe: {  	v0 =	vimm.f32 $0.0e+00;
	s13 =	sadd.s32 $0x4C00, s14;
	s14 =	simm.s32 $0x4100;
	s20 =	sshrl.u32 s5, $0x3  }
.LBB2_1:
0xf: {  	s22 =	simm.s32 $0x0;
	s23 =	simm.s32 $0x200  }
.LBB2_2:
0x10: {  	p0 =	sne.s32 s23, $0xFE00;
	[tilespmem:s22+$0x4170] =	vst v0  }
0x11: {  	[tilespmem:s22+$0x4100] =	vst v0  }
0x12: {  	[tilespmem:s22+$0x4110] =	vst v0  }
.Ltmp0:
0x13: {  	[tilespmem:s22+$0x4120] =	vst v0;
	(pc) =	sbr.rel @p0 .LBB2_2-.Ltmp0, $4  }
0x14: {  	[tilespmem:s22+$0x4130] =	vst v0  }
0x15: {  	[tilespmem:s22+$0x4140] =	vst v0  }
0x16: {  	[tilespmem:s22+$0x4150] =	vst v0  }
0x17: {  	[tilespmem:s22+$0x4160] =	vst v0;
	s22 =	sshra.s32 s23, $0x2;
	s23 =	sadd.s32 $0x200, s23  }
0x18: {  	[tilespmem:s22+$0x4170] =	vst v0  }
0x19: {  	[tilespmem:s22+$0x4100] =	vst v0  }
0x1a: {  	[tilespmem:s22+$0x4110] =	vst v0  }
0x1b: {  	[tilespmem:s22+$0x4120] =	vst v0  }
0x1c: {  	[tilespmem:s22+$0x4130] =	vst v0  }
0x1d: {  	[tilespmem:s22+$0x4140] =	vst v0  }
0x1e: {  	[tilespmem:s22+$0x4150] =	vst v0  }
0x1f: {  	[tilespmem:s22+$0x4160] =	vst v0  }
0x20: {  	[spmem:s5] =	stream.linear.scatter [tilespmem:s14], [sflag:$0x2], $0x4000, $0x38;
	[tilespmem:$0x1C100] =	vst v63  }
0x21: {  	_ =	swait.ge [sflag:s15], $0x4000  }
0x22: {  	[sflag:s15] =	ssyncset.done $0x0  }
0x23: {  	[sflag:s15] =	ssyncadd.s32 $0xFFFFC000  }
0x24: {  	[spmem:s6] =	stream.linear.scatter [tilespmem:s14], [sflag:$0x2], $0x4000, $0x38;
	[tilespmem:$0x1C100] =	vst v63  }
0x25: {  	_ =	swait.ge [sflag:s15], $0x4000  }
0x26: {  	[sflag:s15] =	ssyncset.done $0x0  }
0x27: {  	[sflag:s15] =	ssyncadd.s32 $0xFFFFC000  }
0x28: {  	[spmem:s7] =	stream.linear.scatter [tilespmem:s14], [sflag:$0x2], $0x4000, $0x38;
	[tilespmem:$0x1C100] =	vst v63  }
0x29: {  	_ =	swait.ge [sflag:s15], $0x4000  }
0x2a: {  	[sflag:s15] =	ssyncset.done $0x0  }
0x2b: {  	[sflag:s15] =	ssyncadd.s32 $0xFFFFC000  }
0x2c: {  	[spmem:s8] =	stream.linear.scatter [tilespmem:s14], [sflag:$0x2], $0x4000, $0x38;
	[tilespmem:$0x1C100] =	vst v63  }
0x2d: {  	_ =	swait.ge [sflag:s15], $0x4000  }
0x2e: {  	[sflag:s15] =	ssyncset.done $0x0  }
0x2f: {  	[sflag:s15] =	ssyncadd.s32 $0xFFFFC000  }
0x30: {  	[spmem:s9] =	stream.linear.scatter [tilespmem:s14], [sflag:$0x2], $0x4000, $0x38;
	[tilespmem:$0x1C100] =	vst v63  }
0x31: {  	_ =	swait.ge [sflag:s15], $0x4000  }
0x32: {  	[sflag:s15] =	ssyncset.done $0x0  }
0x33: {  	[sflag:s15] =	ssyncadd.s32 $0xFFFFC000  }
0x34: {  	s30 =	sadd.s32 $0x0, s13;
	[bflag:$0x0] =	sbarrier.arrive $0xFFFF  }
0x35: {  	[tilespmem:s3], [sflag:$0x2] =	stream.linear.gather [hbm4b:s30+s3], $0x80, $0x38;
	[tilespmem:$0x1C100] =	vst v63  }
0x36: {  	_ =	swait.ge [sflag:s15], $0x80  }
0x37: {  	[sflag:s15] =	ssyncset.done $0x0  }
0x38: {  	s31 =	sadd.s32 $0x0, s12;
	[sflag:s15] =	ssyncadd.s32 $0xFFFFFF80  }
0x39: {  	[tilespmem:s16], [sflag:$0x2] =	stream.linear.gather [hbm4b:s31+s3], $0x80, $0x38;
	[tilespmem:$0x1C100] =	vst v63  }
0x3a: {  	_ =	swait.ge [sflag:s15], $0x80  }
0x3b: {  	[sflag:s15] =	ssyncset.done $0x0  }
0x3c: {  	[sflag:s15] =	ssyncadd.s32 $0xFFFFFF80  }
0x3d: {  	[tilespmem:s17], [sflag:$0x1] =	stream.indirect.gather [hbm4b:s4+s16], $0x80, s3, s16, $0xb8;
	[tilespmem:$0x1C100] =	vst v63  }
0x3e: {  	_ =	swait.ge [sflag:s18], $0x4000  }
0x3f: {  	[sflag:s18] =	ssyncset.done $0x0  }
0x40: {  	[sflag:s18] =	ssyncadd.s32 $0xFFFFC000  }
0x41: {  	[spmem:s2] =	stream.indirect.scatter.add.f32 [tilespmem:s17], [sflag:$0x2], $0x80, s16, s16, $0xb8;
	[tilespmem:$0x1C100] =	vst v63  }
0x42: {  	_ =	swait.ge [sflag:s15], $0x4000  }
0x43: {  	s22 =	simm.s32 $0x10;
	s23 =	simm.s32 $0x20;
	[sflag:s15] =	ssyncset.done $0x0  }
.LBB2_4:
0x44: {  	s24 =	sadd.s32 s22, s13  }
0x45: {  	[sflag:s15] =	ssyncadd.s32 $0xFFFFC000;
	s25 =	smov.u32 s23;
	s26 =	sadd.s32 $0x10, s23  }
0x46: {  	[tilespmem:s3], [sflag:$0x2] =	stream.linear.gather [hbm4b:s24+s3], $0x80, $0x38;
	[tilespmem:$0x1C100] =	vst v63  }
0x47: {  	p0 =	sne.s32 s23, $0x4E0;
	_ =	swait.ge [sflag:s15], $0x80  }
0x48: {  	[sflag:s15] =	ssyncset.done $0x0  }
0x49: {  	s23 =	sadd.s32 s22, s12;
	s22 =	smov.u32 s25;
	[sflag:s15] =	ssyncadd.s32 $0xFFFFFF80  }
0x4a: {  	[tilespmem:s16], [sflag:$0x2] =	stream.linear.gather [hbm4b:s23+s3], $0x80, $0x38;
	[tilespmem:$0x1C100] =	vst v63  }
0x4b: {  	_ =	swait.ge [sflag:s15], $0x80  }
0x4c: {  	[sflag:s15] =	ssyncset.done $0x0  }
0x4d: {  	[sflag:s15] =	ssyncadd.s32 $0xFFFFFF80  }
0x4e: {  	[tilespmem:s17], [sflag:$0x1] =	stream.indirect.gather [hbm4b:s4+s16], $0x80, s3, s16, $0xb8;
	[tilespmem:$0x1C100] =	vst v63  }
0x4f: {  	_ =	swait.ge [sflag:s18], $0x4000  }
.Ltmp1:
0x50: {  	[sflag:s18] =	ssyncset.done $0x0;
	(pc) =	sbr.rel @p0 .LBB2_4-.Ltmp1, $4  }
0x51: {  	[sflag:s18] =	ssyncadd.s32 $0xFFFFC000  }
0x52: {  	[spmem:s2] =	stream.indirect.scatter.add.f32 [tilespmem:s17], [sflag:$0x2], $0x80, s16, s16, $0xb8;
	[tilespmem:$0x1C100] =	vst v63  }
0x53: {  	_ =	swait.ge [sflag:s15], $0x4000  }
0x54: {  	s23 =	smov.u32 s26;
	[sflag:s15] =	ssyncset.done $0x0  }
0x55: {  	s23 =	sadd.s32 s22, s13;
	[sflag:s15] =	ssyncadd.s32 $0xFFFFC000  }
0x56: {  	[tilespmem:s3], [sflag:$0x2] =	stream.linear.gather [hbm4b:s23+s3], $0x80, $0x38;
	[tilespmem:$0x1C100] =	vst v63  }
0x57: {  	_ =	swait.ge [sflag:s15], $0x80  }
0x58: {  	[sflag:s15] =	ssyncset.done $0x0  }
0x59: {  	s31 =	sadd.s32 s22, s12;
	[sflag:s15] =	ssyncadd.s32 $0xFFFFFF80  }
0x5a: {  	[tilespmem:s16], [sflag:$0x2] =	stream.linear.gather [hbm4b:s31+s3], $0x80, $0x38;
	[tilespmem:$0x1C100] =	vst v63  }
0x5b: {  	_ =	swait.ge [sflag:s15], $0x80  }
0x5c: {  	[sflag:s15] =	ssyncset.done $0x0  }
0x5d: {  	[sflag:s15] =	ssyncadd.s32 $0xFFFFFF80  }
0x5e: {  	[tilespmem:s17], [sflag:$0x1] =	stream.indirect.gather [hbm4b:s4+s16], $0x80, s3, s16, $0xb8;
	[tilespmem:$0x1C100] =	vst v63  }
0x5f: {  	_ =	swait.ge [sflag:s18], $0x4000  }
0x60: {  	[sflag:s18] =	ssyncset.done $0x0  }
0x61: {  	[sflag:s18] =	ssyncadd.s32 $0xFFFFC000  }
0x62: {  	[spmem:s2] =	stream.indirect.scatter.add.f32 [tilespmem:s17], [sflag:$0x2], $0x80, s16, s16, $0xb8;
	[tilespmem:$0x1C100] =	vst v63  }
0x63: {  	_ =	swait.ge [sflag:s15], $0x4000  }
0x64: {  	s21 =	sadd.s32 $0x1, s21;
	[sflag:s15] =	ssyncset.done $0x0  }
0x65: {  	p0 =	sne.s32 s21, s11;
	[sflag:s15] =	ssyncadd.s32 $0xFFFFC000  }
.Ltmp2:
0x66: {  	[bflag:$0x0] =	sbarrier.arrive $0xFFFF;
	(pc) =	sbr.rel @p0 .LBB2_1-.Ltmp2, $4  }
0x67: {  	[hbm:s10], [sflag:s19] =	dma.local [spmem:s20], $0x2800  }
0x68: {  	_ =	swait.ge [sflag:s15], $0x2800  }
0x69: {  	[sflag:s15] =	ssyncset.done $0x0  }
0x6a: {  	[sflag:s15] =	ssyncadd.s32 $0xFFFFD800  }
0x6b: {  	_ =	sfence.sel $0x180000  }
0x6c: {  	[bflag:$0x0] =	sbarrier.arrive $0xFFFF  }
0x6d: {  	p0 =	sne.s32 s1, $0x0;
	_ =	strace $0x9000004A  }
0x6e: {  	s0 =	sadd.s32 @!p0 $0x100000, s0;
	[bflag:$0x2] =	sbarrier.arrive $0xFFFF  }
0x6f: {  	[sflag:s0] =	ssyncadd.tile.s32 @!p0 $0x1;
	_ =	shalt  }
.Lfunc_end2:
_tile_overlayer_lowered:
.L_overlay_start_2:
0x70: {  	(tag) =	ssettag $0x2  }
0x71: {  	s0 =	rddreg [dreg:$0x0];
	s2 =	stileid.u32  }
0x72: {  	s1 =	rddreg [dreg:$0x1];
	p0 =	sne.s32 s2, $0x0  }
0x73: {  	s3 =	rddreg [dreg:$0x2];
	[bflag:$0x3] =	sbarrier.arrive $0xFFFF;
	s2 =	simm.s32 @!p0 $0x1C02  }
0x74: {  	[timem:s3], [sflag:s2] =	dma.local @!p0 [hbm:s0], s1  }
0x75: {  	s0 =	simm.s32 @!p0 $0x2  }
0x76: {  	_ =	swait.ge @!p0 [sflag:s0], s1  }
0x77: {  	s1 =	ssub.s32 @!p0 $0x0, s1;
	[sflag:s0] =	ssyncset.done @!p0 $0x0  }
0x78: {  	[sflag:s0] =	ssyncadd.s32 @!p0 s1  }
0x79: {  	[bflag:$0x3] =	sbarrier.arrive $0xFFFF  }
0x7a: {  	_ =	shalt  }

// kernel: kernel.19.cloned.1.call-start
scs
__scs_entry_jumppad:
0x0: {  	(pc) =	sbr.rel $0x88, $3  }
0x1: {  	(tag) =	ssettag $0x0;
	lr =	simm.s32 $0x1  }
0x2: {  	[smem:$0x3F9B] =	sst lr;
	_ =	strace $0xD0000000  }
0x3: {  	_ = 	snop  }
0x4: {  	_ = 	snop  }
0x5: {  	_ = 	snop  }
0x6: {  	_ = 	snop  }
0x7: {  	_ = 	snop  }
__scs_overlays_trampoline_lowered:
0x8: {  	[smem:$0x3FAA] =	sst s0  }
0x9: {  	[smem:$0x3FAB] =	sst s1  }
0xa: {  	[smem:$0x3FAC] =	sst s2  }
0xb: {  	[smem:$0x3FAD] =	sst s3  }
0xc: {  	[smem:$0x3FAE] =	sst s4  }
0xd: {  	[smem:$0x3FAF] =	sst s5  }
0xe: {  	[smem:$0x3FB0] =	sst s6  }
0xf: {  	[smem:$0x3FB1] =	sst s7  }
0x10: {  	[smem:$0x3FB2] =	sst s8  }
0x11: {  	[smem:$0x3FB3] =	sst s9;
	s0 =	simm.s32 @!p0 $0x0  }
0x12: {  	s1 =	sld [smem:$0x3F99];
	s0 =	simm.s32 @p0 $0x1  }
0x13: {  	[smem:$0x3FB4] =	sst s0;
	s0 =	simm.s32 @!p1 $0x0  }
0x14: {  	s2 =	sld [smem:$0x3F98];
	s0 =	simm.s32 @p1 $0x1  }
0x15: {  	[smem:$0x3FB5] =	sst s0;
	s0 =	simm.s32 @!p2 $0x0  }
0x16: {  	s3 =	sld [smem:$0x3FDB];
	s0 =	simm.s32 @p2 $0x1  }
0x17: {  	s4 =	simm.s32 $0x1BF5;
	[smem:$0x3FB7] =	sst s0  }
0x18: {  	s0 =	sld [smem:$0x3F9A];
	_ =	swait.ge [sflag:s4], $0x0  }
0x19: {  	s7 =	sld [smem:$0x3F9B]  }
0x1a: {  	s8 =	sadd.s32 $0xFFFFE003, lr  }
0x1b: {  	s9 =	sadd.s32 $0xFFFFFEF7, lr;
	s5 =	simm.s32 $0xFFFFFFFF;
	p2 =	slt.u32 s8, $0xFFFFF086  }
0x1c: {  	p1 =	slt.u32 s9, $0xF7A;
	s5 =	simm.s32 @!p2 $0x0  }
0x1d: {  	s5 =	simm.s32 @p1 $0x1;
	p0 =	seq.s32 s7, s2  }
0x1e: {  	s7 =	smul.u32 @!p0 $0xF7A, s2;
	p2 =	seq.s32 @!p0 s5, $0x0  }
0x1f: {  	s9 =	smul.u32 $0xF7A, s1;
	s8 =	simm.s32 @!p0 $0x1BF5;
	p2 =	por !p2, p0  }
0x20: {  	[sflag:s8] =	ssyncset.s32 @!p0 $0xFFFFF086;
	s6 =	sadd.s32 @!p0 s3, s7;
	s7 =	simm.s32 @!p0 $0x108  }
0x21: {  	s3 =	sadd.s32 s3, s9;
	s6 =	sadd.s32 @!p0 $0x88, s6;
	s7 =	simm.s32 @p2 $0x1082  }
0x22: {  	[simem:s7], [sflag:s8] =	dma.local @!p0 [hbm:s6], $0xF7A  }
0x23: {  	s9 =	sor.u32 $0xD0000000, s2;
	s6 =	simm.s32 $0x108;
	_ =	swait.ge @!p0 [sflag:s8], $0x0  }
0x24: {  	s3 =	sadd.s32 $0x88, s3;
	s6 =	simm.s32 @!p1 $0x1082;
	[sflag:s4] =	ssyncset.s32 $0xFFFFF086  }
0x25: {  	[simem:s6], [sflag:s4] =	dma.local [hbm:s3], $0xF7A  }
0x26: {  	[smem:$0x3F9B] =	sst s1;
	(tag) =	ssettag s2;
	_ =	strace s9  }
0x27: {  	s1 =	sld [smem:$0x3FAB]  }
0x28: {  	s2 =	sld [smem:$0x3FAC]  }
0x29: {  	s4 =	sld [smem:$0x3FAE]  }
0x2a: {  	p0 =	seq.s32 s5, $0x0;
	s5 =	sld [smem:$0x3FAF]  }
0x2b: {  	s6 =	sld [smem:$0x3FB0]  }
0x2c: {  	s7 =	sld [smem:$0x3FB1]  }
0x2d: {  	s3 =	simm.s32 $0x108;
	s8 =	sld [smem:$0x3FB2]  }
0x2e: {  	s3 =	simm.s32 @!p0 $0x1082;
	s9 =	sld [smem:$0x3FB3]  }
0x2f: {  	lr =	sadd.s32 s0, s3;
	s0 =	sld [smem:$0x3FAA]  }
0x30: {  	s3 =	sld [smem:$0x3FAD]  }
0x31: {  	[smem:$0x3FB6] =	sst s10  }
0x32: {  	s10 =	sld [smem:$0x3FB4];
	_ =	sdelay $0x3  }
0x33: {  	p0 =	seq.s32 s10, $0x1;
	s10 =	sld [smem:$0x3FB6];
	_ =	sdelay $0x3  }
0x34: {  	[smem:$0x3FB6] =	sst s10  }
0x35: {  	s10 =	sld [smem:$0x3FB5];
	_ =	sdelay $0x3  }
0x36: {  	p1 =	seq.s32 s10, $0x1;
	s10 =	sld [smem:$0x3FB6];
	_ =	sdelay $0x3  }
0x37: {  	[smem:$0x3FB6] =	sst s10  }
0x38: {  	s10 =	sld [smem:$0x3FB7]  }
0x39: {  	_ = 	snop;
	(pc) =	sbr.ind lr, $3  }
0x3a: {  	_ = 	snop  }
0x3b: {  	_ = 	snop  }
0x3c: {  	p2 =	seq.s32 s10, $0x1;
	s10 =	sld [smem:$0x3FB6]  }
0x3d: {  	_ =	shalt  }
0x3e: {  	_ =	shalt  }
0x3f: {  	_ =	shalt  }
0x40: {  	_ =	shalt  }
0x41: {  	_ =	shalt  }
0x42: {  	_ =	shalt  }
0x43: {  	_ =	shalt  }
0x44: {  	_ =	shalt  }
0x45: {  	_ =	shalt  }
0x46: {  	_ =	shalt  }
0x47: {  	_ =	shalt  }
0x48: {  	_ =	shalt  }
0x49: {  	_ =	shalt  }
0x4a: {  	_ =	shalt  }
0x4b: {  	_ =	shalt  }
0x4c: {  	_ =	shalt  }
0x4d: {  	_ =	shalt  }
0x4e: {  	_ =	shalt  }
0x4f: {  	_ =	shalt  }
0x50: {  	_ =	shalt  }
0x51: {  	_ =	shalt  }
0x52: {  	_ =	shalt  }
0x53: {  	_ =	shalt  }
0x54: {  	_ =	shalt  }
0x55: {  	_ =	shalt  }
0x56: {  	_ =	shalt  }
0x57: {  	_ =	shalt  }
0x58: {  	_ =	shalt  }
0x59: {  	_ =	shalt  }
0x5a: {  	_ =	shalt  }
0x5b: {  	_ =	shalt  }
0x5c: {  	_ =	shalt  }
0x5d: {  	_ =	shalt  }
0x5e: {  	_ =	shalt  }
0x5f: {  	_ =	shalt  }
0x60: {  	_ =	shalt  }
0x61: {  	_ =	shalt  }
0x62: {  	_ =	shalt  }
0x63: {  	_ =	shalt  }
0x64: {  	_ =	shalt  }
0x65: {  	_ =	shalt  }
0x66: {  	_ =	shalt  }
0x67: {  	_ =	shalt  }
0x68: {  	_ =	shalt  }
0x69: {  	_ =	shalt  }
0x6a: {  	_ =	shalt  }
0x6b: {  	_ =	shalt  }
0x6c: {  	_ =	shalt  }
0x6d: {  	_ =	shalt  }
0x6e: {  	_ =	shalt  }
0x6f: {  	_ =	shalt  }
0x70: {  	_ =	shalt  }
0x71: {  	_ =	shalt  }
0x72: {  	_ =	shalt  }
0x73: {  	_ =	shalt  }
0x74: {  	_ =	shalt  }
0x75: {  	_ =	shalt  }
0x76: {  	_ =	shalt  }
0x77: {  	_ =	shalt  }
0x78: {  	_ =	shalt  }
0x79: {  	_ =	shalt  }
0x7a: {  	_ =	shalt  }
0x7b: {  	_ =	shalt  }
0x7c: {  	_ =	shalt  }
0x7d: {  	_ =	shalt  }
0x7e: {  	_ =	shalt  }
0x7f: {  	_ =	shalt  }
0x80: {  	_ =	shalt  }
0x81: {  	_ =	shalt  }
0x82: {  	_ =	shalt  }
0x83: {  	_ =	shalt  }
0x84: {  	_ =	shalt  }
0x85: {  	_ =	shalt  }
0x86: {  	_ =	shalt  }
0x87: {  	_ =	shalt  }
.Lfunc_end0:
.L_simem_size_0:
called_computation.2_lowered:
.L_overlay_start_0:
0x88: {  	s2 =	sld [smem:$0x3FD9]  }
0x89: {  	s3 =	sld [smem:$0x3FFE];
	_ =	sdelay $0x1  }
0x8a: {  	s1 =	srdreg.scid  }
0x8b: {  	s0 =	sand.u32 $0x1, s1  }
0x8c: {  	s16 =	sshll.u32 s0, $0xA;
	s2 =	sadd.s32 s3, s2  }
0x8d: {  	s2 =	sadd.s32 s2, s16  }
0x8e: {  	[smem:$0x3FC2] =	sst s2  }
0x8f: {  	_ = 	snop  }
0x90: {  	(tm) =	ssettm $0x1  }
0x91: {  	s17 =	sld [smem:$0x3FFB];
	_ =	sdelay $0x3  }
0x92: {  	_ =	strace s17  }
0x93: {  	s2 =	sld [smem:$0x3FFC];
	_ =	sdelay $0x3  }
0x94: {  	_ =	strace s2  }
0x95: {  	s2 =	sld [smem:$0x3FFD];
	_ =	sdelay $0x3  }
0x96: {  	_ =	strace s2  }
0x97: {  	_ =	strace $0x8FFFFFFF  }
0x98: {  	s18 =	sld [smem:$0x3FDB];
	_ =	sdelay $0x1  }
0x99: {  	s19 =	simm.s32 $_scs_section_size  }
0x9a: {  	s4 =	simm.s32 $_size__tile_overlayer_lowered;
	s5 =	simm.s32 $_tile_overlayer_lowered  }
0x9b: {  	s22 =	simm.s32 $0x1BFF;
	s21 =	sshll.u32 s5, $0x1;
	s2 =	sadd.s32 s19, s18  }
0x9c: {  	s6 =	simm.s32 $0x0;
	s20 =	sshll.u32 s4, $0x1;
	s4 =	sadd.s32 s21, s2  }
0x9d: {  	[timem:s6], [sflag:s22] =	dma.local [hbm:s4], s20  }
0x9e: {  	_ =	swait.ge [sflag:s22], s20  }
0x9f: {  	s3 =	ssub.s32 $0x0, s20;
	[sflag:s22] =	ssyncset.done $0x0  }
0xa0: {  	[sflag:s22] =	ssyncadd.s32 s3;
	_ =	sdelay $0x1  }
0xa1: {  	s23 =	simm.s32 $0x1B8B  }
0xa2: {  	_ =	swait.ge [sflag:s23], $0x1  }
0xa3: {  	[sflag:s23] =	ssyncset.done $0x0  }
0xa4: {  	s25 =	simm.s32 $0x1B8E;
	s24 =	sld [smem:$0x3FFE];
	[sflag:s23] =	ssyncadd.s32 $0xFFFFFFFF  }
0xa5: {  	s26 =	simm.s32 $execute0_lowered;
	[smem:$0x3FD2] =	sst s25  }
0xa6: {  	s4 =	sshll.u32 s26, $0x1;
	_ =	strace $0x8000004C;
	[dreg:$0x1] =	wrdreg $0xFFFFFFFF  }
0xa7: {  	s28 =	simm.s32 $_size_execute0_lowered;
	s2 =	sadd.s32 s2, s4;
	[dreg:$0x0] =	wrdreg $0x0  }
0xa8: {  	s4 =	sshll.u32 s28, $0x1;
	[dreg:$0x2] =	wrdreg s2  }
0xa9: {  	[dreg:$0x3] =	wrdreg s4  }
0xaa: {  	[dreg:$0x4] =	wrdreg $0xC0  }
0xab: {  	_ =	task [dreg:s6], $0x5FFFF  }
0xac: {  	[dreg:$0x1] =	wrdreg $0xFFFFFFFF  }
0xad: {  	[dreg:$0x0] =	wrdreg $0x60  }
0xae: {  	[dreg:$0x2] =	wrdreg s24  }
0xaf: {  	[dreg:$0x3] =	wrdreg $0x81000  }
0xb0: {  	[dreg:$0x4] =	wrdreg $0x9  }
0xb1: {  	_ =	task.clear_ibuf [dreg:s6], $0x5FFFF;
	_ =	strace $0x9000004C  }
0xb2: {  	s29 =	simm.s32 $0x9;
	_ =	strace $0x8000004E  }
0xb3: {  	_ =	swait.ge [sflag:s29], $0x1  }
0xb4: {  	[sflag:s29] =	ssyncadd.s32 $0xFFFFFFFF  }
0xb5: {  	_ =	strace $0x9000004E  }
0xb6: {  	_ =	sfence  }
0xb7: {  	s30 =	sld [smem:$0x0];
	_ =	sdelay $0x2  }
0xb8: {  	s31 =	sshll.u32 s1, $0xD;
	s1 =	sshrl.u32 s1, $0x2  }
0xb9: {  	s3 =	sand.u32 $0x4000, s31;
	s1 =	sadd.s32 s1, s30  }
0xba: {  	s0 =	sor.u32 s3, s0;
	s1 =	sshll.u32 s1, $0x11  }
0xbb: {  	s0 =	sor.u32 s1, s0  }
0xbc: {  	s0 =	sadd.s32 $0x8F2B, s0  }
0xbd: {  	[sflag:s0] =	ssyncadd.remote.s32 $0x1  }
0xbe: {  	_ =	sfence.sel $0xFFFF  }
0xbf: {  	[dreg:$0x0] =	wrdreg $0xFFFFFFFF;
	(pc) =	sbr.abs _section_cstart, $3  }
0xc0: {  	[dreg:$0x1] =	wrdreg $0xFFFFFFFF  }
0xc1: {  	_ =	task.clear_ibuf [dreg:s6], $0x2FFFF;
	_ =	strace $0x9FFFFFFF  }
0xc2: {  	(tm) =	ssettm $0x7FFFFFFF  }
0xc3: {  	_ =	shalt  }
tec
execute0_lowered:
.L_overlay_start_1:
0x0: {  	(tag) =	ssettag $0x1  }
0x1: {  	s5 =	rddreg [dreg:$0x0];
	s0 =	srdreg.scid  }
0x2: {  	s2 =	rddreg [dreg:$0x1];
	s1 =	stileid.u32;
	s3 =	simm.s32 $0x0  }
0x3: {  	s15 =	simm.s32 $0x2;
	s16 =	simm.s32 $0x80;
	s8 =	smul.u32 $0x2800, s1  }
0x4: {  	s17 =	simm.s32 $0x100;
	s18 =	simm.s32 $0x1;
	s10 =	smul.u32 $0x50000, s1  }
0x5: {  	s6 =	sand.u32 $0x1, s0;
	s0 =	rddreg [dreg:$0x2];
	s14 =	smul.u32 $0x4F0, s1  }
0x6: {  	s21 =	simm.s32 $0x0;
	[smem:$0x7FF] =	sst s3;
	s7 =	smul.u32 $0x4F00, s6  }
0x7: {  	s4 =	sadd.s32 $0x18800, s5;
	s19 =	sshll.u32 s1, $0x6;
	s9 =	smul.u32 $0x28000, s6  }
0x8: {  	_ =	strace $0x8000004D;
	s6 =	ssub.s32 $0x2, s6;
	s19 =	sor.u32 $0x1C02, s19  }
0x9: {  	s30 =	sshrl.u32 s6, $0x1;
	s31 =	sshrl.u32 s10, $0x2;
	s29 =	sadd.s32 s8, s9  }
0xa: {  	s11 =	sadd.s32 s7, s5;
	s13 =	ssub.s32 s6, s30;
	s12 =	sadd.s32 s29, s5  }
0xb: {  	s5 =	sadd.s32 s31, s2;
	s14 =	sadd.s32 s14, s11;
	s11 =	smax.u32 s13, $0x1  }
0xc: {  	s6 =	sadd.s32 $0x4000, s5;
	s7 =	sadd.s32 $0x8000, s5;
	s8 =	sadd.s32 $0xC000, s5  }
0xd: {  	s9 =	sadd.s32 $0x10000, s5;
	s10 =	sadd.s32 $0x40800, s12;
	s12 =	sadd.s32 $0x4C00, s14  }
0xe: {  	v0 =	vimm.f32 $0.0e+00;
	s13 =	sadd.s32 $0xEA00, s14;
	s14 =	simm.s32 $0x4100;
	s20 =	sshrl.u32 s5, $0x3  }
.LBB2_1:
0xf: {  	s22 =	simm.s32 $0x0;
	s23 =	simm.s32 $0x200  }
.LBB2_2:
0x10: {  	p0 =	sne.s32 s23, $0xFE00;
	[tilespmem:s22+$0x4170] =	vst v0  }
0x11: {  	[tilespmem:s22+$0x4100] =	vst v0  }
0x12: {  	[tilespmem:s22+$0x4110] =	vst v0  }
.Ltmp0:
0x13: {  	[tilespmem:s22+$0x4120] =	vst v0;
	(pc) =	sbr.rel @p0 .LBB2_2-.Ltmp0, $4  }
0x14: {  	[tilespmem:s22+$0x4130] =	vst v0  }
0x15: {  	[tilespmem:s22+$0x4140] =	vst v0  }
0x16: {  	[tilespmem:s22+$0x4150] =	vst v0  }
0x17: {  	[tilespmem:s22+$0x4160] =	vst v0;
	s22 =	sshra.s32 s23, $0x2;
	s23 =	sadd.s32 $0x200, s23  }
0x18: {  	[tilespmem:s22+$0x4170] =	vst v0  }
0x19: {  	[tilespmem:s22+$0x4100] =	vst v0  }
0x1a: {  	[tilespmem:s22+$0x4110] =	vst v0  }
0x1b: {  	[tilespmem:s22+$0x4120] =	vst v0  }
0x1c: {  	[tilespmem:s22+$0x4130] =	vst v0  }
0x1d: {  	[tilespmem:s22+$0x4140] =	vst v0  }
0x1e: {  	[tilespmem:s22+$0x4150] =	vst v0  }
0x1f: {  	[tilespmem:s22+$0x4160] =	vst v0  }
0x20: {  	[spmem:s5] =	stream.linear.scatter [tilespmem:s14], [sflag:$0x2], $0x4000, $0x38;
	[tilespmem:$0x1C100] =	vst v63  }
0x21: {  	_ =	swait.ge [sflag:s15], $0x4000  }
0x22: {  	[sflag:s15] =	ssyncset.done $0x0  }
0x23: {  	[sflag:s15] =	ssyncadd.s32 $0xFFFFC000  }
0x24: {  	[spmem:s6] =	stream.linear.scatter [tilespmem:s14], [sflag:$0x2], $0x4000, $0x38;
	[tilespmem:$0x1C100] =	vst v63  }
0x25: {  	_ =	swait.ge [sflag:s15], $0x4000  }
0x26: {  	[sflag:s15] =	ssyncset.done $0x0  }
0x27: {  	[sflag:s15] =	ssyncadd.s32 $0xFFFFC000  }
0x28: {  	[spmem:s7] =	stream.linear.scatter [tilespmem:s14], [sflag:$0x2], $0x4000, $0x38;
	[tilespmem:$0x1C100] =	vst v63  }
0x29: {  	_ =	swait.ge [sflag:s15], $0x4000  }
0x2a: {  	[sflag:s15] =	ssyncset.done $0x0  }
0x2b: {  	[sflag:s15] =	ssyncadd.s32 $0xFFFFC000  }
0x2c: {  	[spmem:s8] =	stream.linear.scatter [tilespmem:s14], [sflag:$0x2], $0x4000, $0x38;
	[tilespmem:$0x1C100] =	vst v63  }
0x2d: {  	_ =	swait.ge [sflag:s15], $0x4000  }
0x2e: {  	[sflag:s15] =	ssyncset.done $0x0  }
0x2f: {  	[sflag:s15] =	ssyncadd.s32 $0xFFFFC000  }
0x30: {  	[spmem:s9] =	stream.linear.scatter [tilespmem:s14], [sflag:$0x2], $0x4000, $0x38;
	[tilespmem:$0x1C100] =	vst v63  }
0x31: {  	_ =	swait.ge [sflag:s15], $0x4000  }
0x32: {  	[sflag:s15] =	ssyncset.done $0x0  }
0x33: {  	[sflag:s15] =	ssyncadd.s32 $0xFFFFC000  }
0x34: {  	s30 =	sadd.s32 $0x0, s13;
	[bflag:$0x0] =	sbarrier.arrive $0xFFFF  }
0x35: {  	[tilespmem:s3], [sflag:$0x2] =	stream.linear.gather [hbm4b:s30+s3], $0x80, $0x38;
	[tilespmem:$0x1C100] =	vst v63  }
0x36: {  	_ =	swait.ge [sflag:s15], $0x80  }
0x37: {  	[sflag:s15] =	ssyncset.done $0x0  }
0x38: {  	s31 =	sadd.s32 $0x0, s12;
	[sflag:s15] =	ssyncadd.s32 $0xFFFFFF80  }
0x39: {  	[tilespmem:s16], [sflag:$0x2] =	stream.linear.gather [hbm4b:s31+s3], $0x80, $0x38;
	[tilespmem:$0x1C100] =	vst v63  }
0x3a: {  	_ =	swait.ge [sflag:s15], $0x80  }
0x3b: {  	[sflag:s15] =	ssyncset.done $0x0  }
0x3c: {  	[sflag:s15] =	ssyncadd.s32 $0xFFFFFF80  }
0x3d: {  	[tilespmem:s17], [sflag:$0x1] =	stream.indirect.gather [hbm4b:s4+s16], $0x80, s3, s16, $0xb8;
	[tilespmem:$0x1C100] =	vst v63  }
0x3e: {  	_ =	swait.ge [sflag:s18], $0x4000  }
0x3f: {  	[sflag:s18] =	ssyncset.done $0x0  }
0x40: {  	[sflag:s18] =	ssyncadd.s32 $0xFFFFC000  }
0x41: {  	[spmem:s2] =	stream.indirect.scatter.add.f32 [tilespmem:s17], [sflag:$0x2], $0x80, s16, s16, $0xb8;
	[tilespmem:$0x1C100] =	vst v63  }
0x42: {  	_ =	swait.ge [sflag:s15], $0x4000  }
0x43: {  	s22 =	simm.s32 $0x10;
	s23 =	simm.s32 $0x20;
	[sflag:s15] =	ssyncset.done $0x0  }
.LBB2_4:
0x44: {  	s24 =	sadd.s32 s22, s13  }
0x45: {  	[sflag:s15] =	ssyncadd.s32 $0xFFFFC000;
	s25 =	smov.u32 s23;
	s26 =	sadd.s32 $0x10, s23  }
0x46: {  	[tilespmem:s3], [sflag:$0x2] =	stream.linear.gather [hbm4b:s24+s3], $0x80, $0x38;
	[tilespmem:$0x1C100] =	vst v63  }
0x47: {  	p0 =	sne.s32 s23, $0x4E0;
	_ =	swait.ge [sflag:s15], $0x80  }
0x48: {  	[sflag:s15] =	ssyncset.done $0x0  }
0x49: {  	s23 =	sadd.s32 s22, s12;
	s22 =	smov.u32 s25;
	[sflag:s15] =	ssyncadd.s32 $0xFFFFFF80  }
0x4a: {  	[tilespmem:s16], [sflag:$0x2] =	stream.linear.gather [hbm4b:s23+s3], $0x80, $0x38;
	[tilespmem:$0x1C100] =	vst v63  }
0x4b: {  	_ =	swait.ge [sflag:s15], $0x80  }
0x4c: {  	[sflag:s15] =	ssyncset.done $0x0  }
0x4d: {  	[sflag:s15] =	ssyncadd.s32 $0xFFFFFF80  }
0x4e: {  	[tilespmem:s17], [sflag:$0x1] =	stream.indirect.gather [hbm4b:s4+s16], $0x80, s3, s16, $0xb8;
	[tilespmem:$0x1C100] =	vst v63  }
0x4f: {  	_ =	swait.ge [sflag:s18], $0x4000  }
.Ltmp1:
0x50: {  	[sflag:s18] =	ssyncset.done $0x0;
	(pc) =	sbr.rel @p0 .LBB2_4-.Ltmp1, $4  }
0x51: {  	[sflag:s18] =	ssyncadd.s32 $0xFFFFC000  }
0x52: {  	[spmem:s2] =	stream.indirect.scatter.add.f32 [tilespmem:s17], [sflag:$0x2], $0x80, s16, s16, $0xb8;
	[tilespmem:$0x1C100] =	vst v63  }
0x53: {  	_ =	swait.ge [sflag:s15], $0x4000  }
0x54: {  	s23 =	smov.u32 s26;
	[sflag:s15] =	ssyncset.done $0x0  }
0x55: {  	s23 =	sadd.s32 s22, s13;
	[sflag:s15] =	ssyncadd.s32 $0xFFFFC000  }
0x56: {  	[tilespmem:s3], [sflag:$0x2] =	stream.linear.gather [hbm4b:s23+s3], $0x80, $0x38;
	[tilespmem:$0x1C100] =	vst v63  }
0x57: {  	_ =	swait.ge [sflag:s15], $0x80  }
0x58: {  	[sflag:s15] =	ssyncset.done $0x0  }
0x59: {  	s31 =	sadd.s32 s22, s12;
	[sflag:s15] =	ssyncadd.s32 $0xFFFFFF80  }
0x5a: {  	[tilespmem:s16], [sflag:$0x2] =	stream.linear.gather [hbm4b:s31+s3], $0x80, $0x38;
	[tilespmem:$0x1C100] =	vst v63  }
0x5b: {  	_ =	swait.ge [sflag:s15], $0x80  }
0x5c: {  	[sflag:s15] =	ssyncset.done $0x0  }
0x5d: {  	[sflag:s15] =	ssyncadd.s32 $0xFFFFFF80  }
0x5e: {  	[tilespmem:s17], [sflag:$0x1] =	stream.indirect.gather [hbm4b:s4+s16], $0x80, s3, s16, $0xb8;
	[tilespmem:$0x1C100] =	vst v63  }
0x5f: {  	_ =	swait.ge [sflag:s18], $0x4000  }
0x60: {  	[sflag:s18] =	ssyncset.done $0x0  }
0x61: {  	[sflag:s18] =	ssyncadd.s32 $0xFFFFC000  }
0x62: {  	[spmem:s2] =	stream.indirect.scatter.add.f32 [tilespmem:s17], [sflag:$0x2], $0x80, s16, s16, $0xb8;
	[tilespmem:$0x1C100] =	vst v63  }
0x63: {  	_ =	swait.ge [sflag:s15], $0x4000  }
0x64: {  	s21 =	sadd.s32 $0x1, s21;
	[sflag:s15] =	ssyncset.done $0x0  }
0x65: {  	p0 =	sne.s32 s21, s11;
	[sflag:s15] =	ssyncadd.s32 $0xFFFFC000  }
.Ltmp2:
0x66: {  	[bflag:$0x0] =	sbarrier.arrive $0xFFFF;
	(pc) =	sbr.rel @p0 .LBB2_1-.Ltmp2, $4  }
0x67: {  	[hbm:s10], [sflag:s19] =	dma.local [spmem:s20], $0x2800  }
0x68: {  	_ =	swait.ge [sflag:s15], $0x2800  }
0x69: {  	[sflag:s15] =	ssyncset.done $0x0  }
0x6a: {  	[sflag:s15] =	ssyncadd.s32 $0xFFFFD800  }
0x6b: {  	_ =	sfence.sel $0x180000  }
0x6c: {  	[bflag:$0x0] =	sbarrier.arrive $0xFFFF  }
0x6d: {  	p0 =	sne.s32 s1, $0x0;
	_ =	strace $0x9000004D  }
0x6e: {  	s0 =	sadd.s32 @!p0 $0x100000, s0;
	[bflag:$0x2] =	sbarrier.arrive $0xFFFF  }
0x6f: {  	[sflag:s0] =	ssyncadd.tile.s32 @!p0 $0x1;
	_ =	shalt  }
.Lfunc_end2:
_tile_overlayer_lowered:
.L_overlay_start_2:
0x70: {  	(tag) =	ssettag $0x2  }
0x71: {  	s0 =	rddreg [dreg:$0x0];
	s2 =	stileid.u32  }
0x72: {  	s1 =	rddreg [dreg:$0x1];
	p0 =	sne.s32 s2, $0x0  }
0x73: {  	s3 =	rddreg [dreg:$0x2];
	[bflag:$0x3] =	sbarrier.arrive $0xFFFF;
	s2 =	simm.s32 @!p0 $0x1C02  }
0x74: {  	[timem:s3], [sflag:s2] =	dma.local @!p0 [hbm:s0], s1  }
0x75: {  	s0 =	simm.s32 @!p0 $0x2  }
0x76: {  	_ =	swait.ge @!p0 [sflag:s0], s1  }
0x77: {  	s1 =	ssub.s32 @!p0 $0x0, s1;
	[sflag:s0] =	ssyncset.done @!p0 $0x0  }
0x78: {  	[sflag:s0] =	ssyncadd.s32 @!p0 s1  }
0x79: {  	[bflag:$0x3] =	sbarrier.arrive $0xFFFF  }
0x7a: {  	_ =	shalt  }

// kernel: kernel.22.cloned.1.call-start
scs
__scs_entry_jumppad:
0x0: {  	(pc) =	sbr.rel $0x88, $3  }
0x1: {  	(tag) =	ssettag $0x0;
	lr =	simm.s32 $0x1  }
0x2: {  	[smem:$0x3F9B] =	sst lr;
	_ =	strace $0xD0000000  }
0x3: {  	_ = 	snop  }
0x4: {  	_ = 	snop  }
0x5: {  	_ = 	snop  }
0x6: {  	_ = 	snop  }
0x7: {  	_ = 	snop  }
__scs_overlays_trampoline_lowered:
0x8: {  	[smem:$0x3FAA] =	sst s0  }
0x9: {  	[smem:$0x3FAB] =	sst s1  }
0xa: {  	[smem:$0x3FAC] =	sst s2  }
0xb: {  	[smem:$0x3FAD] =	sst s3  }
0xc: {  	[smem:$0x3FAE] =	sst s4  }
0xd: {  	[smem:$0x3FAF] =	sst s5  }
0xe: {  	[smem:$0x3FB0] =	sst s6  }
0xf: {  	[smem:$0x3FB1] =	sst s7  }
0x10: {  	[smem:$0x3FB2] =	sst s8  }
0x11: {  	[smem:$0x3FB3] =	sst s9;
	s0 =	simm.s32 @!p0 $0x0  }
0x12: {  	s1 =	sld [smem:$0x3F99];
	s0 =	simm.s32 @p0 $0x1  }
0x13: {  	[smem:$0x3FB4] =	sst s0;
	s0 =	simm.s32 @!p1 $0x0  }
0x14: {  	s2 =	sld [smem:$0x3F98];
	s0 =	simm.s32 @p1 $0x1  }
0x15: {  	[smem:$0x3FB5] =	sst s0;
	s0 =	simm.s32 @!p2 $0x0  }
0x16: {  	s3 =	sld [smem:$0x3FDB];
	s0 =	simm.s32 @p2 $0x1  }
0x17: {  	s4 =	simm.s32 $0x1BF5;
	[smem:$0x3FB7] =	sst s0  }
0x18: {  	s0 =	sld [smem:$0x3F9A];
	_ =	swait.ge [sflag:s4], $0x0  }
0x19: {  	s7 =	sld [smem:$0x3F9B]  }
0x1a: {  	s8 =	sadd.s32 $0xFFFFE003, lr  }
0x1b: {  	s9 =	sadd.s32 $0xFFFFFEF7, lr;
	s5 =	simm.s32 $0xFFFFFFFF;
	p2 =	slt.u32 s8, $0xFFFFF086  }
0x1c: {  	p1 =	slt.u32 s9, $0xF7A;
	s5 =	simm.s32 @!p2 $0x0  }
0x1d: {  	s5 =	simm.s32 @p1 $0x1;
	p0 =	seq.s32 s7, s2  }
0x1e: {  	s7 =	smul.u32 @!p0 $0xF7A, s2;
	p2 =	seq.s32 @!p0 s5, $0x0  }
0x1f: {  	s9 =	smul.u32 $0xF7A, s1;
	s8 =	simm.s32 @!p0 $0x1BF5;
	p2 =	por !p2, p0  }
0x20: {  	[sflag:s8] =	ssyncset.s32 @!p0 $0xFFFFF086;
	s6 =	sadd.s32 @!p0 s3, s7;
	s7 =	simm.s32 @!p0 $0x108  }
0x21: {  	s3 =	sadd.s32 s3, s9;
	s6 =	sadd.s32 @!p0 $0x88, s6;
	s7 =	simm.s32 @p2 $0x1082  }
0x22: {  	[simem:s7], [sflag:s8] =	dma.local @!p0 [hbm:s6], $0xF7A  }
0x23: {  	s9 =	sor.u32 $0xD0000000, s2;
	s6 =	simm.s32 $0x108;
	_ =	swait.ge @!p0 [sflag:s8], $0x0  }
0x24: {  	s3 =	sadd.s32 $0x88, s3;
	s6 =	simm.s32 @!p1 $0x1082;
	[sflag:s4] =	ssyncset.s32 $0xFFFFF086  }
0x25: {  	[simem:s6], [sflag:s4] =	dma.local [hbm:s3], $0xF7A  }
0x26: {  	[smem:$0x3F9B] =	sst s1;
	(tag) =	ssettag s2;
	_ =	strace s9  }
0x27: {  	s1 =	sld [smem:$0x3FAB]  }
0x28: {  	s2 =	sld [smem:$0x3FAC]  }
0x29: {  	s4 =	sld [smem:$0x3FAE]  }
0x2a: {  	p0 =	seq.s32 s5, $0x0;
	s5 =	sld [smem:$0x3FAF]  }
0x2b: {  	s6 =	sld [smem:$0x3FB0]  }
0x2c: {  	s7 =	sld [smem:$0x3FB1]  }
0x2d: {  	s3 =	simm.s32 $0x108;
	s8 =	sld [smem:$0x3FB2]  }
0x2e: {  	s3 =	simm.s32 @!p0 $0x1082;
	s9 =	sld [smem:$0x3FB3]  }
0x2f: {  	lr =	sadd.s32 s0, s3;
	s0 =	sld [smem:$0x3FAA]  }
0x30: {  	s3 =	sld [smem:$0x3FAD]  }
0x31: {  	[smem:$0x3FB6] =	sst s10  }
0x32: {  	s10 =	sld [smem:$0x3FB4];
	_ =	sdelay $0x3  }
0x33: {  	p0 =	seq.s32 s10, $0x1;
	s10 =	sld [smem:$0x3FB6];
	_ =	sdelay $0x3  }
0x34: {  	[smem:$0x3FB6] =	sst s10  }
0x35: {  	s10 =	sld [smem:$0x3FB5];
	_ =	sdelay $0x3  }
0x36: {  	p1 =	seq.s32 s10, $0x1;
	s10 =	sld [smem:$0x3FB6];
	_ =	sdelay $0x3  }
0x37: {  	[smem:$0x3FB6] =	sst s10  }
0x38: {  	s10 =	sld [smem:$0x3FB7]  }
0x39: {  	_ = 	snop;
	(pc) =	sbr.ind lr, $3  }
0x3a: {  	_ = 	snop  }
0x3b: {  	_ = 	snop  }
0x3c: {  	p2 =	seq.s32 s10, $0x1;
	s10 =	sld [smem:$0x3FB6]  }
0x3d: {  	_ =	shalt  }
0x3e: {  	_ =	shalt  }
0x3f: {  	_ =	shalt  }
0x40: {  	_ =	shalt  }
0x41: {  	_ =	shalt  }
0x42: {  	_ =	shalt  }
0x43: {  	_ =	shalt  }
0x44: {  	_ =	shalt  }
0x45: {  	_ =	shalt  }
0x46: {  	_ =	shalt  }
0x47: {  	_ =	shalt  }
0x48: {  	_ =	shalt  }
0x49: {  	_ =	shalt  }
0x4a: {  	_ =	shalt  }
0x4b: {  	_ =	shalt  }
0x4c: {  	_ =	shalt  }
0x4d: {  	_ =	shalt  }
0x4e: {  	_ =	shalt  }
0x4f: {  	_ =	shalt  }
0x50: {  	_ =	shalt  }
0x51: {  	_ =	shalt  }
0x52: {  	_ =	shalt  }
0x53: {  	_ =	shalt  }
0x54: {  	_ =	shalt  }
0x55: {  	_ =	shalt  }
0x56: {  	_ =	shalt  }
0x57: {  	_ =	shalt  }
0x58: {  	_ =	shalt  }
0x59: {  	_ =	shalt  }
0x5a: {  	_ =	shalt  }
0x5b: {  	_ =	shalt  }
0x5c: {  	_ =	shalt  }
0x5d: {  	_ =	shalt  }
0x5e: {  	_ =	shalt  }
0x5f: {  	_ =	shalt  }
0x60: {  	_ =	shalt  }
0x61: {  	_ =	shalt  }
0x62: {  	_ =	shalt  }
0x63: {  	_ =	shalt  }
0x64: {  	_ =	shalt  }
0x65: {  	_ =	shalt  }
0x66: {  	_ =	shalt  }
0x67: {  	_ =	shalt  }
0x68: {  	_ =	shalt  }
0x69: {  	_ =	shalt  }
0x6a: {  	_ =	shalt  }
0x6b: {  	_ =	shalt  }
0x6c: {  	_ =	shalt  }
0x6d: {  	_ =	shalt  }
0x6e: {  	_ =	shalt  }
0x6f: {  	_ =	shalt  }
0x70: {  	_ =	shalt  }
0x71: {  	_ =	shalt  }
0x72: {  	_ =	shalt  }
0x73: {  	_ =	shalt  }
0x74: {  	_ =	shalt  }
0x75: {  	_ =	shalt  }
0x76: {  	_ =	shalt  }
0x77: {  	_ =	shalt  }
0x78: {  	_ =	shalt  }
0x79: {  	_ =	shalt  }
0x7a: {  	_ =	shalt  }
0x7b: {  	_ =	shalt  }
0x7c: {  	_ =	shalt  }
0x7d: {  	_ =	shalt  }
0x7e: {  	_ =	shalt  }
0x7f: {  	_ =	shalt  }
0x80: {  	_ =	shalt  }
0x81: {  	_ =	shalt  }
0x82: {  	_ =	shalt  }
0x83: {  	_ =	shalt  }
0x84: {  	_ =	shalt  }
0x85: {  	_ =	shalt  }
0x86: {  	_ =	shalt  }
0x87: {  	_ =	shalt  }
.Lfunc_end0:
.L_simem_size_0:
called_computation.3_lowered:
.L_overlay_start_0:
0x88: {  	s2 =	sld [smem:$0x3FD9]  }
0x89: {  	s3 =	sld [smem:$0x3FFE];
	_ =	sdelay $0x1  }
0x8a: {  	s1 =	srdreg.scid  }
0x8b: {  	s0 =	sand.u32 $0x1, s1  }
0x8c: {  	s16 =	sshll.u32 s0, $0xA;
	s2 =	sadd.s32 s3, s2  }
0x8d: {  	s2 =	sadd.s32 s2, s16  }
0x8e: {  	[smem:$0x3FC2] =	sst s2  }
0x8f: {  	_ = 	snop  }
0x90: {  	(tm) =	ssettm $0x1  }
0x91: {  	s17 =	sld [smem:$0x3FFB];
	_ =	sdelay $0x3  }
0x92: {  	_ =	strace s17  }
0x93: {  	s2 =	sld [smem:$0x3FFC];
	_ =	sdelay $0x3  }
0x94: {  	_ =	strace s2  }
0x95: {  	s2 =	sld [smem:$0x3FFD];
	_ =	sdelay $0x3  }
0x96: {  	_ =	strace s2  }
0x97: {  	_ =	strace $0x8FFFFFFF  }
0x98: {  	s18 =	sld [smem:$0x3FDB];
	_ =	sdelay $0x1  }
0x99: {  	s19 =	simm.s32 $_scs_section_size  }
0x9a: {  	s4 =	simm.s32 $_size__tile_overlayer_lowered;
	s5 =	simm.s32 $_tile_overlayer_lowered  }
0x9b: {  	s22 =	simm.s32 $0x1BFF;
	s21 =	sshll.u32 s5, $0x1;
	s2 =	sadd.s32 s19, s18  }
0x9c: {  	s6 =	simm.s32 $0x0;
	s20 =	sshll.u32 s4, $0x1;
	s4 =	sadd.s32 s21, s2  }
0x9d: {  	[timem:s6], [sflag:s22] =	dma.local [hbm:s4], s20  }
0x9e: {  	_ =	swait.ge [sflag:s22], s20  }
0x9f: {  	s3 =	ssub.s32 $0x0, s20;
	[sflag:s22] =	ssyncset.done $0x0  }
0xa0: {  	[sflag:s22] =	ssyncadd.s32 s3;
	_ =	sdelay $0x1  }
0xa1: {  	s23 =	simm.s32 $0x1B8B  }
0xa2: {  	_ =	swait.ge [sflag:s23], $0x1  }
0xa3: {  	[sflag:s23] =	ssyncset.done $0x0  }
0xa4: {  	s25 =	simm.s32 $0x1B8E;
	s24 =	sld [smem:$0x3FFE];
	[sflag:s23] =	ssyncadd.s32 $0xFFFFFFFF  }
0xa5: {  	s26 =	simm.s32 $execute0_lowered;
	[smem:$0x3FD2] =	sst s25  }
0xa6: {  	s4 =	sshll.u32 s26, $0x1;
	_ =	strace $0x8000004F;
	[dreg:$0x1] =	wrdreg $0xFFFFFFFF  }
0xa7: {  	s28 =	simm.s32 $_size_execute0_lowered;
	s2 =	sadd.s32 s2, s4;
	[dreg:$0x0] =	wrdreg $0x0  }
0xa8: {  	s4 =	sshll.u32 s28, $0x1;
	[dreg:$0x2] =	wrdreg s2  }
0xa9: {  	[dreg:$0x3] =	wrdreg s4  }
0xaa: {  	[dreg:$0x4] =	wrdreg $0xC0  }
0xab: {  	_ =	task [dreg:s6], $0x5FFFF  }
0xac: {  	[dreg:$0x1] =	wrdreg $0xFFFFFFFF  }
0xad: {  	[dreg:$0x0] =	wrdreg $0x60  }
0xae: {  	[dreg:$0x2] =	wrdreg s24  }
0xaf: {  	[dreg:$0x3] =	wrdreg $0x81000  }
0xb0: {  	[dreg:$0x4] =	wrdreg $0x9  }
0xb1: {  	_ =	task.clear_ibuf [dreg:s6], $0x5FFFF;
	_ =	strace $0x9000004F  }
0xb2: {  	s29 =	simm.s32 $0x9;
	_ =	strace $0x80000051  }
0xb3: {  	_ =	swait.ge [sflag:s29], $0x1  }
0xb4: {  	[sflag:s29] =	ssyncadd.s32 $0xFFFFFFFF  }
0xb5: {  	_ =	strace $0x90000051  }
0xb6: {  	_ =	sfence  }
0xb7: {  	s30 =	sld [smem:$0x0];
	_ =	sdelay $0x2  }
0xb8: {  	s31 =	sshll.u32 s1, $0xD;
	s1 =	sshrl.u32 s1, $0x2  }
0xb9: {  	s3 =	sand.u32 $0x4000, s31;
	s1 =	sadd.s32 s1, s30  }
0xba: {  	s0 =	sor.u32 s3, s0;
	s1 =	sshll.u32 s1, $0x11  }
0xbb: {  	s0 =	sor.u32 s1, s0  }
0xbc: {  	s0 =	sadd.s32 $0x8F2B, s0  }
0xbd: {  	[sflag:s0] =	ssyncadd.remote.s32 $0x1  }
0xbe: {  	_ =	sfence.sel $0xFFFF  }
0xbf: {  	[dreg:$0x0] =	wrdreg $0xFFFFFFFF;
	(pc) =	sbr.abs _section_cstart, $3  }
0xc0: {  	[dreg:$0x1] =	wrdreg $0xFFFFFFFF  }
0xc1: {  	_ =	task.clear_ibuf [dreg:s6], $0x2FFFF;
	_ =	strace $0x9FFFFFFF  }
0xc2: {  	(tm) =	ssettm $0x7FFFFFFF  }
0xc3: {  	_ =	shalt  }
tec
execute0_lowered:
.L_overlay_start_1:
0x0: {  	(tag) =	ssettag $0x1  }
0x1: {  	s5 =	rddreg [dreg:$0x0];
	s0 =	srdreg.scid  }
0x2: {  	s2 =	rddreg [dreg:$0x1];
	s1 =	stileid.u32;
	s3 =	simm.s32 $0x0  }
0x3: {  	s15 =	simm.s32 $0x2;
	s16 =	simm.s32 $0x80;
	s8 =	smul.u32 $0x2800, s1  }
0x4: {  	s17 =	simm.s32 $0x100;
	s18 =	simm.s32 $0x1;
	s10 =	smul.u32 $0x50000, s1  }
0x5: {  	s6 =	sand.u32 $0x1, s0;
	s0 =	rddreg [dreg:$0x2];
	s14 =	smul.u32 $0x4F0, s1  }
0x6: {  	s21 =	simm.s32 $0x0;
	[smem:$0x7FF] =	sst s3;
	s7 =	smul.u32 $0x4F00, s6  }
0x7: {  	s4 =	sadd.s32 $0x18800, s5;
	s19 =	sshll.u32 s1, $0x6;
	s9 =	smul.u32 $0x28000, s6  }
0x8: {  	_ =	strace $0x80000050;
	s6 =	ssub.s32 $0x2, s6;
	s19 =	sor.u32 $0x1C02, s19  }
0x9: {  	s30 =	sshrl.u32 s6, $0x1;
	s31 =	sshrl.u32 s10, $0x2;
	s29 =	sadd.s32 s8, s9  }
0xa: {  	s11 =	sadd.s32 s7, s5;
	s13 =	ssub.s32 s6, s30;
	s12 =	sadd.s32 s29, s5  }
0xb: {  	s5 =	sadd.s32 s31, s2;
	s14 =	sadd.s32 s14, s11;
	s11 =	smax.u32 s13, $0x1  }
0xc: {  	s6 =	sadd.s32 $0x4000, s5;
	s7 =	sadd.s32 $0x8000, s5;
	s8 =	sadd.s32 $0xC000, s5  }
0xd: {  	s9 =	sadd.s32 $0x10000, s5;
	s10 =	sadd.s32 $0xB8800, s12;
	s12 =	sadd.s32 $0xEA00, s14  }
0xe: {  	v0 =	vimm.f32 $0.0e+00;
	s13 =	sadd.s32 $0x4C00, s14;
	s14 =	simm.s32 $0x4100;
	s20 =	sshrl.u32 s5, $0x3  }
.LBB2_1:
0xf: {  	s22 =	simm.s32 $0x0;
	s23 =	simm.s32 $0x200  }
.LBB2_2:
0x10: {  	p0 =	sne.s32 s23, $0xFE00;
	[tilespmem:s22+$0x4170] =	vst v0  }
0x11: {  	[tilespmem:s22+$0x4100] =	vst v0  }
0x12: {  	[tilespmem:s22+$0x4110] =	vst v0  }
.Ltmp0:
0x13: {  	[tilespmem:s22+$0x4120] =	vst v0;
	(pc) =	sbr.rel @p0 .LBB2_2-.Ltmp0, $4  }
0x14: {  	[tilespmem:s22+$0x4130] =	vst v0  }
0x15: {  	[tilespmem:s22+$0x4140] =	vst v0  }
0x16: {  	[tilespmem:s22+$0x4150] =	vst v0  }
0x17: {  	[tilespmem:s22+$0x4160] =	vst v0;
	s22 =	sshra.s32 s23, $0x2;
	s23 =	sadd.s32 $0x200, s23  }
0x18: {  	[tilespmem:s22+$0x4170] =	vst v0  }
0x19: {  	[tilespmem:s22+$0x4100] =	vst v0  }
0x1a: {  	[tilespmem:s22+$0x4110] =	vst v0  }
0x1b: {  	[tilespmem:s22+$0x4120] =	vst v0  }
0x1c: {  	[tilespmem:s22+$0x4130] =	vst v0  }
0x1d: {  	[tilespmem:s22+$0x4140] =	vst v0  }
0x1e: {  	[tilespmem:s22+$0x4150] =	vst v0  }
0x1f: {  	[tilespmem:s22+$0x4160] =	vst v0  }
0x20: {  	[spmem:s5] =	stream.linear.scatter [tilespmem:s14], [sflag:$0x2], $0x4000, $0x38;
	[tilespmem:$0x1C100] =	vst v63  }
0x21: {  	_ =	swait.ge [sflag:s15], $0x4000  }
0x22: {  	[sflag:s15] =	ssyncset.done $0x0  }
0x23: {  	[sflag:s15] =	ssyncadd.s32 $0xFFFFC000  }
0x24: {  	[spmem:s6] =	stream.linear.scatter [tilespmem:s14], [sflag:$0x2], $0x4000, $0x38;
	[tilespmem:$0x1C100] =	vst v63  }
0x25: {  	_ =	swait.ge [sflag:s15], $0x4000  }
0x26: {  	[sflag:s15] =	ssyncset.done $0x0  }
0x27: {  	[sflag:s15] =	ssyncadd.s32 $0xFFFFC000  }
0x28: {  	[spmem:s7] =	stream.linear.scatter [tilespmem:s14], [sflag:$0x2], $0x4000, $0x38;
	[tilespmem:$0x1C100] =	vst v63  }
0x29: {  	_ =	swait.ge [sflag:s15], $0x4000  }
0x2a: {  	[sflag:s15] =	ssyncset.done $0x0  }
0x2b: {  	[sflag:s15] =	ssyncadd.s32 $0xFFFFC000  }
0x2c: {  	[spmem:s8] =	stream.linear.scatter [tilespmem:s14], [sflag:$0x2], $0x4000, $0x38;
	[tilespmem:$0x1C100] =	vst v63  }
0x2d: {  	_ =	swait.ge [sflag:s15], $0x4000  }
0x2e: {  	[sflag:s15] =	ssyncset.done $0x0  }
0x2f: {  	[sflag:s15] =	ssyncadd.s32 $0xFFFFC000  }
0x30: {  	[spmem:s9] =	stream.linear.scatter [tilespmem:s14], [sflag:$0x2], $0x4000, $0x38;
	[tilespmem:$0x1C100] =	vst v63  }
0x31: {  	_ =	swait.ge [sflag:s15], $0x4000  }
0x32: {  	[sflag:s15] =	ssyncset.done $0x0  }
0x33: {  	[sflag:s15] =	ssyncadd.s32 $0xFFFFC000  }
0x34: {  	s30 =	sadd.s32 $0x0, s13;
	[bflag:$0x0] =	sbarrier.arrive $0xFFFF  }
0x35: {  	[tilespmem:s3], [sflag:$0x2] =	stream.linear.gather [hbm4b:s30+s3], $0x80, $0x38;
	[tilespmem:$0x1C100] =	vst v63  }
0x36: {  	_ =	swait.ge [sflag:s15], $0x80  }
0x37: {  	[sflag:s15] =	ssyncset.done $0x0  }
0x38: {  	s31 =	sadd.s32 $0x0, s12;
	[sflag:s15] =	ssyncadd.s32 $0xFFFFFF80  }
0x39: {  	[tilespmem:s16], [sflag:$0x2] =	stream.linear.gather [hbm4b:s31+s3], $0x80, $0x38;
	[tilespmem:$0x1C100] =	vst v63  }
0x3a: {  	_ =	swait.ge [sflag:s15], $0x80  }
0x3b: {  	[sflag:s15] =	ssyncset.done $0x0  }
0x3c: {  	[sflag:s15] =	ssyncadd.s32 $0xFFFFFF80  }
0x3d: {  	[tilespmem:s17], [sflag:$0x1] =	stream.indirect.gather [hbm4b:s4+s16], $0x80, s3, s16, $0xb8;
	[tilespmem:$0x1C100] =	vst v63  }
0x3e: {  	_ =	swait.ge [sflag:s18], $0x4000  }
0x3f: {  	[sflag:s18] =	ssyncset.done $0x0  }
0x40: {  	[sflag:s18] =	ssyncadd.s32 $0xFFFFC000  }
0x41: {  	[spmem:s2] =	stream.indirect.scatter.add.f32 [tilespmem:s17], [sflag:$0x2], $0x80, s16, s16, $0xb8;
	[tilespmem:$0x1C100] =	vst v63  }
0x42: {  	_ =	swait.ge [sflag:s15], $0x4000  }
0x43: {  	s22 =	simm.s32 $0x10;
	s23 =	simm.s32 $0x20;
	[sflag:s15] =	ssyncset.done $0x0  }
.LBB2_4:
0x44: {  	s24 =	sadd.s32 s22, s13  }
0x45: {  	[sflag:s15] =	ssyncadd.s32 $0xFFFFC000;
	s25 =	smov.u32 s23;
	s26 =	sadd.s32 $0x10, s23  }
0x46: {  	[tilespmem:s3], [sflag:$0x2] =	stream.linear.gather [hbm4b:s24+s3], $0x80, $0x38;
	[tilespmem:$0x1C100] =	vst v63  }
0x47: {  	p0 =	sne.s32 s23, $0x4E0;
	_ =	swait.ge [sflag:s15], $0x80  }
0x48: {  	[sflag:s15] =	ssyncset.done $0x0  }
0x49: {  	s23 =	sadd.s32 s22, s12;
	s22 =	smov.u32 s25;
	[sflag:s15] =	ssyncadd.s32 $0xFFFFFF80  }
0x4a: {  	[tilespmem:s16], [sflag:$0x2] =	stream.linear.gather [hbm4b:s23+s3], $0x80, $0x38;
	[tilespmem:$0x1C100] =	vst v63  }
0x4b: {  	_ =	swait.ge [sflag:s15], $0x80  }
0x4c: {  	[sflag:s15] =	ssyncset.done $0x0  }
0x4d: {  	[sflag:s15] =	ssyncadd.s32 $0xFFFFFF80  }
0x4e: {  	[tilespmem:s17], [sflag:$0x1] =	stream.indirect.gather [hbm4b:s4+s16], $0x80, s3, s16, $0xb8;
	[tilespmem:$0x1C100] =	vst v63  }
0x4f: {  	_ =	swait.ge [sflag:s18], $0x4000  }
.Ltmp1:
0x50: {  	[sflag:s18] =	ssyncset.done $0x0;
	(pc) =	sbr.rel @p0 .LBB2_4-.Ltmp1, $4  }
0x51: {  	[sflag:s18] =	ssyncadd.s32 $0xFFFFC000  }
0x52: {  	[spmem:s2] =	stream.indirect.scatter.add.f32 [tilespmem:s17], [sflag:$0x2], $0x80, s16, s16, $0xb8;
	[tilespmem:$0x1C100] =	vst v63  }
0x53: {  	_ =	swait.ge [sflag:s15], $0x4000  }
0x54: {  	s23 =	smov.u32 s26;
	[sflag:s15] =	ssyncset.done $0x0  }
0x55: {  	s23 =	sadd.s32 s22, s13;
	[sflag:s15] =	ssyncadd.s32 $0xFFFFC000  }
0x56: {  	[tilespmem:s3], [sflag:$0x2] =	stream.linear.gather [hbm4b:s23+s3], $0x80, $0x38;
	[tilespmem:$0x1C100] =	vst v63  }
0x57: {  	_ =	swait.ge [sflag:s15], $0x80  }
0x58: {  	[sflag:s15] =	ssyncset.done $0x0  }
0x59: {  	s31 =	sadd.s32 s22, s12;
	[sflag:s15] =	ssyncadd.s32 $0xFFFFFF80  }
0x5a: {  	[tilespmem:s16], [sflag:$0x2] =	stream.linear.gather [hbm4b:s31+s3], $0x80, $0x38;
	[tilespmem:$0x1C100] =	vst v63  }
0x5b: {  	_ =	swait.ge [sflag:s15], $0x80  }
0x5c: {  	[sflag:s15] =	ssyncset.done $0x0  }
0x5d: {  	[sflag:s15] =	ssyncadd.s32 $0xFFFFFF80  }
0x5e: {  	[tilespmem:s17], [sflag:$0x1] =	stream.indirect.gather [hbm4b:s4+s16], $0x80, s3, s16, $0xb8;
	[tilespmem:$0x1C100] =	vst v63  }
0x5f: {  	_ =	swait.ge [sflag:s18], $0x4000  }
0x60: {  	[sflag:s18] =	ssyncset.done $0x0  }
0x61: {  	[sflag:s18] =	ssyncadd.s32 $0xFFFFC000  }
0x62: {  	[spmem:s2] =	stream.indirect.scatter.add.f32 [tilespmem:s17], [sflag:$0x2], $0x80, s16, s16, $0xb8;
	[tilespmem:$0x1C100] =	vst v63  }
0x63: {  	_ =	swait.ge [sflag:s15], $0x4000  }
0x64: {  	s21 =	sadd.s32 $0x1, s21;
	[sflag:s15] =	ssyncset.done $0x0  }
0x65: {  	p0 =	sne.s32 s21, s11;
	[sflag:s15] =	ssyncadd.s32 $0xFFFFC000  }
.Ltmp2:
0x66: {  	[bflag:$0x0] =	sbarrier.arrive $0xFFFF;
	(pc) =	sbr.rel @p0 .LBB2_1-.Ltmp2, $4  }
0x67: {  	[hbm:s10], [sflag:s19] =	dma.local [spmem:s20], $0x2800  }
0x68: {  	_ =	swait.ge [sflag:s15], $0x2800  }
0x69: {  	[sflag:s15] =	ssyncset.done $0x0  }
0x6a: {  	[sflag:s15] =	ssyncadd.s32 $0xFFFFD800  }
0x6b: {  	_ =	sfence.sel $0x180000  }
0x6c: {  	[bflag:$0x0] =	sbarrier.arrive $0xFFFF  }
0x6d: {  	p0 =	sne.s32 s1, $0x0;
	_ =	strace $0x90000050  }
0x6e: {  	s0 =	sadd.s32 @!p0 $0x100000, s0;
	[bflag:$0x2] =	sbarrier.arrive $0xFFFF  }
0x6f: {  	[sflag:s0] =	ssyncadd.tile.s32 @!p0 $0x1;
	_ =	shalt  }
.Lfunc_end2:
_tile_overlayer_lowered:
.L_overlay_start_2:
0x70: {  	(tag) =	ssettag $0x2  }
0x71: {  	s0 =	rddreg [dreg:$0x0];
	s2 =	stileid.u32  }
0x72: {  	s1 =	rddreg [dreg:$0x1];
	p0 =	sne.s32 s2, $0x0  }
0x73: {  	s3 =	rddreg [dreg:$0x2];
	[bflag:$0x3] =	sbarrier.arrive $0xFFFF;
	s2 =	simm.s32 @!p0 $0x1C02  }
0x74: {  	[timem:s3], [sflag:s2] =	dma.local @!p0 [hbm:s0], s1  }
0x75: {  	s0 =	simm.s32 @!p0 $0x2  }
0x76: {  	_ =	swait.ge @!p0 [sflag:s0], s1  }
0x77: {  	s1 =	ssub.s32 @!p0 $0x0, s1;
	[sflag:s0] =	ssyncset.done @!p0 $0x0  }
0x78: {  	[sflag:s0] =	ssyncadd.s32 @!p0 s1  }
0x79: {  	[bflag:$0x3] =	sbarrier.arrive $0xFFFF  }
0x7a: {  	_ =	shalt  }

// kernel: kernel.25.cloned.1.call-start
scs
__scs_entry_jumppad:
0x0: {  	(pc) =	sbr.rel $0x88, $3  }
0x1: {  	(tag) =	ssettag $0x0;
	lr =	simm.s32 $0x1  }
0x2: {  	[smem:$0x3F9B] =	sst lr;
	_ =	strace $0xD0000000  }
0x3: {  	_ = 	snop  }
0x4: {  	_ = 	snop  }
0x5: {  	_ = 	snop  }
0x6: {  	_ = 	snop  }
0x7: {  	_ = 	snop  }
__scs_overlays_trampoline_lowered:
0x8: {  	[smem:$0x3FAA] =	sst s0  }
0x9: {  	[smem:$0x3FAB] =	sst s1  }
0xa: {  	[smem:$0x3FAC] =	sst s2  }
0xb: {  	[smem:$0x3FAD] =	sst s3  }
0xc: {  	[smem:$0x3FAE] =	sst s4  }
0xd: {  	[smem:$0x3FAF] =	sst s5  }
0xe: {  	[smem:$0x3FB0] =	sst s6  }
0xf: {  	[smem:$0x3FB1] =	sst s7  }
0x10: {  	[smem:$0x3FB2] =	sst s8  }
0x11: {  	[smem:$0x3FB3] =	sst s9;
	s0 =	simm.s32 @!p0 $0x0  }
0x12: {  	s1 =	sld [smem:$0x3F99];
	s0 =	simm.s32 @p0 $0x1  }
0x13: {  	[smem:$0x3FB4] =	sst s0;
	s0 =	simm.s32 @!p1 $0x0  }
0x14: {  	s2 =	sld [smem:$0x3F98];
	s0 =	simm.s32 @p1 $0x1  }
0x15: {  	[smem:$0x3FB5] =	sst s0;
	s0 =	simm.s32 @!p2 $0x0  }
0x16: {  	s3 =	sld [smem:$0x3FDB];
	s0 =	simm.s32 @p2 $0x1  }
0x17: {  	s4 =	simm.s32 $0x1BF5;
	[smem:$0x3FB7] =	sst s0  }
0x18: {  	s0 =	sld [smem:$0x3F9A];
	_ =	swait.ge [sflag:s4], $0x0  }
0x19: {  	s7 =	sld [smem:$0x3F9B]  }
0x1a: {  	s8 =	sadd.s32 $0xFFFFE003, lr  }
0x1b: {  	s9 =	sadd.s32 $0xFFFFFEF7, lr;
	s5 =	simm.s32 $0xFFFFFFFF;
	p2 =	slt.u32 s8, $0xFFFFF086  }
0x1c: {  	p1 =	slt.u32 s9, $0xF7A;
	s5 =	simm.s32 @!p2 $0x0  }
0x1d: {  	s5 =	simm.s32 @p1 $0x1;
	p0 =	seq.s32 s7, s2  }
0x1e: {  	s7 =	smul.u32 @!p0 $0xF7A, s2;
	p2 =	seq.s32 @!p0 s5, $0x0  }
0x1f: {  	s9 =	smul.u32 $0xF7A, s1;
	s8 =	simm.s32 @!p0 $0x1BF5;
	p2 =	por !p2, p0  }
0x20: {  	[sflag:s8] =	ssyncset.s32 @!p0 $0xFFFFF086;
	s6 =	sadd.s32 @!p0 s3, s7;
	s7 =	simm.s32 @!p0 $0x108  }
0x21: {  	s3 =	sadd.s32 s3, s9;
	s6 =	sadd.s32 @!p0 $0x88, s6;
	s7 =	simm.s32 @p2 $0x1082  }
0x22: {  	[simem:s7], [sflag:s8] =	dma.local @!p0 [hbm:s6], $0xF7A  }
0x23: {  	s9 =	sor.u32 $0xD0000000, s2;
	s6 =	simm.s32 $0x108;
	_ =	swait.ge @!p0 [sflag:s8], $0x0  }
0x24: {  	s3 =	sadd.s32 $0x88, s3;
	s6 =	simm.s32 @!p1 $0x1082;
	[sflag:s4] =	ssyncset.s32 $0xFFFFF086  }
0x25: {  	[simem:s6], [sflag:s4] =	dma.local [hbm:s3], $0xF7A  }
0x26: {  	[smem:$0x3F9B] =	sst s1;
	(tag) =	ssettag s2;
	_ =	strace s9  }
0x27: {  	s1 =	sld [smem:$0x3FAB]  }
0x28: {  	s2 =	sld [smem:$0x3FAC]  }
0x29: {  	s4 =	sld [smem:$0x3FAE]  }
0x2a: {  	p0 =	seq.s32 s5, $0x0;
	s5 =	sld [smem:$0x3FAF]  }
0x2b: {  	s6 =	sld [smem:$0x3FB0]  }
0x2c: {  	s7 =	sld [smem:$0x3FB1]  }
0x2d: {  	s3 =	simm.s32 $0x108;
	s8 =	sld [smem:$0x3FB2]  }
0x2e: {  	s3 =	simm.s32 @!p0 $0x1082;
	s9 =	sld [smem:$0x3FB3]  }
0x2f: {  	lr =	sadd.s32 s0, s3;
	s0 =	sld [smem:$0x3FAA]  }
0x30: {  	s3 =	sld [smem:$0x3FAD]  }
0x31: {  	[smem:$0x3FB6] =	sst s10  }
0x32: {  	s10 =	sld [smem:$0x3FB4];
	_ =	sdelay $0x3  }
0x33: {  	p0 =	seq.s32 s10, $0x1;
	s10 =	sld [smem:$0x3FB6];
	_ =	sdelay $0x3  }
0x34: {  	[smem:$0x3FB6] =	sst s10  }
0x35: {  	s10 =	sld [smem:$0x3FB5];
	_ =	sdelay $0x3  }
0x36: {  	p1 =	seq.s32 s10, $0x1;
	s10 =	sld [smem:$0x3FB6];
	_ =	sdelay $0x3  }
0x37: {  	[smem:$0x3FB6] =	sst s10  }
0x38: {  	s10 =	sld [smem:$0x3FB7]  }
0x39: {  	_ = 	snop;
	(pc) =	sbr.ind lr, $3  }
0x3a: {  	_ = 	snop  }
0x3b: {  	_ = 	snop  }
0x3c: {  	p2 =	seq.s32 s10, $0x1;
	s10 =	sld [smem:$0x3FB6]  }
0x3d: {  	_ =	shalt  }
0x3e: {  	_ =	shalt  }
0x3f: {  	_ =	shalt  }
0x40: {  	_ =	shalt  }
0x41: {  	_ =	shalt  }
0x42: {  	_ =	shalt  }
0x43: {  	_ =	shalt  }
0x44: {  	_ =	shalt  }
0x45: {  	_ =	shalt  }
0x46: {  	_ =	shalt  }
0x47: {  	_ =	shalt  }
0x48: {  	_ =	shalt  }
0x49: {  	_ =	shalt  }
0x4a: {  	_ =	shalt  }
0x4b: {  	_ =	shalt  }
0x4c: {  	_ =	shalt  }
0x4d: {  	_ =	shalt  }
0x4e: {  	_ =	shalt  }
0x4f: {  	_ =	shalt  }
0x50: {  	_ =	shalt  }
0x51: {  	_ =	shalt  }
0x52: {  	_ =	shalt  }
0x53: {  	_ =	shalt  }
0x54: {  	_ =	shalt  }
0x55: {  	_ =	shalt  }
0x56: {  	_ =	shalt  }
0x57: {  	_ =	shalt  }
0x58: {  	_ =	shalt  }
0x59: {  	_ =	shalt  }
0x5a: {  	_ =	shalt  }
0x5b: {  	_ =	shalt  }
0x5c: {  	_ =	shalt  }
0x5d: {  	_ =	shalt  }
0x5e: {  	_ =	shalt  }
0x5f: {  	_ =	shalt  }
0x60: {  	_ =	shalt  }
0x61: {  	_ =	shalt  }
0x62: {  	_ =	shalt  }
0x63: {  	_ =	shalt  }
0x64: {  	_ =	shalt  }
0x65: {  	_ =	shalt  }
0x66: {  	_ =	shalt  }
0x67: {  	_ =	shalt  }
0x68: {  	_ =	shalt  }
0x69: {  	_ =	shalt  }
0x6a: {  	_ =	shalt  }
0x6b: {  	_ =	shalt  }
0x6c: {  	_ =	shalt  }
0x6d: {  	_ =	shalt  }
0x6e: {  	_ =	shalt  }
0x6f: {  	_ =	shalt  }
0x70: {  	_ =	shalt  }
0x71: {  	_ =	shalt  }
0x72: {  	_ =	shalt  }
0x73: {  	_ =	shalt  }
0x74: {  	_ =	shalt  }
0x75: {  	_ =	shalt  }
0x76: {  	_ =	shalt  }
0x77: {  	_ =	shalt  }
0x78: {  	_ =	shalt  }
0x79: {  	_ =	shalt  }
0x7a: {  	_ =	shalt  }
0x7b: {  	_ =	shalt  }
0x7c: {  	_ =	shalt  }
0x7d: {  	_ =	shalt  }
0x7e: {  	_ =	shalt  }
0x7f: {  	_ =	shalt  }
0x80: {  	_ =	shalt  }
0x81: {  	_ =	shalt  }
0x82: {  	_ =	shalt  }
0x83: {  	_ =	shalt  }
0x84: {  	_ =	shalt  }
0x85: {  	_ =	shalt  }
0x86: {  	_ =	shalt  }
0x87: {  	_ =	shalt  }
.Lfunc_end0:
.L_simem_size_0:
called_computation.4_lowered:
.L_overlay_start_0:
0x88: {  	s2 =	sld [smem:$0x3FD9]  }
0x89: {  	s3 =	sld [smem:$0x3FFE];
	_ =	sdelay $0x1  }
0x8a: {  	s1 =	srdreg.scid  }
0x8b: {  	s0 =	sand.u32 $0x1, s1  }
0x8c: {  	s16 =	sshll.u32 s0, $0xA;
	s2 =	sadd.s32 s3, s2  }
0x8d: {  	s2 =	sadd.s32 s2, s16  }
0x8e: {  	[smem:$0x3FC2] =	sst s2  }
0x8f: {  	_ = 	snop  }
0x90: {  	(tm) =	ssettm $0x1  }
0x91: {  	s17 =	sld [smem:$0x3FFB];
	_ =	sdelay $0x3  }
0x92: {  	_ =	strace s17  }
0x93: {  	s2 =	sld [smem:$0x3FFC];
	_ =	sdelay $0x3  }
0x94: {  	_ =	strace s2  }
0x95: {  	s2 =	sld [smem:$0x3FFD];
	_ =	sdelay $0x3  }
0x96: {  	_ =	strace s2  }
0x97: {  	_ =	strace $0x8FFFFFFF  }
0x98: {  	s18 =	sld [smem:$0x3FDB];
	_ =	sdelay $0x1  }
0x99: {  	s19 =	simm.s32 $_scs_section_size  }
0x9a: {  	s4 =	simm.s32 $_size__tile_overlayer_lowered;
	s5 =	simm.s32 $_tile_overlayer_lowered  }
0x9b: {  	s22 =	simm.s32 $0x1BFF;
	s21 =	sshll.u32 s5, $0x1;
	s2 =	sadd.s32 s19, s18  }
0x9c: {  	s6 =	simm.s32 $0x0;
	s20 =	sshll.u32 s4, $0x1;
	s4 =	sadd.s32 s21, s2  }
0x9d: {  	[timem:s6], [sflag:s22] =	dma.local [hbm:s4], s20  }
0x9e: {  	_ =	swait.ge [sflag:s22], s20  }
0x9f: {  	s3 =	ssub.s32 $0x0, s20;
	[sflag:s22] =	ssyncset.done $0x0  }
0xa0: {  	[sflag:s22] =	ssyncadd.s32 s3;
	_ =	sdelay $0x1  }
0xa1: {  	s23 =	simm.s32 $0x1B8B  }
0xa2: {  	_ =	swait.ge [sflag:s23], $0x1  }
0xa3: {  	[sflag:s23] =	ssyncset.done $0x0  }
0xa4: {  	s25 =	simm.s32 $0x1B8E;
	s24 =	sld [smem:$0x3FFE];
	[sflag:s23] =	ssyncadd.s32 $0xFFFFFFFF  }
0xa5: {  	s26 =	simm.s32 $execute0_lowered;
	[smem:$0x3FD2] =	sst s25  }
0xa6: {  	s4 =	sshll.u32 s26, $0x1;
	_ =	strace $0x80000052;
	[dreg:$0x1] =	wrdreg $0xFFFFFFFF  }
0xa7: {  	s28 =	simm.s32 $_size_execute0_lowered;
	s2 =	sadd.s32 s2, s4;
	[dreg:$0x0] =	wrdreg $0x0  }
0xa8: {  	s4 =	sshll.u32 s28, $0x1;
	[dreg:$0x2] =	wrdreg s2  }
0xa9: {  	[dreg:$0x3] =	wrdreg s4  }
0xaa: {  	[dreg:$0x4] =	wrdreg $0xC0  }
0xab: {  	_ =	task [dreg:s6], $0x5FFFF  }
0xac: {  	[dreg:$0x1] =	wrdreg $0xFFFFFFFF  }
0xad: {  	[dreg:$0x0] =	wrdreg $0x60  }
0xae: {  	[dreg:$0x2] =	wrdreg s24  }
0xaf: {  	[dreg:$0x3] =	wrdreg $0x81000  }
0xb0: {  	[dreg:$0x4] =	wrdreg $0x9  }
0xb1: {  	_ =	task.clear_ibuf [dreg:s6], $0x5FFFF;
	_ =	strace $0x90000052  }
0xb2: {  	s29 =	simm.s32 $0x9;
	_ =	strace $0x80000054  }
0xb3: {  	_ =	swait.ge [sflag:s29], $0x1  }
0xb4: {  	[sflag:s29] =	ssyncadd.s32 $0xFFFFFFFF  }
0xb5: {  	_ =	strace $0x90000054  }
0xb6: {  	_ =	sfence  }
0xb7: {  	s30 =	sld [smem:$0x0];
	_ =	sdelay $0x2  }
0xb8: {  	s31 =	sshll.u32 s1, $0xD;
	s1 =	sshrl.u32 s1, $0x2  }
0xb9: {  	s3 =	sand.u32 $0x4000, s31;
	s1 =	sadd.s32 s1, s30  }
0xba: {  	s0 =	sor.u32 s3, s0;
	s1 =	sshll.u32 s1, $0x11  }
0xbb: {  	s0 =	sor.u32 s1, s0  }
0xbc: {  	s0 =	sadd.s32 $0x8F2B, s0  }
0xbd: {  	[sflag:s0] =	ssyncadd.remote.s32 $0x1  }
0xbe: {  	_ =	sfence.sel $0xFFFF  }
0xbf: {  	[dreg:$0x0] =	wrdreg $0xFFFFFFFF;
	(pc) =	sbr.abs _section_cstart, $3  }
0xc0: {  	[dreg:$0x1] =	wrdreg $0xFFFFFFFF  }
0xc1: {  	_ =	task.clear_ibuf [dreg:s6], $0x2FFFF;
	_ =	strace $0x9FFFFFFF  }
0xc2: {  	(tm) =	ssettm $0x7FFFFFFF  }
0xc3: {  	_ =	shalt  }
tec
execute0_lowered:
.L_overlay_start_1:
0x0: {  	(tag) =	ssettag $0x1  }
0x1: {  	s5 =	rddreg [dreg:$0x0];
	s0 =	srdreg.scid  }
0x2: {  	s2 =	rddreg [dreg:$0x1];
	s1 =	stileid.u32;
	s3 =	simm.s32 $0x0  }
0x3: {  	s15 =	simm.s32 $0x2;
	s16 =	simm.s32 $0x80;
	s8 =	smul.u32 $0x2800, s1  }
0x4: {  	s17 =	simm.s32 $0x100;
	s18 =	simm.s32 $0x1;
	s10 =	smul.u32 $0x50000, s1  }
0x5: {  	s6 =	sand.u32 $0x1, s0;
	s0 =	rddreg [dreg:$0x2];
	s14 =	smul.u32 $0x4F0, s1  }
0x6: {  	s21 =	simm.s32 $0x0;
	[smem:$0x7FF] =	sst s3;
	s7 =	smul.u32 $0x4F00, s6  }
0x7: {  	s4 =	sadd.s32 $0x18800, s5;
	s19 =	sshll.u32 s1, $0x6;
	s9 =	smul.u32 $0x28000, s6  }
0x8: {  	_ =	strace $0x80000053;
	s6 =	ssub.s32 $0x2, s6;
	s19 =	sor.u32 $0x1C02, s19  }
0x9: {  	s30 =	sshrl.u32 s6, $0x1;
	s31 =	sshrl.u32 s10, $0x2;
	s29 =	sadd.s32 s8, s9  }
0xa: {  	s11 =	sadd.s32 s7, s5;
	s13 =	ssub.s32 s6, s30;
	s12 =	sadd.s32 s29, s5  }
0xb: {  	s5 =	sadd.s32 s31, s2;
	s14 =	sadd.s32 s14, s11;
	s11 =	smax.u32 s13, $0x1  }
0xc: {  	s6 =	sadd.s32 $0x4000, s5;
	s7 =	sadd.s32 $0x8000, s5;
	s8 =	sadd.s32 $0xC000, s5  }
0xd: {  	s9 =	sadd.s32 $0x10000, s5;
	s10 =	sadd.s32 $0x68800, s12;
	s12 =	sadd.s32 $0x4C00, s14  }
0xe: {  	v0 =	vimm.f32 $0.0e+00;
	s13 =	sadd.s32 $0xEA00, s14;
	s14 =	simm.s32 $0x4100;
	s20 =	sshrl.u32 s5, $0x3  }
.LBB2_1:
0xf: {  	s22 =	simm.s32 $0x0;
	s23 =	simm.s32 $0x200  }
.LBB2_2:
0x10: {  	p0 =	sne.s32 s23, $0xFE00;
	[tilespmem:s22+$0x4170] =	vst v0  }
0x11: {  	[tilespmem:s22+$0x4100] =	vst v0  }
0x12: {  	[tilespmem:s22+$0x4110] =	vst v0  }
.Ltmp0:
0x13: {  	[tilespmem:s22+$0x4120] =	vst v0;
	(pc) =	sbr.rel @p0 .LBB2_2-.Ltmp0, $4  }
0x14: {  	[tilespmem:s22+$0x4130] =	vst v0  }
0x15: {  	[tilespmem:s22+$0x4140] =	vst v0  }
0x16: {  	[tilespmem:s22+$0x4150] =	vst v0  }
0x17: {  	[tilespmem:s22+$0x4160] =	vst v0;
	s22 =	sshra.s32 s23, $0x2;
	s23 =	sadd.s32 $0x200, s23  }
0x18: {  	[tilespmem:s22+$0x4170] =	vst v0  }
0x19: {  	[tilespmem:s22+$0x4100] =	vst v0  }
0x1a: {  	[tilespmem:s22+$0x4110] =	vst v0  }
0x1b: {  	[tilespmem:s22+$0x4120] =	vst v0  }
0x1c: {  	[tilespmem:s22+$0x4130] =	vst v0  }
0x1d: {  	[tilespmem:s22+$0x4140] =	vst v0  }
0x1e: {  	[tilespmem:s22+$0x4150] =	vst v0  }
0x1f: {  	[tilespmem:s22+$0x4160] =	vst v0  }
0x20: {  	[spmem:s5] =	stream.linear.scatter [tilespmem:s14], [sflag:$0x2], $0x4000, $0x38;
	[tilespmem:$0x1C100] =	vst v63  }
0x21: {  	_ =	swait.ge [sflag:s15], $0x4000  }
0x22: {  	[sflag:s15] =	ssyncset.done $0x0  }
0x23: {  	[sflag:s15] =	ssyncadd.s32 $0xFFFFC000  }
0x24: {  	[spmem:s6] =	stream.linear.scatter [tilespmem:s14], [sflag:$0x2], $0x4000, $0x38;
	[tilespmem:$0x1C100] =	vst v63  }
0x25: {  	_ =	swait.ge [sflag:s15], $0x4000  }
0x26: {  	[sflag:s15] =	ssyncset.done $0x0  }
0x27: {  	[sflag:s15] =	ssyncadd.s32 $0xFFFFC000  }
0x28: {  	[spmem:s7] =	stream.linear.scatter [tilespmem:s14], [sflag:$0x2], $0x4000, $0x38;
	[tilespmem:$0x1C100] =	vst v63  }
0x29: {  	_ =	swait.ge [sflag:s15], $0x4000  }
0x2a: {  	[sflag:s15] =	ssyncset.done $0x0  }
0x2b: {  	[sflag:s15] =	ssyncadd.s32 $0xFFFFC000  }
0x2c: {  	[spmem:s8] =	stream.linear.scatter [tilespmem:s14], [sflag:$0x2], $0x4000, $0x38;
	[tilespmem:$0x1C100] =	vst v63  }
0x2d: {  	_ =	swait.ge [sflag:s15], $0x4000  }
0x2e: {  	[sflag:s15] =	ssyncset.done $0x0  }
0x2f: {  	[sflag:s15] =	ssyncadd.s32 $0xFFFFC000  }
0x30: {  	[spmem:s9] =	stream.linear.scatter [tilespmem:s14], [sflag:$0x2], $0x4000, $0x38;
	[tilespmem:$0x1C100] =	vst v63  }
0x31: {  	_ =	swait.ge [sflag:s15], $0x4000  }
0x32: {  	[sflag:s15] =	ssyncset.done $0x0  }
0x33: {  	[sflag:s15] =	ssyncadd.s32 $0xFFFFC000  }
0x34: {  	s30 =	sadd.s32 $0x0, s13;
	[bflag:$0x0] =	sbarrier.arrive $0xFFFF  }
0x35: {  	[tilespmem:s3], [sflag:$0x2] =	stream.linear.gather [hbm4b:s30+s3], $0x80, $0x38;
	[tilespmem:$0x1C100] =	vst v63  }
0x36: {  	_ =	swait.ge [sflag:s15], $0x80  }
0x37: {  	[sflag:s15] =	ssyncset.done $0x0  }
0x38: {  	s31 =	sadd.s32 $0x0, s12;
	[sflag:s15] =	ssyncadd.s32 $0xFFFFFF80  }
0x39: {  	[tilespmem:s16], [sflag:$0x2] =	stream.linear.gather [hbm4b:s31+s3], $0x80, $0x38;
	[tilespmem:$0x1C100] =	vst v63  }
0x3a: {  	_ =	swait.ge [sflag:s15], $0x80  }
0x3b: {  	[sflag:s15] =	ssyncset.done $0x0  }
0x3c: {  	[sflag:s15] =	ssyncadd.s32 $0xFFFFFF80  }
0x3d: {  	[tilespmem:s17], [sflag:$0x1] =	stream.indirect.gather [hbm4b:s4+s16], $0x80, s3, s16, $0xb8;
	[tilespmem:$0x1C100] =	vst v63  }
0x3e: {  	_ =	swait.ge [sflag:s18], $0x4000  }
0x3f: {  	[sflag:s18] =	ssyncset.done $0x0  }
0x40: {  	[sflag:s18] =	ssyncadd.s32 $0xFFFFC000  }
0x41: {  	[spmem:s2] =	stream.indirect.scatter.add.f32 [tilespmem:s17], [sflag:$0x2], $0x80, s16, s16, $0xb8;
	[tilespmem:$0x1C100] =	vst v63  }
0x42: {  	_ =	swait.ge [sflag:s15], $0x4000  }
0x43: {  	s22 =	simm.s32 $0x10;
	s23 =	simm.s32 $0x20;
	[sflag:s15] =	ssyncset.done $0x0  }
.LBB2_4:
0x44: {  	s24 =	sadd.s32 s22, s13  }
0x45: {  	[sflag:s15] =	ssyncadd.s32 $0xFFFFC000;
	s25 =	smov.u32 s23;
	s26 =	sadd.s32 $0x10, s23  }
0x46: {  	[tilespmem:s3], [sflag:$0x2] =	stream.linear.gather [hbm4b:s24+s3], $0x80, $0x38;
	[tilespmem:$0x1C100] =	vst v63  }
0x47: {  	p0 =	sne.s32 s23, $0x4E0;
	_ =	swait.ge [sflag:s15], $0x80  }
0x48: {  	[sflag:s15] =	ssyncset.done $0x0  }
0x49: {  	s23 =	sadd.s32 s22, s12;
	s22 =	smov.u32 s25;
	[sflag:s15] =	ssyncadd.s32 $0xFFFFFF80  }
0x4a: {  	[tilespmem:s16], [sflag:$0x2] =	stream.linear.gather [hbm4b:s23+s3], $0x80, $0x38;
	[tilespmem:$0x1C100] =	vst v63  }
0x4b: {  	_ =	swait.ge [sflag:s15], $0x80  }
0x4c: {  	[sflag:s15] =	ssyncset.done $0x0  }
0x4d: {  	[sflag:s15] =	ssyncadd.s32 $0xFFFFFF80  }
0x4e: {  	[tilespmem:s17], [sflag:$0x1] =	stream.indirect.gather [hbm4b:s4+s16], $0x80, s3, s16, $0xb8;
	[tilespmem:$0x1C100] =	vst v63  }
0x4f: {  	_ =	swait.ge [sflag:s18], $0x4000  }
.Ltmp1:
0x50: {  	[sflag:s18] =	ssyncset.done $0x0;
	(pc) =	sbr.rel @p0 .LBB2_4-.Ltmp1, $4  }
0x51: {  	[sflag:s18] =	ssyncadd.s32 $0xFFFFC000  }
0x52: {  	[spmem:s2] =	stream.indirect.scatter.add.f32 [tilespmem:s17], [sflag:$0x2], $0x80, s16, s16, $0xb8;
	[tilespmem:$0x1C100] =	vst v63  }
0x53: {  	_ =	swait.ge [sflag:s15], $0x4000  }
0x54: {  	s23 =	smov.u32 s26;
	[sflag:s15] =	ssyncset.done $0x0  }
0x55: {  	s23 =	sadd.s32 s22, s13;
	[sflag:s15] =	ssyncadd.s32 $0xFFFFC000  }
0x56: {  	[tilespmem:s3], [sflag:$0x2] =	stream.linear.gather [hbm4b:s23+s3], $0x80, $0x38;
	[tilespmem:$0x1C100] =	vst v63  }
0x57: {  	_ =	swait.ge [sflag:s15], $0x80  }
0x58: {  	[sflag:s15] =	ssyncset.done $0x0  }
0x59: {  	s31 =	sadd.s32 s22, s12;
	[sflag:s15] =	ssyncadd.s32 $0xFFFFFF80  }
0x5a: {  	[tilespmem:s16], [sflag:$0x2] =	stream.linear.gather [hbm4b:s31+s3], $0x80, $0x38;
	[tilespmem:$0x1C100] =	vst v63  }
0x5b: {  	_ =	swait.ge [sflag:s15], $0x80  }
0x5c: {  	[sflag:s15] =	ssyncset.done $0x0  }
0x5d: {  	[sflag:s15] =	ssyncadd.s32 $0xFFFFFF80  }
0x5e: {  	[tilespmem:s17], [sflag:$0x1] =	stream.indirect.gather [hbm4b:s4+s16], $0x80, s3, s16, $0xb8;
	[tilespmem:$0x1C100] =	vst v63  }
0x5f: {  	_ =	swait.ge [sflag:s18], $0x4000  }
0x60: {  	[sflag:s18] =	ssyncset.done $0x0  }
0x61: {  	[sflag:s18] =	ssyncadd.s32 $0xFFFFC000  }
0x62: {  	[spmem:s2] =	stream.indirect.scatter.add.f32 [tilespmem:s17], [sflag:$0x2], $0x80, s16, s16, $0xb8;
	[tilespmem:$0x1C100] =	vst v63  }
0x63: {  	_ =	swait.ge [sflag:s15], $0x4000  }
0x64: {  	s21 =	sadd.s32 $0x1, s21;
	[sflag:s15] =	ssyncset.done $0x0  }
0x65: {  	p0 =	sne.s32 s21, s11;
	[sflag:s15] =	ssyncadd.s32 $0xFFFFC000  }
.Ltmp2:
0x66: {  	[bflag:$0x0] =	sbarrier.arrive $0xFFFF;
	(pc) =	sbr.rel @p0 .LBB2_1-.Ltmp2, $4  }
0x67: {  	[hbm:s10], [sflag:s19] =	dma.local [spmem:s20], $0x2800  }
0x68: {  	_ =	swait.ge [sflag:s15], $0x2800  }
0x69: {  	[sflag:s15] =	ssyncset.done $0x0  }
0x6a: {  	[sflag:s15] =	ssyncadd.s32 $0xFFFFD800  }
0x6b: {  	_ =	sfence.sel $0x180000  }
0x6c: {  	[bflag:$0x0] =	sbarrier.arrive $0xFFFF  }
0x6d: {  	p0 =	sne.s32 s1, $0x0;
	_ =	strace $0x90000053  }
0x6e: {  	s0 =	sadd.s32 @!p0 $0x100000, s0;
	[bflag:$0x2] =	sbarrier.arrive $0xFFFF  }
0x6f: {  	[sflag:s0] =	ssyncadd.tile.s32 @!p0 $0x1;
	_ =	shalt  }
.Lfunc_end2:
_tile_overlayer_lowered:
.L_overlay_start_2:
0x70: {  	(tag) =	ssettag $0x2  }
0x71: {  	s0 =	rddreg [dreg:$0x0];
	s2 =	stileid.u32  }
0x72: {  	s1 =	rddreg [dreg:$0x1];
	p0 =	sne.s32 s2, $0x0  }
0x73: {  	s3 =	rddreg [dreg:$0x2];
	[bflag:$0x3] =	sbarrier.arrive $0xFFFF;
	s2 =	simm.s32 @!p0 $0x1C02  }
0x74: {  	[timem:s3], [sflag:s2] =	dma.local @!p0 [hbm:s0], s1  }
0x75: {  	s0 =	simm.s32 @!p0 $0x2  }
0x76: {  	_ =	swait.ge @!p0 [sflag:s0], s1  }
0x77: {  	s1 =	ssub.s32 @!p0 $0x0, s1;
	[sflag:s0] =	ssyncset.done @!p0 $0x0  }
0x78: {  	[sflag:s0] =	ssyncadd.s32 @!p0 s1  }
0x79: {  	[bflag:$0x3] =	sbarrier.arrive $0xFFFF  }
0x7a: {  	_ =	shalt  }

</sc_bundles>
